<compile_context>
chip_gen: v7x
topology: tpu7x:2x2x1
jax: 0.10.2.dev20260603
libtpu: 0.0.44.dev20260713+nightly
codegen_flags: <defaults>
</compile_context>

<pallas_src>
import functools

import jax
import jax.numpy as jnp
from jax import lax
from jax.experimental import pallas as pl
from jax.experimental.pallas import tpu as pltpu
from jax.experimental.pallas import tpu_sc as plsc

N = 10000
E = 320000
D = 128
HID = 16
HEADS = 8

NC = 2
NS = 16
NW = NC * NS
L = 16

CH = 128
NCHUNK = (E + CH - 1) // CH
GPT = (NCHUNK + NW - 1) // NW
EPAD = GPT * NW * CH
N_ACC = 10112
ROWS_PER_TILE = N_ACC // NS
SRC_W = 16 + HEADS * HID
ACC2_W = 16

_STRIPES = ((0, 128), (128, 128), (256, 128), (384, 128), (512, 120))


_TC_PARAMS = pltpu.CompilerParams(vmem_limit_bytes=100 * 1024 * 1024)
_SC_PARAMS = pltpu.CompilerParams(use_tc_tiling_on_sc=False)


def _lrelu(x):
    return jnp.maximum(x, 0.2 * x)


_GATHER_DN = lax.GatherDimensionNumbers(
    offset_dims=(), collapsed_slice_dims=(0,), start_index_map=(0,))


def _splat(v, h):
    idx = jnp.full((L, 1), h, jnp.int32)
    return lax.gather(v, idx, _GATHER_DN, (1,),
                      mode=lax.GatherScatterMode.PROMISE_IN_BOUNDS)


def _tc1_body(x_ref, w1_ref, asrc_ref, adst_ref, tsrc_ref, tdst_ref, mrow_ref):
    h = jnp.dot(x_ref[...], w1_ref[...], preferred_element_type=jnp.float32)
    h3 = h.reshape(N, HEADS, HID)
    a_s = (h3 * asrc_ref[...][None]).sum(-1)
    a_d = (h3 * adst_ref[...][None]).sum(-1)
    m = _lrelu(jnp.max(a_s, axis=0) + jnp.max(a_d, axis=0))
    z8 = jnp.zeros((N, 8), jnp.float32)
    tsrc_ref[...] = jnp.concatenate([a_s, z8, h], axis=1)
    tdst_ref[...] = jnp.concatenate([a_d, z8], axis=1)
    mrow_ref[...] = jnp.concatenate([m, m])


def _tc1(x, W1, att_src1, att_dst1):
    return pl.pallas_call(
        _tc1_body,
        compiler_params=_TC_PARAMS,
        out_shape=(
            jax.ShapeDtypeStruct((N, SRC_W), jnp.float32),
            jax.ShapeDtypeStruct((N, 16), jnp.float32),
            jax.ShapeDtypeStruct((16,), jnp.float32),
        ),
    )(x, W1, att_src1, att_dst1)


def _sc_mesh():
    return plsc.VectorSubcoreMesh(
        core_axis_name="c", subcore_axis_name="s", num_cores=NC, num_subcores=NS
    )


def _zero_rows(buf, width):
    def zrow(i, carry):
        for j in range(width // L):
            buf[i, pl.ds(L * j, L)] = jnp.zeros((L,), jnp.float32)
        return carry

    lax.fori_loop(0, CH, zrow, 0)


def _sc1_body(tsrc_hbm, tdst_hbm, src_hbm, dst_hbm, mrow_hbm, out_hbm,
              acc, srcrows0, dstrows0, sidx0, didx0, mvec, gsem0, hsem0):
    cid = lax.axis_index("c")
    sid = lax.axis_index("s")
    wid = sid * NC + cid
    slots = ((srcrows0, dstrows0, sidx0, didx0, gsem0, hsem0),)

    _zero_rows(srcrows0, SRC_W)
    base = sid * ROWS_PER_TILE
    for off, sz in _STRIPES:
        pltpu.sync_copy(srcrows0.at[pl.ds(0, sz)], acc.at[pl.ds(base + off, sz)])
    plsc.subcore_barrier()

    pltpu.sync_copy(mrow_hbm, mvec)
    mw = mvec[...]
    zerov = jnp.zeros((L,), jnp.float32)

    def valid(g):
        return g * NW + wid < NCHUNK

    def issue_gather(g, sl):
        sr, dr, si, di, gs, hs = sl
        b = (g * NW + wid) * CH
        pltpu.sync_copy(src_hbm.at[pl.ds(b, CH)], si)
        pltpu.sync_copy(dst_hbm.at[pl.ds(b, CH)], di)
        c1 = pltpu.async_copy(tsrc_hbm.at[si], sr, gs)
        c2 = pltpu.async_copy(tdst_hbm.at[di], dr, hs)
        return c1, c2

    def compute(sl):
        sr_ref, dr_ref, si, di, gs, hs = sl

        def edge(e4, ecarry):
            ws = []
            for k in range(4):
                e = e4 * 4 + k
                srv = sr_ref[e, pl.ds(0, L)]
                drv = dr_ref[e, pl.ds(0, L)]
                al = _lrelu(srv + drv)
                w = jnp.where(lax.iota(jnp.int32, L) < HEADS,
                              jnp.exp(al - mw), zerov)
                sr_ref[e, pl.ds(0, L)] = w
                ws.append(w)
            for k in range(4):
                e = e4 * 4 + k
                for h in range(HEADS):
                    wh = _splat(ws[k], h)
                    o = 16 + HID * h
                    sr_ref[e, pl.ds(o, L)] = sr_ref[e, pl.ds(o, L)] * wh
            return ecarry

        lax.fori_loop(0, CH // 4, edge, 0)

    def scatter(sl):
        sr, dr, si, di, gs, hs = sl
        pltpu.sync_copy(sr, acc.at[di], add=True)

    def chunk_body(g, carry):
        @pl.when(valid(g))
        def _():
            c1, c2 = issue_gather(g, slots[0])
            c1.wait()
            c2.wait()
            compute(slots[0])
            scatter(slots[0])
        return carry

    lax.fori_loop(0, GPT, chunk_body, 0)
    plsc.subcore_barrier()
    for off, sz in _STRIPES:
        pltpu.sync_copy(acc.at[pl.ds(base + off, sz)],
                        out_hbm.at[cid, pl.ds(base + off, sz)])


def _sc1(tsrc, tdst, src_p, dst_p, mrow):
    f = functools.partial(
        pl.kernel,
        out_type=jax.ShapeDtypeStruct((NC, N_ACC, SRC_W), jnp.float32),
        mesh=_sc_mesh(),
        compiler_params=_SC_PARAMS,
        scratch_types=[
            pltpu.VMEM_SHARED((N_ACC, SRC_W), jnp.float32),
            pltpu.VMEM((CH, SRC_W), jnp.float32),
            pltpu.VMEM((CH, 16), jnp.float32),
            pltpu.VMEM((CH,), jnp.int32),
            pltpu.VMEM((CH,), jnp.int32),
            pltpu.VMEM((L,), jnp.float32),
            pltpu.SemaphoreType.DMA,
            pltpu.SemaphoreType.DMA,
        ],
    )(_sc1_body)
    return f(tsrc, tdst, src_p, dst_p, mrow)


TC2_B = 2000


def _tc2_body(parts_ref, tsrc_ref, tdst_ref, mrow_ref, b1_ref, w2_ref,
              as2_ref, ad2_ref, tsrc2_ref, tdst2_ref, mrow2_ref):
    B = TC2_B
    step = pl.program_id(0)
    acc = parts_ref[0] + parts_ref[1]
    a_s = tsrc_ref[:, 0:8]
    h1 = tsrc_ref[:, 16:SRC_W]
    a_d = tdst_ref[:, 0:8]
    m1 = mrow_ref[pl.ds(0, 8)]
    wself = jnp.exp(_lrelu(a_s + a_d) - m1[None, :])
    wsum = acc[:, 0:8] + wself
    wself_r = jnp.broadcast_to(wself[:, :, None], (B, 8, HID)).reshape(B, D)
    wsum_r = jnp.broadcast_to(wsum[:, :, None], (B, 8, HID)).reshape(B, D)
    num = acc[:, 16:SRC_W] + wself_r * h1
    out1 = num / (wsum_r + 1e-16) + b1_ref[...][None, :]
    h2in = jnp.maximum(out1, 0.0)
    h2 = jnp.dot(h2in, w2_ref[...], preferred_element_type=jnp.float32)
    asv = as2_ref[...]
    adv = ad2_ref[...]
    as2 = h2[:, 0] * asv[0, 0] + h2[:, 1] * asv[0, 1]
    ad2 = h2[:, 0] * adv[0, 0] + h2[:, 1] * adv[0, 1]
    z13 = jnp.zeros((B, 13), jnp.float32)
    z15 = jnp.zeros((B, 15), jnp.float32)
    tsrc2_ref[...] = jnp.concatenate([as2[:, None], h2, z13], axis=1)
    tdst2_ref[...] = jnp.concatenate([ad2[:, None], z15], axis=1)
    cur = jnp.concatenate([jnp.full((8,), jnp.max(as2), jnp.float32),
                           jnp.full((8,), jnp.max(ad2), jnp.float32)])

    @pl.when(step == 0)
    def _():
        mrow2_ref[...] = cur

    @pl.when(step > 0)
    def _():
        mrow2_ref[...] = jnp.maximum(mrow2_ref[...], cur)


def _tc2(parts, tsrc, tdst, mrow, b1, W2, att_src2, att_dst2):
    B = TC2_B
    grid = N // B
    return pl.pallas_call(
        _tc2_body,
        compiler_params=_TC_PARAMS,
        grid=(grid,),
        in_specs=[
            pl.BlockSpec((2, B, SRC_W), lambda i: (0, i, 0)),
            pl.BlockSpec((B, SRC_W), lambda i: (i, 0)),
            pl.BlockSpec((B, 16), lambda i: (i, 0)),
            pl.BlockSpec((16,), lambda i: (0,)),
            pl.BlockSpec((D,), lambda i: (0,)),
            pl.BlockSpec((D, 2), lambda i: (0, 0)),
            pl.BlockSpec((1, 2), lambda i: (0, 0)),
            pl.BlockSpec((1, 2), lambda i: (0, 0)),
        ],
        out_specs=(
            pl.BlockSpec((B, 16), lambda i: (i, 0)),
            pl.BlockSpec((B, 16), lambda i: (i, 0)),
            pl.BlockSpec((16,), lambda i: (0,)),
        ),
        out_shape=(
            jax.ShapeDtypeStruct((N, 16), jnp.float32),
            jax.ShapeDtypeStruct((N, 16), jnp.float32),
            jax.ShapeDtypeStruct((16,), jnp.float32),
        ),
    )(parts, tsrc, tdst, mrow, b1, W2, att_src2, att_dst2)


def _sc2_body(tsrc2_hbm, tdst2_hbm, src_hbm, dst_hbm, mrow2_hbm, out_hbm,
              acc, srcrows, dstrows, sidx, didx, mvec, gsem, gsem2):
    cid = lax.axis_index("c")
    sid = lax.axis_index("s")
    wid = sid * NC + cid

    _zero_rows(srcrows, ACC2_W)
    base = sid * ROWS_PER_TILE
    for off, sz in _STRIPES:
        pltpu.sync_copy(srcrows.at[pl.ds(0, sz)], acc.at[pl.ds(base + off, sz)])
    plsc.subcore_barrier()

    pltpu.sync_copy(mrow2_hbm, mvec)
    mraw = mvec[...]
    m2 = _lrelu(_splat(mraw, 0) + _splat(mraw, 8))
    lane = lax.iota(jnp.int32, L)
    zero = jnp.zeros((L,), jnp.float32)
    one = jnp.ones((L,), jnp.float32)

    def chunk_body(g, carry):
        q = g * NW + wid

        @pl.when(q < NCHUNK)
        def _():
            b = q * CH
            pltpu.sync_copy(src_hbm.at[pl.ds(b, CH)], sidx)
            pltpu.sync_copy(dst_hbm.at[pl.ds(b, CH)], didx)
            c1 = pltpu.async_copy(tsrc2_hbm.at[sidx], srcrows, gsem)
            c2 = pltpu.async_copy(tdst2_hbm.at[didx], dstrows, gsem2)
            c1.wait()
            c2.wait()

            def edge(e8, ecarry):
                for k in range(8):
                    e = e8 * 8 + k
                    r = srcrows[e, pl.ds(0, L)]
                    dd = dstrows[e, pl.ds(0, L)]
                    v = r + dd
                    a0 = _splat(v, 0)
                    w = jnp.exp(_lrelu(a0) - m2)
                    basis = jnp.where(lane == 0, one,
                                      jnp.where(lane < 3, r, zero))
                    srcrows[e, pl.ds(0, L)] = w * basis
                return ecarry

            lax.fori_loop(0, CH // 8, edge, 0)
            pltpu.sync_copy(srcrows, acc.at[didx], add=True)

        return carry

    lax.fori_loop(0, GPT, chunk_body, 0)
    plsc.subcore_barrier()
    for off, sz in _STRIPES:
        pltpu.sync_copy(acc.at[pl.ds(base + off, sz)],
                        out_hbm.at[cid, pl.ds(base + off, sz)])


def _sc2(tsrc2, tdst2, src_p, dst_p, mrow2):
    f = functools.partial(
        pl.kernel,
        out_type=jax.ShapeDtypeStruct((NC, N_ACC, ACC2_W), jnp.float32),
        mesh=_sc_mesh(),
        compiler_params=_SC_PARAMS,
        scratch_types=[
            pltpu.VMEM_SHARED((N_ACC, ACC2_W), jnp.float32),
            pltpu.VMEM((CH, ACC2_W), jnp.float32),
            pltpu.VMEM((CH, 16), jnp.float32),
            pltpu.VMEM((CH,), jnp.int32),
            pltpu.VMEM((CH,), jnp.int32),
            pltpu.VMEM((L,), jnp.float32),
            pltpu.SemaphoreType.DMA,
            pltpu.SemaphoreType.DMA,
        ],
    )(_sc2_body)
    return f(tsrc2, tdst2, src_p, dst_p, mrow2)


def _tc3_body(parts2_ref, tsrc2_ref, tdst2_ref, mrow2_ref, b2_ref, out_ref):
    acc2 = parts2_ref[0, pl.ds(0, N)] + parts2_ref[1, pl.ds(0, N)]
    as2 = tsrc2_ref[:, 0]
    h2 = tsrc2_ref[:, 1:3]
    ad2 = tdst2_ref[:, 0]
    m2 = _lrelu(mrow2_ref[0] + mrow2_ref[8])
    wself = jnp.exp(_lrelu(as2 + ad2) - m2)
    wsum = acc2[:, 0] + wself
    num = acc2[:, 1:3] + wself[:, None] * h2
    out_ref[...] = num / (wsum[:, None] + 1e-16) + b2_ref[...][None, :]


def _tc3(parts2, tsrc2, tdst2, mrow2, b2):
    return pl.pallas_call(
        _tc3_body,
        compiler_params=_TC_PARAMS,
        out_shape=jax.ShapeDtypeStruct((N, 2), jnp.float32),
    )(parts2, tsrc2, tdst2, mrow2, b2)


def kernel(x, edge_index, W1, att_src1, att_dst1, b1, W2, att_src2, att_dst2, b2):
    src = edge_index[0]
    dst = edge_index[1]
    pad = EPAD - E
    src_p = jnp.concatenate([src, jnp.zeros((pad,), jnp.int32)])
    dst_p = jnp.concatenate([dst, jnp.full((pad,), N, jnp.int32)])

    tsrc, tdst, mrow = _tc1(x, W1, att_src1, att_dst1)
    parts = _sc1(tsrc, tdst, src_p, dst_p, mrow)
    tsrc2, tdst2, mrow2 = _tc2(parts, tsrc, tdst, mrow, b1, W2, att_src2, att_dst2)
    parts2 = _sc2(tsrc2, tdst2, src_p, dst_p, mrow2)
    return _tc3(parts2, tsrc2, tdst2, mrow2, b2)

# --- scband reference (transcript-rebuilt; emitter-appended) ---
"""Pipeline reference for scband-gatbase-61229053772380 (READ-ONLY COPY).

The authoritative reference and input builder live on the scoring server;
editing this copy changes nothing except your own understanding.
"""

import jax, jax.numpy as jnp
import numpy as np

N = 10000
E = 320000
D = 128
HID = 16
HEADS = 8


def setup_inputs(seed: int = 0) -> dict:
    key = jax.random.key(seed)
    ks = jax.random.split(key, 12)
    x = jax.random.normal(ks[0], (N, D), dtype=jnp.float32)
    edge_index = jax.random.randint(ks[1], (2, E), 0, N, dtype=jnp.int32)
    # GATConv layer 1: in=D, out=HID, heads=HEADS, concat=True
    W1 = jax.random.normal(ks[2], (D, HEADS * HID), dtype=jnp.float32) * (1.0 / np.sqrt(D))
    att_src1 = jax.random.normal(ks[3], (HEADS, HID), dtype=jnp.float32) * (1.0 / np.sqrt(HID))
    att_dst1 = jax.random.normal(ks[4], (HEADS, HID), dtype=jnp.float32) * (1.0 / np.sqrt(HID))
    b1 = jnp.zeros((HEADS * HID,), dtype=jnp.float32)
    # GATConv layer 2: in=HEADS*HID, out=2, heads=1
    W2 = jax.random.normal(ks[5], (HEADS * HID, 1 * 2), dtype=jnp.float32) * (1.0 / np.sqrt(HEADS * HID))
    att_src2 = jax.random.normal(ks[6], (1, 2), dtype=jnp.float32) * (1.0 / np.sqrt(2.0))
    att_dst2 = jax.random.normal(ks[7], (1, 2), dtype=jnp.float32) * (1.0 / np.sqrt(2.0))
    b2 = jnp.zeros((2,), dtype=jnp.float32)
    return {"x": x, "edge_index": edge_index, "W1": W1, "att_src1": att_src1, "att_dst1": att_dst1, "b1": b1, "W2": W2, "att_src2": att_src2, "att_dst2": att_dst2, "b2": b2}


def _gat_conv(x, edge_index, W, att_src, att_dst, bias, heads, out_ch):
    n = x.shape[0]
    # add self loops (PyG GATConv default add_self_loops=True)
    loops = jnp.arange(n, dtype=edge_index.dtype)
    ei = jnp.concatenate([edge_index, jnp.stack([loops, loops], axis=0)], axis=1)
    src, dst = ei[0], ei[1]
    h = (x @ W).reshape(n, heads, out_ch)
    a_src = (h * att_src[None, :, :]).sum(-1)  # [n, H]
    a_dst = (h * att_dst[None, :, :]).sum(-1)  # [n, H]
    alpha = a_src[src] + a_dst[dst]            # [E', H]
    alpha = jax.nn.leaky_relu(alpha, negative_slope=0.2)
    amax = jax.ops.segment_max(alpha, dst, num_segments=n)
    alpha = jnp.exp(alpha - amax[dst])
    asum = jax.ops.segment_sum(alpha, dst, num_segments=n)
    alpha = alpha / (asum[dst] + 1e-16)
    # dropout on attention coeffs is identity in eval mode
    msg = h[src] * alpha[:, :, None]           # [E', H, C]
    out = jax.ops.segment_sum(msg, dst, num_segments=n)
    return out.reshape(n, heads * out_ch) + bias


def reference(x, edge_index, W1, att_src1, att_dst1, b1, W2, att_src2, att_dst2, b2):
    h = jax.nn.relu(_gat_conv(x, edge_index, W1, att_src1, att_dst1, b1, HEADS, HID))
    # F.dropout is identity in eval mode
    out = _gat_conv(h, edge_index, W2, att_src2, att_dst2, b2, 1, 2)
    return out

if __name__ == "__main__":
    import jax
    _d = setup_inputs()
    print(jax.jit(kernel)(*tuple(_d.values())))

</pallas_src>

<mosaic_0001>
#map = affine_map<(d0, d1) -> (0, 0)>
#map1 = affine_map<(d0, d1) -> (0)>
#map2 = affine_map<(d0, d1) -> (0, 0, 0)>
module attributes {stable_mosaic.version = 14 : i64} {
  func.func @_sc1_body(%arg0: i32, %arg1: i32, %arg2: memref<10000x144xf32, #tpu.memory_space<hbm>>, %arg3: memref<10000x16xf32, #tpu.memory_space<hbm>>, %arg4: memref<323584xi32, #tpu.memory_space<hbm>>, %arg5: memref<323584xi32, #tpu.memory_space<hbm>>, %arg6: memref<16xf32, #tpu.memory_space<hbm>>, %arg7: memref<2x10112x144xf32, #tpu.memory_space<hbm>>, %arg8: memref<10112x144xf32, #tpu.memory_space<vmem_shared>>, %arg9: memref<128x144xf32, #tpu.memory_space<vmem>>, %arg10: memref<128x16xf32, #tpu.memory_space<vmem>>, %arg11: memref<128xi32, #tpu.memory_space<vmem>>, %arg12: memref<128xi32, #tpu.memory_space<vmem>>, %arg13: memref<16xf32, #tpu.memory_space<vmem>>, %arg14: memref<!tpu.dma_semaphore, #tpu.memory_space<semaphore_mem>>, %arg15: memref<!tpu.dma_semaphore, #tpu.memory_space<semaphore_mem>>) attributes {dimension_semantics = [#tpu.dimension_semantics<core_parallel>, #tpu.dimension_semantics<subcore_parallel>], iteration_bounds = array<i64: 2, 16>, scalar_prefetch = 0 : i64, scratch_operands = 8 : i64, tpu.core_type = #tpu.core_type<sc_vector_subcore>, window_params = [{transform_indices = #map}, {transform_indices = #map}, {transform_indices = #map1}, {transform_indices = #map1}, {transform_indices = #map1}, {transform_indices = #map2}]} {
    %mul3A = arith.constant 2 : i32
    %mul3A_0 = arith.muli %arg1, %mul3A : i32
    %add3A = arith.addi %mul3A_0, %arg0 : i32
    %scan3A = arith.constant 0 : i32
    %scan3A_1 = arith.constant 0 : i32
    %scan3A_2 = arith.constant 128 : i32
    %scan3A_3 = arith.addi %scan3A_1, %scan3A_2 : i32
    %scan3A_4 = arith.constant 1 : i32
    scf.for %scan3A_48 = %scan3A_1 to %scan3A_3 step %scan3A_4  : i32 {
      %broadcast_in_dim3A_49 = arith.constant 0.000000e+00 : f32
      %broadcast_in_dim3A_50 = vector.broadcast %broadcast_in_dim3A_49 : f32 to vector<16xf32>
      %swap3A = arith.index_cast %scan3A_48 : i32 to index
      %swap3A_51 = arith.constant 0 : index
      %swap3A_52 = tpu.vector_load %arg9[%swap3A, %swap3A_51] {strides = array<i32>} : memref<128x144xf32, #tpu.memory_space<vmem>>, vector<1x16xf32>,
      %swap3A_53 = vector.shape_cast %swap3A_52 : vector<1x16xf32> to vector<16xf32>
      %swap3A_54 = vector.shape_cast %broadcast_in_dim3A_50 : vector<16xf32> to vector<1x16xf32>
      tpu.vector_store %arg9[%swap3A, %swap3A_51], %swap3A_54 {strides = array<i32>} : memref<128x144xf32, #tpu.memory_space<vmem>>, vector<1x16xf32>,
      %broadcast_in_dim3A_55 = arith.constant 0.000000e+00 : f32
      %broadcast_in_dim3A_56 = vector.broadcast %broadcast_in_dim3A_55 : f32 to vector<16xf32>
      %swap3A_57 = arith.index_cast %scan3A_48 : i32 to index
      %swap3A_58 = arith.constant 16 : index
      %swap3A_59 = tpu.vector_load %arg9[%swap3A_57, %swap3A_58] {strides = array<i32>} : memref<128x144xf32, #tpu.memory_space<vmem>>, vector<1x16xf32>,
      %swap3A_60 = vector.shape_cast %swap3A_59 : vector<1x16xf32> to vector<16xf32>
      %swap3A_61 = vector.shape_cast %broadcast_in_dim3A_56 : vector<16xf32> to vector<1x16xf32>
      tpu.vector_store %arg9[%swap3A_57, %swap3A_58], %swap3A_61 {strides = array<i32>} : memref<128x144xf32, #tpu.memory_space<vmem>>, vector<1x16xf32>,
      %broadcast_in_dim3A_62 = arith.constant 0.000000e+00 : f32
      %broadcast_in_dim3A_63 = vector.broadcast %broadcast_in_dim3A_62 : f32 to vector<16xf32>
      %swap3A_64 = arith.index_cast %scan3A_48 : i32 to index
      %swap3A_65 = arith.constant 32 : index
      %swap3A_66 = tpu.vector_load %arg9[%swap3A_64, %swap3A_65] {strides = array<i32>} : memref<128x144xf32, #tpu.memory_space<vmem>>, vector<1x16xf32>,
      %swap3A_67 = vector.shape_cast %swap3A_66 : vector<1x16xf32> to vector<16xf32>
      %swap3A_68 = vector.shape_cast %broadcast_in_dim3A_63 : vector<16xf32> to vector<1x16xf32>
      tpu.vector_store %arg9[%swap3A_64, %swap3A_65], %swap3A_68 {strides = array<i32>} : memref<128x144xf32, #tpu.memory_space<vmem>>, vector<1x16xf32>,
      %broadcast_in_dim3A_69 = arith.constant 0.000000e+00 : f32
      %broadcast_in_dim3A_70 = vector.broadcast %broadcast_in_dim3A_69 : f32 to vector<16xf32>
      %swap3A_71 = arith.index_cast %scan3A_48 : i32 to index
      %swap3A_72 = arith.constant 48 : index
      %swap3A_73 = tpu.vector_load %arg9[%swap3A_71, %swap3A_72] {strides = array<i32>} : memref<128x144xf32, #tpu.memory_space<vmem>>, vector<1x16xf32>,
      %swap3A_74 = vector.shape_cast %swap3A_73 : vector<1x16xf32> to vector<16xf32>
      %swap3A_75 = vector.shape_cast %broadcast_in_dim3A_70 : vector<16xf32> to vector<1x16xf32>
      tpu.vector_store %arg9[%swap3A_71, %swap3A_72], %swap3A_75 {strides = array<i32>} : memref<128x144xf32, #tpu.memory_space<vmem>>, vector<1x16xf32>,
      %broadcast_in_dim3A_76 = arith.constant 0.000000e+00 : f32
      %broadcast_in_dim3A_77 = vector.broadcast %broadcast_in_dim3A_76 : f32 to vector<16xf32>
      %swap3A_78 = arith.index_cast %scan3A_48 : i32 to index
      %swap3A_79 = arith.constant 64 : index
      %swap3A_80 = tpu.vector_load %arg9[%swap3A_78, %swap3A_79] {strides = array<i32>} : memref<128x144xf32, #tpu.memory_space<vmem>>, vector<1x16xf32>,
      %swap3A_81 = vector.shape_cast %swap3A_80 : vector<1x16xf32> to vector<16xf32>
      %swap3A_82 = vector.shape_cast %broadcast_in_dim3A_77 : vector<16xf32> to vector<1x16xf32>
      tpu.vector_store %arg9[%swap3A_78, %swap3A_79], %swap3A_82 {strides = array<i32>} : memref<128x144xf32, #tpu.memory_space<vmem>>, vector<1x16xf32>,
      %broadcast_in_dim3A_83 = arith.constant 0.000000e+00 : f32
      %broadcast_in_dim3A_84 = vector.broadcast %broadcast_in_dim3A_83 : f32 to vector<16xf32>
      %swap3A_85 = arith.index_cast %scan3A_48 : i32 to index
      %swap3A_86 = arith.constant 80 : index
      %swap3A_87 = tpu.vector_load %arg9[%swap3A_85, %swap3A_86] {strides = array<i32>} : memref<128x144xf32, #tpu.memory_space<vmem>>, vector<1x16xf32>,
      %swap3A_88 = vector.shape_cast %swap3A_87 : vector<1x16xf32> to vector<16xf32>
      %swap3A_89 = vector.shape_cast %broadcast_in_dim3A_84 : vector<16xf32> to vector<1x16xf32>
      tpu.vector_store %arg9[%swap3A_85, %swap3A_86], %swap3A_89 {strides = array<i32>} : memref<128x144xf32, #tpu.memory_space<vmem>>, vector<1x16xf32>,
      %broadcast_in_dim3A_90 = arith.constant 0.000000e+00 : f32
      %broadcast_in_dim3A_91 = vector.broadcast %broadcast_in_dim3A_90 : f32 to vector<16xf32>
      %swap3A_92 = arith.index_cast %scan3A_48 : i32 to index
      %swap3A_93 = arith.constant 96 : index
      %swap3A_94 = tpu.vector_load %arg9[%swap3A_92, %swap3A_93] {strides = array<i32>} : memref<128x144xf32, #tpu.memory_space<vmem>>, vector<1x16xf32>,
      %swap3A_95 = vector.shape_cast %swap3A_94 : vector<1x16xf32> to vector<16xf32>
      %swap3A_96 = vector.shape_cast %broadcast_in_dim3A_91 : vector<16xf32> to vector<1x16xf32>
      tpu.vector_store %arg9[%swap3A_92, %swap3A_93], %swap3A_96 {strides = array<i32>} : memref<128x144xf32, #tpu.memory_space<vmem>>, vector<1x16xf32>,
      %broadcast_in_dim3A_97 = arith.constant 0.000000e+00 : f32
      %broadcast_in_dim3A_98 = vector.broadcast %broadcast_in_dim3A_97 : f32 to vector<16xf32>
      %swap3A_99 = arith.index_cast %scan3A_48 : i32 to index
      %swap3A_100 = arith.constant 112 : index
      %swap3A_101 = tpu.vector_load %arg9[%swap3A_99, %swap3A_100] {strides = array<i32>} : memref<128x144xf32, #tpu.memory_space<vmem>>, vector<1x16xf32>,
      %swap3A_102 = vector.shape_cast %swap3A_101 : vector<1x16xf32> to vector<16xf32>
      %swap3A_103 = vector.shape_cast %broadcast_in_dim3A_98 : vector<16xf32> to vector<1x16xf32>
      tpu.vector_store %arg9[%swap3A_99, %swap3A_100], %swap3A_103 {strides = array<i32>} : memref<128x144xf32, #tpu.memory_space<vmem>>, vector<1x16xf32>,
      %broadcast_in_dim3A_104 = arith.constant 0.000000e+00 : f32
      %broadcast_in_dim3A_105 = vector.broadcast %broadcast_in_dim3A_104 : f32 to vector<16xf32>
      %swap3A_106 = arith.index_cast %scan3A_48 : i32 to index
      %swap3A_107 = arith.constant 128 : index
      %swap3A_108 = tpu.vector_load %arg9[%swap3A_106, %swap3A_107] {strides = array<i32>} : memref<128x144xf32, #tpu.memory_space<vmem>>, vector<1x16xf32>,
      %swap3A_109 = vector.shape_cast %swap3A_108 : vector<1x16xf32> to vector<16xf32>
      %swap3A_110 = vector.shape_cast %broadcast_in_dim3A_105 : vector<16xf32> to vector<1x16xf32>
      tpu.vector_store %arg9[%swap3A_106, %swap3A_107], %swap3A_110 {strides = array<i32>} : memref<128x144xf32, #tpu.memory_space<vmem>>, vector<1x16xf32>,
    }
    %scan3A_5 = arith.constant 128 : i32
    %mul3A_6 = arith.constant 632 : i32
    %mul3A_7 = arith.muli %arg1, %mul3A_6 : i32
    %add3A_8 = arith.constant 0 : i32
    %add3A_9 = arith.addi %mul3A_7, %add3A_8 : i32
    "tpu.region"() ({
      %run_scoped3A = tpu.sem_alloc : memref<!tpu.dma_semaphore, #tpu.memory_space<semaphore_mem>>
      %dma_start3A = arith.constant 0 : i32
      %dma_start3A_48 = arith.constant 0 : i32
      %dma_start3A_49 = tpu.memref_slice %arg9[%dma_start3A, %dma_start3A_48] : memref<128x144xf32, #tpu.memory_space<vmem>> -> memref<128x144xf32, #tpu.memory_space<vmem>>
      %dma_start3A_50 = arith.constant 0 : i32
      %dma_start3A_51 = tpu.memref_slice %arg8[%add3A_9, %dma_start3A_50] : memref<10112x144xf32, #tpu.memory_space<vmem_shared>> -> memref<128x144xf32, #tpu.memory_space<vmem_shared>>
      %dma_start3A_52 = arith.constant 0 : i32
      %dma_start3A_53 = tpu.memref_slice %arg8[%add3A_9, %dma_start3A_52] : memref<10112x144xf32, #tpu.memory_space<vmem_shared>> -> memref<128x144xf32, #tpu.memory_space<vmem_shared>>
      %dma_start3A_54 = arith.constant 0 : i32
      %dma_start3A_55 = arith.constant 0 : i32
      %dma_start3A_56 = tpu.memref_slice %arg9[%dma_start3A_54, %dma_start3A_55] : memref<128x144xf32, #tpu.memory_space<vmem>> -> memref<128x144xf32, #tpu.memory_space<vmem>>
      tpu.enqueue_dma source(%dma_start3A_56 : memref<128x144xf32, #tpu.memory_space<vmem>>) target(%dma_start3A_53 : memref<128x144xf32, #tpu.memory_space<vmem_shared>>) target_semaphore(%run_scoped3A : memref<!tpu.dma_semaphore, #tpu.memory_space<semaphore_mem>>)
      %dma_wait3A = arith.constant 0 : i32
      %dma_wait3A_57 = arith.constant 0 : i32
      %dma_wait3A_58 = tpu.memref_slice %arg9[%dma_wait3A, %dma_wait3A_57] : memref<128x144xf32, #tpu.memory_space<vmem>> -> memref<128x144xf32, #tpu.memory_space<vmem>>
      %dma_wait3A_59 = arith.constant 0 : i32
      %dma_wait3A_60 = tpu.memref_slice %arg8[%add3A_9, %dma_wait3A_59] : memref<10112x144xf32, #tpu.memory_space<vmem_shared>> -> memref<128x144xf32, #tpu.memory_space<vmem_shared>>
      %dma_wait3A_61 = arith.constant 0 : i32
      %dma_wait3A_62 = tpu.memref_slice %arg8[%add3A_9, %dma_wait3A_61] : memref<10112x144xf32, #tpu.memory_space<vmem_shared>> -> memref<128x144xf32, #tpu.memory_space<vmem_shared>>
      %dma_wait3A_63 = arith.constant 0 : i32
      %dma_wait3A_64 = arith.constant 0 : i32
      %dma_wait3A_65 = tpu.memref_slice %arg9[%dma_wait3A_63, %dma_wait3A_64] : memref<128x144xf32, #tpu.memory_space<vmem>> -> memref<128x144xf32, #tpu.memory_space<vmem>>
      tpu.wait_dma2 semaphore(%run_scoped3A : memref<!tpu.dma_semaphore, #tpu.memory_space<semaphore_mem>>) src(%dma_wait3A_65 : memref<128x144xf32, #tpu.memory_space<vmem>>) dst(%dma_wait3A_62 : memref<128x144xf32, #tpu.memory_space<vmem_shared>>)
      tpu.yield
    }) : () -> ()
    %add3A_10 = arith.constant 128 : i32
    %add3A_11 = arith.addi %mul3A_7, %add3A_10 : i32
    "tpu.region"() ({
      %run_scoped3A = tpu.sem_alloc : memref<!tpu.dma_semaphore, #tpu.memory_space<semaphore_mem>>
      %dma_start3A = arith.constant 0 : i32
      %dma_start3A_48 = arith.constant 0 : i32
      %dma_start3A_49 = tpu.memref_slice %arg9[%dma_start3A, %dma_start3A_48] : memref<128x144xf32, #tpu.memory_space<vmem>> -> memref<128x144xf32, #tpu.memory_space<vmem>>
      %dma_start3A_50 = arith.constant 0 : i32
      %dma_start3A_51 = tpu.memref_slice %arg8[%add3A_11, %dma_start3A_50] : memref<10112x144xf32, #tpu.memory_space<vmem_shared>> -> memref<128x144xf32, #tpu.memory_space<vmem_shared>>
      %dma_start3A_52 = arith.constant 0 : i32
      %dma_start3A_53 = tpu.memref_slice %arg8[%add3A_11, %dma_start3A_52] : memref<10112x144xf32, #tpu.memory_space<vmem_shared>> -> memref<128x144xf32, #tpu.memory_space<vmem_shared>>
      %dma_start3A_54 = arith.constant 0 : i32
      %dma_start3A_55 = arith.constant 0 : i32
      %dma_start3A_56 = tpu.memref_slice %arg9[%dma_start3A_54, %dma_start3A_55] : memref<128x144xf32, #tpu.memory_space<vmem>> -> memref<128x144xf32, #tpu.memory_space<vmem>>
      tpu.enqueue_dma source(%dma_start3A_56 : memref<128x144xf32, #tpu.memory_space<vmem>>) target(%dma_start3A_53 : memref<128x144xf32, #tpu.memory_space<vmem_shared>>) target_semaphore(%run_scoped3A : memref<!tpu.dma_semaphore, #tpu.memory_space<semaphore_mem>>)
      %dma_wait3A = arith.constant 0 : i32
      %dma_wait3A_57 = arith.constant 0 : i32
      %dma_wait3A_58 = tpu.memref_slice %arg9[%dma_wait3A, %dma_wait3A_57] : memref<128x144xf32, #tpu.memory_space<vmem>> -> memref<128x144xf32, #tpu.memory_space<vmem>>
      %dma_wait3A_59 = arith.constant 0 : i32
      %dma_wait3A_60 = tpu.memref_slice %arg8[%add3A_11, %dma_wait3A_59] : memref<10112x144xf32, #tpu.memory_space<vmem_shared>> -> memref<128x144xf32, #tpu.memory_space<vmem_shared>>
      %dma_wait3A_61 = arith.constant 0 : i32
      %dma_wait3A_62 = tpu.memref_slice %arg8[%add3A_11, %dma_wait3A_61] : memref<10112x144xf32, #tpu.memory_space<vmem_shared>> -> memref<128x144xf32, #tpu.memory_space<vmem_shared>>
      %dma_wait3A_63 = arith.constant 0 : i32
      %dma_wait3A_64 = arith.constant 0 : i32
      %dma_wait3A_65 = tpu.memref_slice %arg9[%dma_wait3A_63, %dma_wait3A_64] : memref<128x144xf32, #tpu.memory_space<vmem>> -> memref<128x144xf32, #tpu.memory_space<vmem>>
      tpu.wait_dma2 semaphore(%run_scoped3A : memref<!tpu.dma_semaphore, #tpu.memory_space<semaphore_mem>>) src(%dma_wait3A_65 : memref<128x144xf32, #tpu.memory_space<vmem>>) dst(%dma_wait3A_62 : memref<128x144xf32, #tpu.memory_space<vmem_shared>>)
      tpu.yield
    }) : () -> ()
    %add3A_12 = arith.constant 256 : i32
    %add3A_13 = arith.addi %mul3A_7, %add3A_12 : i32
    "tpu.region"() ({
      %run_scoped3A = tpu.sem_alloc : memref<!tpu.dma_semaphore, #tpu.memory_space<semaphore_mem>>
      %dma_start3A = arith.constant 0 : i32
      %dma_start3A_48 = arith.constant 0 : i32
      %dma_start3A_49 = tpu.memref_slice %arg9[%dma_start3A, %dma_start3A_48] : memref<128x144xf32, #tpu.memory_space<vmem>> -> memref<128x144xf32, #tpu.memory_space<vmem>>
      %dma_start3A_50 = arith.constant 0 : i32
      %dma_start3A_51 = tpu.memref_slice %arg8[%add3A_13, %dma_start3A_50] : memref<10112x144xf32, #tpu.memory_space<vmem_shared>> -> memref<128x144xf32, #tpu.memory_space<vmem_shared>>
      %dma_start3A_52 = arith.constant 0 : i32
      %dma_start3A_53 = tpu.memref_slice %arg8[%add3A_13, %dma_start3A_52] : memref<10112x144xf32, #tpu.memory_space<vmem_shared>> -> memref<128x144xf32, #tpu.memory_space<vmem_shared>>
      %dma_start3A_54 = arith.constant 0 : i32
      %dma_start3A_55 = arith.constant 0 : i32
      %dma_start3A_56 = tpu.memref_slice %arg9[%dma_start3A_54, %dma_start3A_55] : memref<128x144xf32, #tpu.memory_space<vmem>> -> memref<128x144xf32, #tpu.memory_space<vmem>>
      tpu.enqueue_dma source(%dma_start3A_56 : memref<128x144xf32, #tpu.memory_space<vmem>>) target(%dma_start3A_53 : memref<128x144xf32, #tpu.memory_space<vmem_shared>>) target_semaphore(%run_scoped3A : memref<!tpu.dma_semaphore, #tpu.memory_space<semaphore_mem>>)
      %dma_wait3A = arith.constant 0 : i32
      %dma_wait3A_57 = arith.constant 0 : i32
      %dma_wait3A_58 = tpu.memref_slice %arg9[%dma_wait3A, %dma_wait3A_57] : memref<128x144xf32, #tpu.memory_space<vmem>> -> memref<128x144xf32, #tpu.memory_space<vmem>>
      %dma_wait3A_59 = arith.constant 0 : i32
      %dma_wait3A_60 = tpu.memref_slice %arg8[%add3A_13, %dma_wait3A_59] : memref<10112x144xf32, #tpu.memory_space<vmem_shared>> -> memref<128x144xf32, #tpu.memory_space<vmem_shared>>
      %dma_wait3A_61 = arith.constant 0 : i32
      %dma_wait3A_62 = tpu.memref_slice %arg8[%add3A_13, %dma_wait3A_61] : memref<10112x144xf32, #tpu.memory_space<vmem_shared>> -> memref<128x144xf32, #tpu.memory_space<vmem_shared>>
      %dma_wait3A_63 = arith.constant 0 : i32
      %dma_wait3A_64 = arith.constant 0 : i32
      %dma_wait3A_65 = tpu.memref_slice %arg9[%dma_wait3A_63, %dma_wait3A_64] : memref<128x144xf32, #tpu.memory_space<vmem>> -> memref<128x144xf32, #tpu.memory_space<vmem>>
      tpu.wait_dma2 semaphore(%run_scoped3A : memref<!tpu.dma_semaphore, #tpu.memory_space<semaphore_mem>>) src(%dma_wait3A_65 : memref<128x144xf32, #tpu.memory_space<vmem>>) dst(%dma_wait3A_62 : memref<128x144xf32, #tpu.memory_space<vmem_shared>>)
      tpu.yield
    }) : () -> ()
    %add3A_14 = arith.constant 384 : i32
    %add3A_15 = arith.addi %mul3A_7, %add3A_14 : i32
    "tpu.region"() ({
      %run_scoped3A = tpu.sem_alloc : memref<!tpu.dma_semaphore, #tpu.memory_space<semaphore_mem>>
      %dma_start3A = arith.constant 0 : i32
      %dma_start3A_48 = arith.constant 0 : i32
      %dma_start3A_49 = tpu.memref_slice %arg9[%dma_start3A, %dma_start3A_48] : memref<128x144xf32, #tpu.memory_space<vmem>> -> memref<128x144xf32, #tpu.memory_space<vmem>>
      %dma_start3A_50 = arith.constant 0 : i32
      %dma_start3A_51 = tpu.memref_slice %arg8[%add3A_15, %dma_start3A_50] : memref<10112x144xf32, #tpu.memory_space<vmem_shared>> -> memref<128x144xf32, #tpu.memory_space<vmem_shared>>
      %dma_start3A_52 = arith.constant 0 : i32
      %dma_start3A_53 = tpu.memref_slice %arg8[%add3A_15, %dma_start3A_52] : memref<10112x144xf32, #tpu.memory_space<vmem_shared>> -> memref<128x144xf32, #tpu.memory_space<vmem_shared>>
      %dma_start3A_54 = arith.constant 0 : i32
      %dma_start3A_55 = arith.constant 0 : i32
      %dma_start3A_56 = tpu.memref_slice %arg9[%dma_start3A_54, %dma_start3A_55] : memref<128x144xf32, #tpu.memory_space<vmem>> -> memref<128x144xf32, #tpu.memory_space<vmem>>
      tpu.enqueue_dma source(%dma_start3A_56 : memref<128x144xf32, #tpu.memory_space<vmem>>) target(%dma_start3A_53 : memref<128x144xf32, #tpu.memory_space<vmem_shared>>) target_semaphore(%run_scoped3A : memref<!tpu.dma_semaphore, #tpu.memory_space<semaphore_mem>>)
      %dma_wait3A = arith.constant 0 : i32
      %dma_wait3A_57 = arith.constant 0 : i32
      %dma_wait3A_58 = tpu.memref_slice %arg9[%dma_wait3A, %dma_wait3A_57] : memref<128x144xf32, #tpu.memory_space<vmem>> -> memref<128x144xf32, #tpu.memory_space<vmem>>
      %dma_wait3A_59 = arith.constant 0 : i32
      %dma_wait3A_60 = tpu.memref_slice %arg8[%add3A_15, %dma_wait3A_59] : memref<10112x144xf32, #tpu.memory_space<vmem_shared>> -> memref<128x144xf32, #tpu.memory_space<vmem_shared>>
      %dma_wait3A_61 = arith.constant 0 : i32
      %dma_wait3A_62 = tpu.memref_slice %arg8[%add3A_15, %dma_wait3A_61] : memref<10112x144xf32, #tpu.memory_space<vmem_shared>> -> memref<128x144xf32, #tpu.memory_space<vmem_shared>>
      %dma_wait3A_63 = arith.constant 0 : i32
      %dma_wait3A_64 = arith.constant 0 : i32
      %dma_wait3A_65 = tpu.memref_slice %arg9[%dma_wait3A_63, %dma_wait3A_64] : memref<128x144xf32, #tpu.memory_space<vmem>> -> memref<128x144xf32, #tpu.memory_space<vmem>>
      tpu.wait_dma2 semaphore(%run_scoped3A : memref<!tpu.dma_semaphore, #tpu.memory_space<semaphore_mem>>) src(%dma_wait3A_65 : memref<128x144xf32, #tpu.memory_space<vmem>>) dst(%dma_wait3A_62 : memref<128x144xf32, #tpu.memory_space<vmem_shared>>)
      tpu.yield
    }) : () -> ()
    %add3A_16 = arith.constant 512 : i32
    %add3A_17 = arith.addi %mul3A_7, %add3A_16 : i32
    "tpu.region"() ({
      %run_scoped3A = tpu.sem_alloc : memref<!tpu.dma_semaphore, #tpu.memory_space<semaphore_mem>>
      %dma_start3A = arith.constant 0 : i32
      %dma_start3A_48 = arith.constant 0 : i32
      %dma_start3A_49 = tpu.memref_slice %arg9[%dma_start3A, %dma_start3A_48] : memref<128x144xf32, #tpu.memory_space<vmem>> -> memref<120x144xf32, #tpu.memory_space<vmem>>
      %dma_start3A_50 = arith.constant 0 : i32
      %dma_start3A_51 = tpu.memref_slice %arg8[%add3A_17, %dma_start3A_50] : memref<10112x144xf32, #tpu.memory_space<vmem_shared>> -> memref<120x144xf32, #tpu.memory_space<vmem_shared>>
      %dma_start3A_52 = arith.constant 0 : i32
      %dma_start3A_53 = tpu.memref_slice %arg8[%add3A_17, %dma_start3A_52] : memref<10112x144xf32, #tpu.memory_space<vmem_shared>> -> memref<120x144xf32, #tpu.memory_space<vmem_shared>>
      %dma_start3A_54 = arith.constant 0 : i32
      %dma_start3A_55 = arith.constant 0 : i32
      %dma_start3A_56 = tpu.memref_slice %arg9[%dma_start3A_54, %dma_start3A_55] : memref<128x144xf32, #tpu.memory_space<vmem>> -> memref<120x144xf32, #tpu.memory_space<vmem>>
      tpu.enqueue_dma source(%dma_start3A_56 : memref<120x144xf32, #tpu.memory_space<vmem>>) target(%dma_start3A_53 : memref<120x144xf32, #tpu.memory_space<vmem_shared>>) target_semaphore(%run_scoped3A : memref<!tpu.dma_semaphore, #tpu.memory_space<semaphore_mem>>)
      %dma_wait3A = arith.constant 0 : i32
      %dma_wait3A_57 = arith.constant 0 : i32
      %dma_wait3A_58 = tpu.memref_slice %arg9[%dma_wait3A, %dma_wait3A_57] : memref<128x144xf32, #tpu.memory_space<vmem>> -> memref<120x144xf32, #tpu.memory_space<vmem>>
      %dma_wait3A_59 = arith.constant 0 : i32
      %dma_wait3A_60 = tpu.memref_slice %arg8[%add3A_17, %dma_wait3A_59] : memref<10112x144xf32, #tpu.memory_space<vmem_shared>> -> memref<120x144xf32, #tpu.memory_space<vmem_shared>>
      %dma_wait3A_61 = arith.constant 0 : i32
      %dma_wait3A_62 = tpu.memref_slice %arg8[%add3A_17, %dma_wait3A_61] : memref<10112x144xf32, #tpu.memory_space<vmem_shared>> -> memref<120x144xf32, #tpu.memory_space<vmem_shared>>
      %dma_wait3A_63 = arith.constant 0 : i32
      %dma_wait3A_64 = arith.constant 0 : i32
      %dma_wait3A_65 = tpu.memref_slice %arg9[%dma_wait3A_63, %dma_wait3A_64] : memref<128x144xf32, #tpu.memory_space<vmem>> -> memref<120x144xf32, #tpu.memory_space<vmem>>
      tpu.wait_dma2 semaphore(%run_scoped3A : memref<!tpu.dma_semaphore, #tpu.memory_space<semaphore_mem>>) src(%dma_wait3A_65 : memref<120x144xf32, #tpu.memory_space<vmem>>) dst(%dma_wait3A_62 : memref<120x144xf32, #tpu.memory_space<vmem_shared>>)
      tpu.yield
    }) : () -> ()
    %barrier3A = arith.constant 0 : index
    tpu.barrier barrier_id(%barrier3A)
    "tpu.region"() ({
      %run_scoped3A = tpu.sem_alloc : memref<!tpu.dma_semaphore, #tpu.memory_space<semaphore_mem>>
      tpu.enqueue_dma source(%arg6 : memref<16xf32, #tpu.memory_space<hbm>>) target(%arg13 : memref<16xf32, #tpu.memory_space<vmem>>) target_semaphore(%run_scoped3A : memref<!tpu.dma_semaphore, #tpu.memory_space<semaphore_mem>>)
      tpu.wait_dma2 semaphore(%run_scoped3A : memref<!tpu.dma_semaphore, #tpu.memory_space<semaphore_mem>>) src(%arg6 : memref<16xf32, #tpu.memory_space<hbm>>) dst(%arg13 : memref<16xf32, #tpu.memory_space<vmem>>)
      tpu.yield
    }) : () -> ()
    %get3A = arith.constant 0 : index
    %get3A_18 = tpu.vector_load %arg13[%get3A] {strides = array<i32>} : memref<16xf32, #tpu.memory_space<vmem>>, vector<16xf32>,
    %get3A_19 = vector.shape_cast %get3A_18 : vector<16xf32> to vector<16xf32>
    %broadcast_in_dim3A = arith.constant 0.000000e+00 : f32
    %broadcast_in_dim3A_20 = vector.broadcast %broadcast_in_dim3A : f32 to vector<16xf32>
    %scan3A_21 = arith.constant 0 : i32
    %scan3A_22 = arith.constant 0 : i32
    %scan3A_23 = arith.constant 79 : i32
    %scan3A_24 = arith.addi %scan3A_22, %scan3A_23 : i32
    %scan3A_25 = arith.constant 1 : i32
    scf.for %scan3A_48 = %scan3A_22 to %scan3A_24 step %scan3A_25  : i32 {
      %mul3A_49 = arith.constant 32 : i32
      %mul3A_50 = arith.muli %scan3A_48, %mul3A_49 : i32
      %add3A_51 = arith.addi %mul3A_50, %add3A : i32
      %lt3A = arith.constant 2500 : i32
      %lt3A_52 = arith.cmpi slt, %add3A_51, %lt3A : i32
      %convert_element_type3A = arith.extui %lt3A_52 : i1 to i32
      %cond3A = arith.constant 0 : i32
      %cond3A_53 = arith.cmpi ne, %convert_element_type3A, %cond3A : i32
      scf.if %cond3A_53 {
        %mul3A_54 = arith.constant 32 : i32
        %mul3A_55 = arith.muli %scan3A_48, %mul3A_54 : i32
        %add3A_56 = arith.addi %mul3A_55, %add3A : i32
        %mul3A_57 = arith.constant 128 : i32
        %mul3A_58 = arith.muli %add3A_56, %mul3A_57 : i32
        "tpu.region"() ({
          %run_scoped3A = tpu.sem_alloc : memref<!tpu.dma_semaphore, #tpu.memory_space<semaphore_mem>>
          %dma_start3A_75 = tpu.memref_slice %arg4[%mul3A_58] : memref<323584xi32, #tpu.memory_space<hbm>> -> memref<128xi32, #tpu.memory_space<hbm>>
          %dma_start3A_76 = tpu.memref_slice %arg4[%mul3A_58] : memref<323584xi32, #tpu.memory_space<hbm>> -> memref<128xi32, #tpu.memory_space<hbm>>
          tpu.enqueue_dma source(%dma_start3A_76 : memref<128xi32, #tpu.memory_space<hbm>>) target(%arg11 : memref<128xi32, #tpu.memory_space<vmem>>) target_semaphore(%run_scoped3A : memref<!tpu.dma_semaphore, #tpu.memory_space<semaphore_mem>>)
          %dma_wait3A_77 = tpu.memref_slice %arg4[%mul3A_58] : memref<323584xi32, #tpu.memory_space<hbm>> -> memref<128xi32, #tpu.memory_space<hbm>>
          %dma_wait3A_78 = tpu.memref_slice %arg4[%mul3A_58] : memref<323584xi32, #tpu.memory_space<hbm>> -> memref<128xi32, #tpu.memory_space<hbm>>
          tpu.wait_dma2 semaphore(%run_scoped3A : memref<!tpu.dma_semaphore, #tpu.memory_space<semaphore_mem>>) src(%dma_wait3A_78 : memref<128xi32, #tpu.memory_space<hbm>>) dst(%arg11 : memref<128xi32, #tpu.memory_space<vmem>>)
          tpu.yield
        }) : () -> ()
        "tpu.region"() ({
          %run_scoped3A = tpu.sem_alloc : memref<!tpu.dma_semaphore, #tpu.memory_space<semaphore_mem>>
          %dma_start3A_75 = tpu.memref_slice %arg5[%mul3A_58] : memref<323584xi32, #tpu.memory_space<hbm>> -> memref<128xi32, #tpu.memory_space<hbm>>
          %dma_start3A_76 = tpu.memref_slice %arg5[%mul3A_58] : memref<323584xi32, #tpu.memory_space<hbm>> -> memref<128xi32, #tpu.memory_space<hbm>>
          tpu.enqueue_dma source(%dma_start3A_76 : memref<128xi32, #tpu.memory_space<hbm>>) target(%arg12 : memref<128xi32, #tpu.memory_space<vmem>>) target_semaphore(%run_scoped3A : memref<!tpu.dma_semaphore, #tpu.memory_space<semaphore_mem>>)
          %dma_wait3A_77 = tpu.memref_slice %arg5[%mul3A_58] : memref<323584xi32, #tpu.memory_space<hbm>> -> memref<128xi32, #tpu.memory_space<hbm>>
          %dma_wait3A_78 = tpu.memref_slice %arg5[%mul3A_58] : memref<323584xi32, #tpu.memory_space<hbm>> -> memref<128xi32, #tpu.memory_space<hbm>>
          tpu.wait_dma2 semaphore(%run_scoped3A : memref<!tpu.dma_semaphore, #tpu.memory_space<semaphore_mem>>) src(%dma_wait3A_78 : memref<128xi32, #tpu.memory_space<hbm>>) dst(%arg12 : memref<128xi32, #tpu.memory_space<vmem>>)
          tpu.yield
        }) : () -> ()
        %dma_start3A = arith.constant 0 : i32
        %dma_start3A_59 = arith.constant 0 : i32
        %dma_start3A_60 = tpu.memref_slice %arg2[%dma_start3A, %dma_start3A_59] : memref<10000x144xf32, #tpu.memory_space<hbm>> -> memref<10000x144xf32, #tpu.memory_space<hbm>>
        tpu.enqueue_indirect_dma source(%dma_start3A_60 : memref<10000x144xf32, #tpu.memory_space<hbm>>) target(%arg9 : memref<128x144xf32, #tpu.memory_space<vmem>>) offsets(%arg11 : memref<128xi32, #tpu.memory_space<vmem>>) semaphore(%arg14 : memref<!tpu.dma_semaphore, #tpu.memory_space<semaphore_mem>>)
        %dma_start3A_61 = arith.constant 0 : i32
        %dma_start3A_62 = arith.constant 0 : i32
        %dma_start3A_63 = tpu.memref_slice %arg3[%dma_start3A_61, %dma_start3A_62] : memref<10000x16xf32, #tpu.memory_space<hbm>> -> memref<10000x16xf32, #tpu.memory_space<hbm>>
        tpu.enqueue_indirect_dma source(%dma_start3A_63 : memref<10000x16xf32, #tpu.memory_space<hbm>>) target(%arg10 : memref<128x16xf32, #tpu.memory_space<vmem>>) offsets(%arg12 : memref<128xi32, #tpu.memory_space<vmem>>) semaphore(%arg15 : memref<!tpu.dma_semaphore, #tpu.memory_space<semaphore_mem>>)
        %dma_wait3A = arith.constant 0 : i32
        %dma_wait3A_64 = arith.constant 0 : i32
        %dma_wait3A_65 = tpu.memref_slice %arg2[%dma_wait3A, %dma_wait3A_64] : memref<10000x144xf32, #tpu.memory_space<hbm>> -> memref<10000x144xf32, #tpu.memory_space<hbm>>
        tpu.wait_indirect_dma semaphore(%arg14 : memref<!tpu.dma_semaphore, #tpu.memory_space<semaphore_mem>>) src(%dma_wait3A_65 : memref<10000x144xf32, #tpu.memory_space<hbm>>) dst(%arg9 : memref<128x144xf32, #tpu.memory_space<vmem>>)
        %dma_wait3A_66 = arith.constant 0 : i32
        %dma_wait3A_67 = arith.constant 0 : i32
        %dma_wait3A_68 = tpu.memref_slice %arg3[%dma_wait3A_66, %dma_wait3A_67] : memref<10000x16xf32, #tpu.memory_space<hbm>> -> memref<10000x16xf32, #tpu.memory_space<hbm>>
        tpu.wait_indirect_dma semaphore(%arg15 : memref<!tpu.dma_semaphore, #tpu.memory_space<semaphore_mem>>) src(%dma_wait3A_68 : memref<10000x16xf32, #tpu.memory_space<hbm>>) dst(%arg10 : memref<128x16xf32, #tpu.memory_space<vmem>>)
        %scan3A_69 = arith.constant 0 : i32
        %scan3A_70 = arith.constant 0 : i32
        %scan3A_71 = arith.constant 32 : i32
        %scan3A_72 = arith.addi %scan3A_70, %scan3A_71 : i32
        %scan3A_73 = arith.constant 1 : i32
        scf.for %scan3A_75 = %scan3A_70 to %scan3A_72 step %scan3A_73  : i32 {
          %mul3A_76 = arith.constant 4 : i32
          %mul3A_77 = arith.muli %scan3A_75, %mul3A_76 : i32
          %add3A_78 = arith.constant 0 : i32
          %add3A_79 = arith.addi %mul3A_77, %add3A_78 : i32
          %get3A_80 = arith.index_cast %add3A_79 : i32 to index
          %get3A_81 = arith.constant 0 : index
          %get3A_82 = tpu.vector_load %arg9[%get3A_80, %get3A_81] {strides = array<i32>} : memref<128x144xf32, #tpu.memory_space<vmem>>, vector<1x16xf32>,
          %get3A_83 = vector.shape_cast %get3A_82 : vector<1x16xf32> to vector<16xf32>
          %get3A_84 = arith.index_cast %add3A_79 : i32 to index
          %get3A_85 = arith.constant 0 : index
          %get3A_86 = tpu.vector_load %arg10[%get3A_84, %get3A_85] {strides = array<i32>} : memref<128x16xf32, #tpu.memory_space<vmem>>, vector<1x16xf32>,
          %get3A_87 = vector.shape_cast %get3A_86 : vector<1x16xf32> to vector<16xf32>
          %add3A_88 = arith.addf %get3A_83, %get3A_87 : vector<16xf32>
          %mul3A_89 = arith.constant 2.000000e-01 : f32
          %mul3A_90 = vector.broadcast %mul3A_89 : f32 to vector<16xf32>
          %mul3A_91 = arith.mulf %mul3A_90, %add3A_88 : vector<16xf32>
          %max3A = arith.maximumf %add3A_88, %mul3A_91 : vector<16xf32>
          %iota3A = tpu.iota {dimensions = array<i32: 0>} : vector<16xi32>
          %lt3A_92 = arith.constant 8 : i32
          %lt3A_93 = vector.broadcast %lt3A_92 : i32 to vector<16xi32>
          %lt3A_94 = arith.cmpi slt, %iota3A, %lt3A_93 : vector<16xi32>
          %sub3A = arith.subf %max3A, %get3A_19 : vector<16xf32>
          %exp3A = math.exp %sub3A : vector<16xf32>
          %select_n3A = arith.select %lt3A_94, %exp3A, %broadcast_in_dim3A_20 : vector<16xi1>, vector<16xf32>
          %swap3A = arith.index_cast %add3A_79 : i32 to index
          %swap3A_95 = arith.constant 0 : index
          %swap3A_96 = tpu.vector_load %arg9[%swap3A, %swap3A_95] {strides = array<i32>} : memref<128x144xf32, #tpu.memory_space<vmem>>, vector<1x16xf32>,
          %swap3A_97 = vector.shape_cast %swap3A_96 : vector<1x16xf32> to vector<16xf32>
          %swap3A_98 = vector.shape_cast %select_n3A : vector<16xf32> to vector<1x16xf32>
          tpu.vector_store %arg9[%swap3A, %swap3A_95], %swap3A_98 {strides = array<i32>} : memref<128x144xf32, #tpu.memory_space<vmem>>, vector<1x16xf32>,
          %mul3A_99 = arith.constant 4 : i32
          %mul3A_100 = arith.muli %scan3A_75, %mul3A_99 : i32
          %add3A_101 = arith.constant 1 : i32
          %add3A_102 = arith.addi %mul3A_100, %add3A_101 : i32
          %get3A_103 = arith.index_cast %add3A_102 : i32 to index
          %get3A_104 = arith.constant 0 : index
          %get3A_105 = tpu.vector_load %arg9[%get3A_103, %get3A_104] {strides = array<i32>} : memref<128x144xf32, #tpu.memory_space<vmem>>, vector<1x16xf32>,
          %get3A_106 = vector.shape_cast %get3A_105 : vector<1x16xf32> to vector<16xf32>
          %get3A_107 = arith.index_cast %add3A_102 : i32 to index
          %get3A_108 = arith.constant 0 : index
          %get3A_109 = tpu.vector_load %arg10[%get3A_107, %get3A_108] {strides = array<i32>} : memref<128x16xf32, #tpu.memory_space<vmem>>, vector<1x16xf32>,
          %get3A_110 = vector.shape_cast %get3A_109 : vector<1x16xf32> to vector<16xf32>
          %add3A_111 = arith.addf %get3A_106, %get3A_110 : vector<16xf32>
          %mul3A_112 = arith.constant 2.000000e-01 : f32
          %mul3A_113 = vector.broadcast %mul3A_112 : f32 to vector<16xf32>
          %mul3A_114 = arith.mulf %mul3A_113, %add3A_111 : vector<16xf32>
          %max3A_115 = arith.maximumf %add3A_111, %mul3A_114 : vector<16xf32>
          %iota3A_116 = tpu.iota {dimensions = array<i32: 0>} : vector<16xi32>
          %lt3A_117 = arith.constant 8 : i32
          %lt3A_118 = vector.broadcast %lt3A_117 : i32 to vector<16xi32>
          %lt3A_119 = arith.cmpi slt, %iota3A_116, %lt3A_118 : vector<16xi32>
          %sub3A_120 = arith.subf %max3A_115, %get3A_19 : vector<16xf32>
          %exp3A_121 = math.exp %sub3A_120 : vector<16xf32>
          %select_n3A_122 = arith.select %lt3A_119, %exp3A_121, %broadcast_in_dim3A_20 : vector<16xi1>, vector<16xf32>
          %swap3A_123 = arith.index_cast %add3A_102 : i32 to index
          %swap3A_124 = arith.constant 0 : index
          %swap3A_125 = tpu.vector_load %arg9[%swap3A_123, %swap3A_124] {strides = array<i32>} : memref<128x144xf32, #tpu.memory_space<vmem>>, vector<1x16xf32>,
          %swap3A_126 = vector.shape_cast %swap3A_125 : vector<1x16xf32> to vector<16xf32>
          %swap3A_127 = vector.shape_cast %select_n3A_122 : vector<16xf32> to vector<1x16xf32>
          tpu.vector_store %arg9[%swap3A_123, %swap3A_124], %swap3A_127 {strides = array<i32>} : memref<128x144xf32, #tpu.memory_space<vmem>>, vector<1x16xf32>,
          %mul3A_128 = arith.constant 4 : i32
          %mul3A_129 = arith.muli %scan3A_75, %mul3A_128 : i32
          %add3A_130 = arith.constant 2 : i32
          %add3A_131 = arith.addi %mul3A_129, %add3A_130 : i32
          %get3A_132 = arith.index_cast %add3A_131 : i32 to index
          %get3A_133 = arith.constant 0 : index
          %get3A_134 = tpu.vector_load %arg9[%get3A_132, %get3A_133] {strides = array<i32>} : memref<128x144xf32, #tpu.memory_space<vmem>>, vector<1x16xf32>,
          %get3A_135 = vector.shape_cast %get3A_134 : vector<1x16xf32> to vector<16xf32>
          %get3A_136 = arith.index_cast %add3A_131 : i32 to index
          %get3A_137 = arith.constant 0 : index
          %get3A_138 = tpu.vector_load %arg10[%get3A_136, %get3A_137] {strides = array<i32>} : memref<128x16xf32, #tpu.memory_space<vmem>>, vector<1x16xf32>,
          %get3A_139 = vector.shape_cast %get3A_138 : vector<1x16xf32> to vector<16xf32>
          %add3A_140 = arith.addf %get3A_135, %get3A_139 : vector<16xf32>
          %mul3A_141 = arith.constant 2.000000e-01 : f32
          %mul3A_142 = vector.broadcast %mul3A_141 : f32 to vector<16xf32>
          %mul3A_143 = arith.mulf %mul3A_142, %add3A_140 : vector<16xf32>
          %max3A_144 = arith.maximumf %add3A_140, %mul3A_143 : vector<16xf32>
          %iota3A_145 = tpu.iota {dimensions = array<i32: 0>} : vector<16xi32>
          %lt3A_146 = arith.constant 8 : i32
          %lt3A_147 = vector.broadcast %lt3A_146 : i32 to vector<16xi32>
          %lt3A_148 = arith.cmpi slt, %iota3A_145, %lt3A_147 : vector<16xi32>
          %sub3A_149 = arith.subf %max3A_144, %get3A_19 : vector<16xf32>
          %exp3A_150 = math.exp %sub3A_149 : vector<16xf32>
          %select_n3A_151 = arith.select %lt3A_148, %exp3A_150, %broadcast_in_dim3A_20 : vector<16xi1>, vector<16xf32>
          %swap3A_152 = arith.index_cast %add3A_131 : i32 to index
          %swap3A_153 = arith.constant 0 : index
          %swap3A_154 = tpu.vector_load %arg9[%swap3A_152, %swap3A_153] {strides = array<i32>} : memref<128x144xf32, #tpu.memory_space<vmem>>, vector<1x16xf32>,
          %swap3A_155 = vector.shape_cast %swap3A_154 : vector<1x16xf32> to vector<16xf32>
          %swap3A_156 = vector.shape_cast %select_n3A_151 : vector<16xf32> to vector<1x16xf32>
          tpu.vector_store %arg9[%swap3A_152, %swap3A_153], %swap3A_156 {strides = array<i32>} : memref<128x144xf32, #tpu.memory_space<vmem>>, vector<1x16xf32>,
          %mul3A_157 = arith.constant 4 : i32
          %mul3A_158 = arith.muli %scan3A_75, %mul3A_157 : i32
          %add3A_159 = arith.constant 3 : i32
          %add3A_160 = arith.addi %mul3A_158, %add3A_159 : i32
          %get3A_161 = arith.index_cast %add3A_160 : i32 to index
          %get3A_162 = arith.constant 0 : index
          %get3A_163 = tpu.vector_load %arg9[%get3A_161, %get3A_162] {strides = array<i32>} : memref<128x144xf32, #tpu.memory_space<vmem>>, vector<1x16xf32>,
          %get3A_164 = vector.shape_cast %get3A_163 : vector<1x16xf32> to vector<16xf32>
          %get3A_165 = arith.index_cast %add3A_160 : i32 to index
          %get3A_166 = arith.constant 0 : index
          %get3A_167 = tpu.vector_load %arg10[%get3A_165, %get3A_166] {strides = array<i32>} : memref<128x16xf32, #tpu.memory_space<vmem>>, vector<1x16xf32>,
          %get3A_168 = vector.shape_cast %get3A_167 : vector<1x16xf32> to vector<16xf32>
          %add3A_169 = arith.addf %get3A_164, %get3A_168 : vector<16xf32>
          %mul3A_170 = arith.constant 2.000000e-01 : f32
          %mul3A_171 = vector.broadcast %mul3A_170 : f32 to vector<16xf32>
          %mul3A_172 = arith.mulf %mul3A_171, %add3A_169 : vector<16xf32>
          %max3A_173 = arith.maximumf %add3A_169, %mul3A_172 : vector<16xf32>
          %iota3A_174 = tpu.iota {dimensions = array<i32: 0>} : vector<16xi32>
          %lt3A_175 = arith.constant 8 : i32
          %lt3A_176 = vector.broadcast %lt3A_175 : i32 to vector<16xi32>
          %lt3A_177 = arith.cmpi slt, %iota3A_174, %lt3A_176 : vector<16xi32>
          %sub3A_178 = arith.subf %max3A_173, %get3A_19 : vector<16xf32>
          %exp3A_179 = math.exp %sub3A_178 : vector<16xf32>
          %select_n3A_180 = arith.select %lt3A_177, %exp3A_179, %broadcast_in_dim3A_20 : vector<16xi1>, vector<16xf32>
          %swap3A_181 = arith.index_cast %add3A_160 : i32 to index
          %swap3A_182 = arith.constant 0 : index
          %swap3A_183 = tpu.vector_load %arg9[%swap3A_181, %swap3A_182] {strides = array<i32>} : memref<128x144xf32, #tpu.memory_space<vmem>>, vector<1x16xf32>,
          %swap3A_184 = vector.shape_cast %swap3A_183 : vector<1x16xf32> to vector<16xf32>
          %swap3A_185 = vector.shape_cast %select_n3A_180 : vector<16xf32> to vector<1x16xf32>
          tpu.vector_store %arg9[%swap3A_181, %swap3A_182], %swap3A_185 {strides = array<i32>} : memref<128x144xf32, #tpu.memory_space<vmem>>, vector<1x16xf32>,
          %mul3A_186 = arith.constant 4 : i32
          %mul3A_187 = arith.muli %scan3A_75, %mul3A_186 : i32
          %add3A_188 = arith.constant 0 : i32
          %add3A_189 = arith.addi %mul3A_187, %add3A_188 : i32
          %broadcast_in_dim3A_190 = arith.constant 0 : i32
          %broadcast_in_dim3A_191 = vector.broadcast %broadcast_in_dim3A_190 : i32 to vector<16x1xi32>
          %gather3A = vector.shape_cast %broadcast_in_dim3A_191 : vector<16x1xi32> to vector<16xi32>
          %gather3A_192 = tpu.dynamic_gather %select_n3A[%gather3A] in [0] : vector<16xf32>, vector<16xi32> -> vector<16xf32>
          %get3A_193 = arith.index_cast %add3A_189 : i32 to index
          %get3A_194 = arith.constant 16 : index
          %get3A_195 = tpu.vector_load %arg9[%get3A_193, %get3A_194] {strides = array<i32>} : memref<128x144xf32, #tpu.memory_space<vmem>>, vector<1x16xf32>,
          %get3A_196 = vector.shape_cast %get3A_195 : vector<1x16xf32> to vector<16xf32>
          %mul3A_197 = arith.mulf %get3A_196, %gather3A_192 : vector<16xf32>
          %swap3A_198 = arith.index_cast %add3A_189 : i32 to index
          %swap3A_199 = arith.constant 16 : index
          %swap3A_200 = tpu.vector_load %arg9[%swap3A_198, %swap3A_199] {strides = array<i32>} : memref<128x144xf32, #tpu.memory_space<vmem>>, vector<1x16xf32>,
          %swap3A_201 = vector.shape_cast %swap3A_200 : vector<1x16xf32> to vector<16xf32>
          %swap3A_202 = vector.shape_cast %mul3A_197 : vector<16xf32> to vector<1x16xf32>
          tpu.vector_store %arg9[%swap3A_198, %swap3A_199], %swap3A_202 {strides = array<i32>} : memref<128x144xf32, #tpu.memory_space<vmem>>, vector<1x16xf32>,
          %broadcast_in_dim3A_203 = arith.constant 1 : i32
          %broadcast_in_dim3A_204 = vector.broadcast %broadcast_in_dim3A_203 : i32 to vector<16x1xi32>
          %gather3A_205 = vector.shape_cast %broadcast_in_dim3A_204 : vector<16x1xi32> to vector<16xi32>
          %gather3A_206 = tpu.dynamic_gather %select_n3A[%gather3A_205] in [0] : vector<16xf32>, vector<16xi32> -> vector<16xf32>
          %get3A_207 = arith.index_cast %add3A_189 : i32 to index
          %get3A_208 = arith.constant 32 : index
          %get3A_209 = tpu.vector_load %arg9[%get3A_207, %get3A_208] {strides = array<i32>} : memref<128x144xf32, #tpu.memory_space<vmem>>, vector<1x16xf32>,
          %get3A_210 = vector.shape_cast %get3A_209 : vector<1x16xf32> to vector<16xf32>
          %mul3A_211 = arith.mulf %get3A_210, %gather3A_206 : vector<16xf32>
          %swap3A_212 = arith.index_cast %add3A_189 : i32 to index
          %swap3A_213 = arith.constant 32 : index
          %swap3A_214 = tpu.vector_load %arg9[%swap3A_212, %swap3A_213] {strides = array<i32>} : memref<128x144xf32, #tpu.memory_space<vmem>>, vector<1x16xf32>,
          %swap3A_215 = vector.shape_cast %swap3A_214 : vector<1x16xf32> to vector<16xf32>
          %swap3A_216 = vector.shape_cast %mul3A_211 : vector<16xf32> to vector<1x16xf32>
          tpu.vector_store %arg9[%swap3A_212, %swap3A_213], %swap3A_216 {strides = array<i32>} : memref<128x144xf32, #tpu.memory_space<vmem>>, vector<1x16xf32>,
          %broadcast_in_dim3A_217 = arith.constant 2 : i32
          %broadcast_in_dim3A_218 = vector.broadcast %broadcast_in_dim3A_217 : i32 to vector<16x1xi32>
          %gather3A_219 = vector.shape_cast %broadcast_in_dim3A_218 : vector<16x1xi32> to vector<16xi32>
          %gather3A_220 = tpu.dynamic_gather %select_n3A[%gather3A_219] in [0] : vector<16xf32>, vector<16xi32> -> vector<16xf32>
          %get3A_221 = arith.index_cast %add3A_189 : i32 to index
          %get3A_222 = arith.constant 48 : index
          %get3A_223 = tpu.vector_load %arg9[%get3A_221, %get3A_222] {strides = array<i32>} : memref<128x144xf32, #tpu.memory_space<vmem>>, vector<1x16xf32>,
          %get3A_224 = vector.shape_cast %get3A_223 : vector<1x16xf32> to vector<16xf32>
          %mul3A_225 = arith.mulf %get3A_224, %gather3A_220 : vector<16xf32>
          %swap3A_226 = arith.index_cast %add3A_189 : i32 to index
          %swap3A_227 = arith.constant 48 : index
          %swap3A_228 = tpu.vector_load %arg9[%swap3A_226, %swap3A_227] {strides = array<i32>} : memref<128x144xf32, #tpu.memory_space<vmem>>, vector<1x16xf32>,
          %swap3A_229 = vector.shape_cast %swap3A_228 : vector<1x16xf32> to vector<16xf32>
          %swap3A_230 = vector.shape_cast %mul3A_225 : vector<16xf32> to vector<1x16xf32>
          tpu.vector_store %arg9[%swap3A_226, %swap3A_227], %swap3A_230 {strides = array<i32>} : memref<128x144xf32, #tpu.memory_space<vmem>>, vector<1x16xf32>,
          %broadcast_in_dim3A_231 = arith.constant 3 : i32
          %broadcast_in_dim3A_232 = vector.broadcast %broadcast_in_dim3A_231 : i32 to vector<16x1xi32>
          %gather3A_233 = vector.shape_cast %broadcast_in_dim3A_232 : vector<16x1xi32> to vector<16xi32>
          %gather3A_234 = tpu.dynamic_gather %select_n3A[%gather3A_233] in [0] : vector<16xf32>, vector<16xi32> -> vector<16xf32>
          %get3A_235 = arith.index_cast %add3A_189 : i32 to index
          %get3A_236 = arith.constant 64 : index
          %get3A_237 = tpu.vector_load %arg9[%get3A_235, %get3A_236] {strides = array<i32>} : memref<128x144xf32, #tpu.memory_space<vmem>>, vector<1x16xf32>,
          %get3A_238 = vector.shape_cast %get3A_237 : vector<1x16xf32> to vector<16xf32>
          %mul3A_239 = arith.mulf %get3A_238, %gather3A_234 : vector<16xf32>
          %swap3A_240 = arith.index_cast %add3A_189 : i32 to index
          %swap3A_241 = arith.constant 64 : index
          %swap3A_242 = tpu.vector_load %arg9[%swap3A_240, %swap3A_241] {strides = array<i32>} : memref<128x144xf32, #tpu.memory_space<vmem>>, vector<1x16xf32>,
          %swap3A_243 = vector.shape_cast %swap3A_242 : vector<1x16xf32> to vector<16xf32>
          %swap3A_244 = vector.shape_cast %mul3A_239 : vector<16xf32> to vector<1x16xf32>
          tpu.vector_store %arg9[%swap3A_240, %swap3A_241], %swap3A_244 {strides = array<i32>} : memref<128x144xf32, #tpu.memory_space<vmem>>, vector<1x16xf32>,
          %broadcast_in_dim3A_245 = arith.constant 4 : i32
          %broadcast_in_dim3A_246 = vector.broadcast %broadcast_in_dim3A_245 : i32 to vector<16x1xi32>
          %gather3A_247 = vector.shape_cast %broadcast_in_dim3A_246 : vector<16x1xi32> to vector<16xi32>
          %gather3A_248 = tpu.dynamic_gather %select_n3A[%gather3A_247] in [0] : vector<16xf32>, vector<16xi32> -> vector<16xf32>
          %get3A_249 = arith.index_cast %add3A_189 : i32 to index
          %get3A_250 = arith.constant 80 : index
          %get3A_251 = tpu.vector_load %arg9[%get3A_249, %get3A_250] {strides = array<i32>} : memref<128x144xf32, #tpu.memory_space<vmem>>, vector<1x16xf32>,
          %get3A_252 = vector.shape_cast %get3A_251 : vector<1x16xf32> to vector<16xf32>
          %mul3A_253 = arith.mulf %get3A_252, %gather3A_248 : vector<16xf32>
          %swap3A_254 = arith.index_cast %add3A_189 : i32 to index
          %swap3A_255 = arith.constant 80 : index
          %swap3A_256 = tpu.vector_load %arg9[%swap3A_254, %swap3A_255] {strides = array<i32>} : memref<128x144xf32, #tpu.memory_space<vmem>>, vector<1x16xf32>,
          %swap3A_257 = vector.shape_cast %swap3A_256 : vector<1x16xf32> to vector<16xf32>
          %swap3A_258 = vector.shape_cast %mul3A_253 : vector<16xf32> to vector<1x16xf32>
          tpu.vector_store %arg9[%swap3A_254, %swap3A_255], %swap3A_258 {strides = array<i32>} : memref<128x144xf32, #tpu.memory_space<vmem>>, vector<1x16xf32>,
          %broadcast_in_dim3A_259 = arith.constant 5 : i32
          %broadcast_in_dim3A_260 = vector.broadcast %broadcast_in_dim3A_259 : i32 to vector<16x1xi32>
          %gather3A_261 = vector.shape_cast %broadcast_in_dim3A_260 : vector<16x1xi32> to vector<16xi32>
          %gather3A_262 = tpu.dynamic_gather %select_n3A[%gather3A_261] in [0] : vector<16xf32>, vector<16xi32> -> vector<16xf32>
          %get3A_263 = arith.index_cast %add3A_189 : i32 to index
          %get3A_264 = arith.constant 96 : index
          %get3A_265 = tpu.vector_load %arg9[%get3A_263, %get3A_264] {strides = array<i32>} : memref<128x144xf32, #tpu.memory_space<vmem>>, vector<1x16xf32>,
          %get3A_266 = vector.shape_cast %get3A_265 : vector<1x16xf32> to vector<16xf32>
          %mul3A_267 = arith.mulf %get3A_266, %gather3A_262 : vector<16xf32>
          %swap3A_268 = arith.index_cast %add3A_189 : i32 to index
          %swap3A_269 = arith.constant 96 : index
          %swap3A_270 = tpu.vector_load %arg9[%swap3A_268, %swap3A_269] {strides = array<i32>} : memref<128x144xf32, #tpu.memory_space<vmem>>, vector<1x16xf32>,
          %swap3A_271 = vector.shape_cast %swap3A_270 : vector<1x16xf32> to vector<16xf32>
          %swap3A_272 = vector.shape_cast %mul3A_267 : vector<16xf32> to vector<1x16xf32>
          tpu.vector_store %arg9[%swap3A_268, %swap3A_269], %swap3A_272 {strides = array<i32>} : memref<128x144xf32, #tpu.memory_space<vmem>>, vector<1x16xf32>,
          %broadcast_in_dim3A_273 = arith.constant 6 : i32
          %broadcast_in_dim3A_274 = vector.broadcast %broadcast_in_dim3A_273 : i32 to vector<16x1xi32>
          %gather3A_275 = vector.shape_cast %broadcast_in_dim3A_274 : vector<16x1xi32> to vector<16xi32>
          %gather3A_276 = tpu.dynamic_gather %select_n3A[%gather3A_275] in [0] : vector<16xf32>, vector<16xi32> -> vector<16xf32>
          %get3A_277 = arith.index_cast %add3A_189 : i32 to index
          %get3A_278 = arith.constant 112 : index
          %get3A_279 = tpu.vector_load %arg9[%get3A_277, %get3A_278] {strides = array<i32>} : memref<128x144xf32, #tpu.memory_space<vmem>>, vector<1x16xf32>,
          %get3A_280 = vector.shape_cast %get3A_279 : vector<1x16xf32> to vector<16xf32>
          %mul3A_281 = arith.mulf %get3A_280, %gather3A_276 : vector<16xf32>
          %swap3A_282 = arith.index_cast %add3A_189 : i32 to index
          %swap3A_283 = arith.constant 112 : index
          %swap3A_284 = tpu.vector_load %arg9[%swap3A_282, %swap3A_283] {strides = array<i32>} : memref<128x144xf32, #tpu.memory_space<vmem>>, vector<1x16xf32>,
          %swap3A_285 = vector.shape_cast %swap3A_284 : vector<1x16xf32> to vector<16xf32>
          %swap3A_286 = vector.shape_cast %mul3A_281 : vector<16xf32> to vector<1x16xf32>
          tpu.vector_store %arg9[%swap3A_282, %swap3A_283], %swap3A_286 {strides = array<i32>} : memref<128x144xf32, #tpu.memory_space<vmem>>, vector<1x16xf32>,
          %broadcast_in_dim3A_287 = arith.constant 7 : i32
          %broadcast_in_dim3A_288 = vector.broadcast %broadcast_in_dim3A_287 : i32 to vector<16x1xi32>
          %gather3A_289 = vector.shape_cast %broadcast_in_dim3A_288 : vector<16x1xi32> to vector<16xi32>
          %gather3A_290 = tpu.dynamic_gather %select_n3A[%gather3A_289] in [0] : vector<16xf32>, vector<16xi32> -> vector<16xf32>
          %get3A_291 = arith.index_cast %add3A_189 : i32 to index
          %get3A_292 = arith.constant 128 : index
          %get3A_293 = tpu.vector_load %arg9[%get3A_291, %get3A_292] {strides = array<i32>} : memref<128x144xf32, #tpu.memory_space<vmem>>, vector<1x16xf32>,
          %get3A_294 = vector.shape_cast %get3A_293 : vector<1x16xf32> to vector<16xf32>
          %mul3A_295 = arith.mulf %get3A_294, %gather3A_290 : vector<16xf32>
          %swap3A_296 = arith.index_cast %add3A_189 : i32 to index
          %swap3A_297 = arith.constant 128 : index
          %swap3A_298 = tpu.vector_load %arg9[%swap3A_296, %swap3A_297] {strides = array<i32>} : memref<128x144xf32, #tpu.memory_space<vmem>>, vector<1x16xf32>,
          %swap3A_299 = vector.shape_cast %swap3A_298 : vector<1x16xf32> to vector<16xf32>
          %swap3A_300 = vector.shape_cast %mul3A_295 : vector<16xf32> to vector<1x16xf32>
          tpu.vector_store %arg9[%swap3A_296, %swap3A_297], %swap3A_300 {strides = array<i32>} : memref<128x144xf32, #tpu.memory_space<vmem>>, vector<1x16xf32>,
          %mul3A_301 = arith.constant 4 : i32
          %mul3A_302 = arith.muli %scan3A_75, %mul3A_301 : i32
          %add3A_303 = arith.constant 1 : i32
          %add3A_304 = arith.addi %mul3A_302, %add3A_303 : i32
          %broadcast_in_dim3A_305 = arith.constant 0 : i32
          %broadcast_in_dim3A_306 = vector.broadcast %broadcast_in_dim3A_305 : i32 to vector<16x1xi32>
          %gather3A_307 = vector.shape_cast %broadcast_in_dim3A_306 : vector<16x1xi32> to vector<16xi32>
          %gather3A_308 = tpu.dynamic_gather %select_n3A_122[%gather3A_307] in [0] : vector<16xf32>, vector<16xi32> -> vector<16xf32>
          %get3A_309 = arith.index_cast %add3A_304 : i32 to index
          %get3A_310 = arith.constant 16 : index
          %get3A_311 = tpu.vector_load %arg9[%get3A_309, %get3A_310] {strides = array<i32>} : memref<128x144xf32, #tpu.memory_space<vmem>>, vector<1x16xf32>,
          %get3A_312 = vector.shape_cast %get3A_311 : vector<1x16xf32> to vector<16xf32>
          %mul3A_313 = arith.mulf %get3A_312, %gather3A_308 : vector<16xf32>
          %swap3A_314 = arith.index_cast %add3A_304 : i32 to index
          %swap3A_315 = arith.constant 16 : index
          %swap3A_316 = tpu.vector_load %arg9[%swap3A_314, %swap3A_315] {strides = array<i32>} : memref<128x144xf32, #tpu.memory_space<vmem>>, vector<1x16xf32>,
          %swap3A_317 = vector.shape_cast %swap3A_316 : vector<1x16xf32> to vector<16xf32>
          %swap3A_318 = vector.shape_cast %mul3A_313 : vector<16xf32> to vector<1x16xf32>
          tpu.vector_store %arg9[%swap3A_314, %swap3A_315], %swap3A_318 {strides = array<i32>} : memref<128x144xf32, #tpu.memory_space<vmem>>, vector<1x16xf32>,
          %broadcast_in_dim3A_319 = arith.constant 1 : i32
          %broadcast_in_dim3A_320 = vector.broadcast %broadcast_in_dim3A_319 : i32 to vector<16x1xi32>
          %gather3A_321 = vector.shape_cast %broadcast_in_dim3A_320 : vector<16x1xi32> to vector<16xi32>
          %gather3A_322 = tpu.dynamic_gather %select_n3A_122[%gather3A_321] in [0] : vector<16xf32>, vector<16xi32> -> vector<16xf32>
          %get3A_323 = arith.index_cast %add3A_304 : i32 to index
          %get3A_324 = arith.constant 32 : index
          %get3A_325 = tpu.vector_load %arg9[%get3A_323, %get3A_324] {strides = array<i32>} : memref<128x144xf32, #tpu.memory_space<vmem>>, vector<1x16xf32>,
          %get3A_326 = vector.shape_cast %get3A_325 : vector<1x16xf32> to vector<16xf32>
          %mul3A_327 = arith.mulf %get3A_326, %gather3A_322 : vector<16xf32>
          %swap3A_328 = arith.index_cast %add3A_304 : i32 to index
          %swap3A_329 = arith.constant 32 : index
          %swap3A_330 = tpu.vector_load %arg9[%swap3A_328, %swap3A_329] {strides = array<i32>} : memref<128x144xf32, #tpu.memory_space<vmem>>, vector<1x16xf32>,
          %swap3A_331 = vector.shape_cast %swap3A_330 : vector<1x16xf32> to vector<16xf32>
          %swap3A_332 = vector.shape_cast %mul3A_327 : vector<16xf32> to vector<1x16xf32>
          tpu.vector_store %arg9[%swap3A_328, %swap3A_329], %swap3A_332 {strides = array<i32>} : memref<128x144xf32, #tpu.memory_space<vmem>>, vector<1x16xf32>,
          %broadcast_in_dim3A_333 = arith.constant 2 : i32
          %broadcast_in_dim3A_334 = vector.broadcast %broadcast_in_dim3A_333 : i32 to vector<16x1xi32>
          %gather3A_335 = vector.shape_cast %broadcast_in_dim3A_334 : vector<16x1xi32> to vector<16xi32>
          %gather3A_336 = tpu.dynamic_gather %select_n3A_122[%gather3A_335] in [0] : vector<16xf32>, vector<16xi32> -> vector<16xf32>
          %get3A_337 = arith.index_cast %add3A_304 : i32 to index
          %get3A_338 = arith.constant 48 : index
          %get3A_339 = tpu.vector_load %arg9[%get3A_337, %get3A_338] {strides = array<i32>} : memref<128x144xf32, #tpu.memory_space<vmem>>, vector<1x16xf32>,
          %get3A_340 = vector.shape_cast %get3A_339 : vector<1x16xf32> to vector<16xf32>
          %mul3A_341 = arith.mulf %get3A_340, %gather3A_336 : vector<16xf32>
          %swap3A_342 = arith.index_cast %add3A_304 : i32 to index
          %swap3A_343 = arith.constant 48 : index
          %swap3A_344 = tpu.vector_load %arg9[%swap3A_342, %swap3A_343] {strides = array<i32>} : memref<128x144xf32, #tpu.memory_space<vmem>>, vector<1x16xf32>,
          %swap3A_345 = vector.shape_cast %swap3A_344 : vector<1x16xf32> to vector<16xf32>
          %swap3A_346 = vector.shape_cast %mul3A_341 : vector<16xf32> to vector<1x16xf32>
          tpu.vector_store %arg9[%swap3A_342, %swap3A_343], %swap3A_346 {strides = array<i32>} : memref<128x144xf32, #tpu.memory_space<vmem>>, vector<1x16xf32>,
          %broadcast_in_dim3A_347 = arith.constant 3 : i32
          %broadcast_in_dim3A_348 = vector.broadcast %broadcast_in_dim3A_347 : i32 to vector<16x1xi32>
          %gather3A_349 = vector.shape_cast %broadcast_in_dim3A_348 : vector<16x1xi32> to vector<16xi32>
          %gather3A_350 = tpu.dynamic_gather %select_n3A_122[%gather3A_349] in [0] : vector<16xf32>, vector<16xi32> -> vector<16xf32>
          %get3A_351 = arith.index_cast %add3A_304 : i32 to index
          %get3A_352 = arith.constant 64 : index
          %get3A_353 = tpu.vector_load %arg9[%get3A_351, %get3A_352] {strides = array<i32>} : memref<128x144xf32, #tpu.memory_space<vmem>>, vector<1x16xf32>,
          %get3A_354 = vector.shape_cast %get3A_353 : vector<1x16xf32> to vector<16xf32>
          %mul3A_355 = arith.mulf %get3A_354, %gather3A_350 : vector<16xf32>
          %swap3A_356 = arith.index_cast %add3A_304 : i32 to index
          %swap3A_357 = arith.constant 64 : index
          %swap3A_358 = tpu.vector_load %arg9[%swap3A_356, %swap3A_357] {strides = array<i32>} : memref<128x144xf32, #tpu.memory_space<vmem>>, vector<1x16xf32>,
          %swap3A_359 = vector.shape_cast %swap3A_358 : vector<1x16xf32> to vector<16xf32>
          %swap3A_360 = vector.shape_cast %mul3A_355 : vector<16xf32> to vector<1x16xf32>
          tpu.vector_store %arg9[%swap3A_356, %swap3A_357], %swap3A_360 {strides = array<i32>} : memref<128x144xf32, #tpu.memory_space<vmem>>, vector<1x16xf32>,
          %broadcast_in_dim3A_361 = arith.constant 4 : i32
          %broadcast_in_dim3A_362 = vector.broadcast %broadcast_in_dim3A_361 : i32 to vector<16x1xi32>
          %gather3A_363 = vector.shape_cast %broadcast_in_dim3A_362 : vector<16x1xi32> to vector<16xi32>
          %gather3A_364 = tpu.dynamic_gather %select_n3A_122[%gather3A_363] in [0] : vector<16xf32>, vector<16xi32> -> vector<16xf32>
          %get3A_365 = arith.index_cast %add3A_304 : i32 to index
          %get3A_366 = arith.constant 80 : index
          %get3A_367 = tpu.vector_load %arg9[%get3A_365, %get3A_366] {strides = array<i32>} : memref<128x144xf32, #tpu.memory_space<vmem>>, vector<1x16xf32>,
          %get3A_368 = vector.shape_cast %get3A_367 : vector<1x16xf32> to vector<16xf32>
          %mul3A_369 = arith.mulf %get3A_368, %gather3A_364 : vector<16xf32>
          %swap3A_370 = arith.index_cast %add3A_304 : i32 to index
          %swap3A_371 = arith.constant 80 : index
          %swap3A_372 = tpu.vector_load %arg9[%swap3A_370, %swap3A_371] {strides = array<i32>} : memref<128x144xf32, #tpu.memory_space<vmem>>, vector<1x16xf32>,
          %swap3A_373 = vector.shape_cast %swap3A_372 : vector<1x16xf32> to vector<16xf32>
          %swap3A_374 = vector.shape_cast %mul3A_369 : vector<16xf32> to vector<1x16xf32>
          tpu.vector_store %arg9[%swap3A_370, %swap3A_371], %swap3A_374 {strides = array<i32>} : memref<128x144xf32, #tpu.memory_space<vmem>>, vector<1x16xf32>,
          %broadcast_in_dim3A_375 = arith.constant 5 : i32
          %broadcast_in_dim3A_376 = vector.broadcast %broadcast_in_dim3A_375 : i32 to vector<16x1xi32>
          %gather3A_377 = vector.shape_cast %broadcast_in_dim3A_376 : vector<16x1xi32> to vector<16xi32>
          %gather3A_378 = tpu.dynamic_gather %select_n3A_122[%gather3A_377] in [0] : vector<16xf32>, vector<16xi32> -> vector<16xf32>
          %get3A_379 = arith.index_cast %add3A_304 : i32 to index
          %get3A_380 = arith.constant 96 : index
          %get3A_381 = tpu.vector_load %arg9[%get3A_379, %get3A_380] {strides = array<i32>} : memref<128x144xf32, #tpu.memory_space<vmem>>, vector<1x16xf32>,
          %get3A_382 = vector.shape_cast %get3A_381 : vector<1x16xf32> to vector<16xf32>
          %mul3A_383 = arith.mulf %get3A_382, %gather3A_378 : vector<16xf32>
          %swap3A_384 = arith.index_cast %add3A_304 : i32 to index
          %swap3A_385 = arith.constant 96 : index
          %swap3A_386 = tpu.vector_load %arg9[%swap3A_384, %swap3A_385] {strides = array<i32>} : memref<128x144xf32, #tpu.memory_space<vmem>>, vector<1x16xf32>,
          %swap3A_387 = vector.shape_cast %swap3A_386 : vector<1x16xf32> to vector<16xf32>
          %swap3A_388 = vector.shape_cast %mul3A_383 : vector<16xf32> to vector<1x16xf32>
          tpu.vector_store %arg9[%swap3A_384, %swap3A_385], %swap3A_388 {strides = array<i32>} : memref<128x144xf32, #tpu.memory_space<vmem>>, vector<1x16xf32>,
          %broadcast_in_dim3A_389 = arith.constant 6 : i32
          %broadcast_in_dim3A_390 = vector.broadcast %broadcast_in_dim3A_389 : i32 to vector<16x1xi32>
          %gather3A_391 = vector.shape_cast %broadcast_in_dim3A_390 : vector<16x1xi32> to vector<16xi32>
          %gather3A_392 = tpu.dynamic_gather %select_n3A_122[%gather3A_391] in [0] : vector<16xf32>, vector<16xi32> -> vector<16xf32>
          %get3A_393 = arith.index_cast %add3A_304 : i32 to index
          %get3A_394 = arith.constant 112 : index
          %get3A_395 = tpu.vector_load %arg9[%get3A_393, %get3A_394] {strides = array<i32>} : memref<128x144xf32, #tpu.memory_space<vmem>>, vector<1x16xf32>,
          %get3A_396 = vector.shape_cast %get3A_395 : vector<1x16xf32> to vector<16xf32>
          %mul3A_397 = arith.mulf %get3A_396, %gather3A_392 : vector<16xf32>
          %swap3A_398 = arith.index_cast %add3A_304 : i32 to index
          %swap3A_399 = arith.constant 112 : index
          %swap3A_400 = tpu.vector_load %arg9[%swap3A_398, %swap3A_399] {strides = array<i32>} : memref<128x144xf32, #tpu.memory_space<vmem>>, vector<1x16xf32>,
          %swap3A_401 = vector.shape_cast %swap3A_400 : vector<1x16xf32> to vector<16xf32>
          %swap3A_402 = vector.shape_cast %mul3A_397 : vector<16xf32> to vector<1x16xf32>
          tpu.vector_store %arg9[%swap3A_398, %swap3A_399], %swap3A_402 {strides = array<i32>} : memref<128x144xf32, #tpu.memory_space<vmem>>, vector<1x16xf32>,
          %broadcast_in_dim3A_403 = arith.constant 7 : i32
          %broadcast_in_dim3A_404 = vector.broadcast %broadcast_in_dim3A_403 : i32 to vector<16x1xi32>
          %gather3A_405 = vector.shape_cast %broadcast_in_dim3A_404 : vector<16x1xi32> to vector<16xi32>
          %gather3A_406 = tpu.dynamic_gather %select_n3A_122[%gather3A_405] in [0] : vector<16xf32>, vector<16xi32> -> vector<16xf32>
          %get3A_407 = arith.index_cast %add3A_304 : i32 to index
          %get3A_408 = arith.constant 128 : index
          %get3A_409 = tpu.vector_load %arg9[%get3A_407, %get3A_408] {strides = array<i32>} : memref<128x144xf32, #tpu.memory_space<vmem>>, vector<1x16xf32>,
          %get3A_410 = vector.shape_cast %get3A_409 : vector<1x16xf32> to vector<16xf32>
          %mul3A_411 = arith.mulf %get3A_410, %gather3A_406 : vector<16xf32>
          %swap3A_412 = arith.index_cast %add3A_304 : i32 to index
          %swap3A_413 = arith.constant 128 : index
          %swap3A_414 = tpu.vector_load %arg9[%swap3A_412, %swap3A_413] {strides = array<i32>} : memref<128x144xf32, #tpu.memory_space<vmem>>, vector<1x16xf32>,
          %swap3A_415 = vector.shape_cast %swap3A_414 : vector<1x16xf32> to vector<16xf32>
          %swap3A_416 = vector.shape_cast %mul3A_411 : vector<16xf32> to vector<1x16xf32>
          tpu.vector_store %arg9[%swap3A_412, %swap3A_413], %swap3A_416 {strides = array<i32>} : memref<128x144xf32, #tpu.memory_space<vmem>>, vector<1x16xf32>,
          %mul3A_417 = arith.constant 4 : i32
          %mul3A_418 = arith.muli %scan3A_75, %mul3A_417 : i32
          %add3A_419 = arith.constant 2 : i32
          %add3A_420 = arith.addi %mul3A_418, %add3A_419 : i32
          %broadcast_in_dim3A_421 = arith.constant 0 : i32
          %broadcast_in_dim3A_422 = vector.broadcast %broadcast_in_dim3A_421 : i32 to vector<16x1xi32>
          %gather3A_423 = vector.shape_cast %broadcast_in_dim3A_422 : vector<16x1xi32> to vector<16xi32>
          %gather3A_424 = tpu.dynamic_gather %select_n3A_151[%gather3A_423] in [0] : vector<16xf32>, vector<16xi32> -> vector<16xf32>
          %get3A_425 = arith.index_cast %add3A_420 : i32 to index
          %get3A_426 = arith.constant 16 : index
          %get3A_427 = tpu.vector_load %arg9[%get3A_425, %get3A_426] {strides = array<i32>} : memref<128x144xf32, #tpu.memory_space<vmem>>, vector<1x16xf32>,
          %get3A_428 = vector.shape_cast %get3A_427 : vector<1x16xf32> to vector<16xf32>
          %mul3A_429 = arith.mulf %get3A_428, %gather3A_424 : vector<16xf32>
          %swap3A_430 = arith.index_cast %add3A_420 : i32 to index
          %swap3A_431 = arith.constant 16 : index
          %swap3A_432 = tpu.vector_load %arg9[%swap3A_430, %swap3A_431] {strides = array<i32>} : memref<128x144xf32, #tpu.memory_space<vmem>>, vector<1x16xf32>,
          %swap3A_433 = vector.shape_cast %swap3A_432 : vector<1x16xf32> to vector<16xf32>
          %swap3A_434 = vector.shape_cast %mul3A_429 : vector<16xf32> to vector<1x16xf32>
          tpu.vector_store %arg9[%swap3A_430, %swap3A_431], %swap3A_434 {strides = array<i32>} : memref<128x144xf32, #tpu.memory_space<vmem>>, vector<1x16xf32>,
          %broadcast_in_dim3A_435 = arith.constant 1 : i32
          %broadcast_in_dim3A_436 = vector.broadcast %broadcast_in_dim3A_435 : i32 to vector<16x1xi32>
          %gather3A_437 = vector.shape_cast %broadcast_in_dim3A_436 : vector<16x1xi32> to vector<16xi32>
          %gather3A_438 = tpu.dynamic_gather %select_n3A_151[%gather3A_437] in [0] : vector<16xf32>, vector<16xi32> -> vector<16xf32>
          %get3A_439 = arith.index_cast %add3A_420 : i32 to index
          %get3A_440 = arith.constant 32 : index
          %get3A_441 = tpu.vector_load %arg9[%get3A_439, %get3A_440] {strides = array<i32>} : memref<128x144xf32, #tpu.memory_space<vmem>>, vector<1x16xf32>,
          %get3A_442 = vector.shape_cast %get3A_441 : vector<1x16xf32> to vector<16xf32>
          %mul3A_443 = arith.mulf %get3A_442, %gather3A_438 : vector<16xf32>
          %swap3A_444 = arith.index_cast %add3A_420 : i32 to index
          %swap3A_445 = arith.constant 32 : index
          %swap3A_446 = tpu.vector_load %arg9[%swap3A_444, %swap3A_445] {strides = array<i32>} : memref<128x144xf32, #tpu.memory_space<vmem>>, vector<1x16xf32>,
          %swap3A_447 = vector.shape_cast %swap3A_446 : vector<1x16xf32> to vector<16xf32>
          %swap3A_448 = vector.shape_cast %mul3A_443 : vector<16xf32> to vector<1x16xf32>
          tpu.vector_store %arg9[%swap3A_444, %swap3A_445], %swap3A_448 {strides = array<i32>} : memref<128x144xf32, #tpu.memory_space<vmem>>, vector<1x16xf32>,
          %broadcast_in_dim3A_449 = arith.constant 2 : i32
          %broadcast_in_dim3A_450 = vector.broadcast %broadcast_in_dim3A_449 : i32 to vector<16x1xi32>
          %gather3A_451 = vector.shape_cast %broadcast_in_dim3A_450 : vector<16x1xi32> to vector<16xi32>
          %gather3A_452 = tpu.dynamic_gather %select_n3A_151[%gather3A_451] in [0] : vector<16xf32>, vector<16xi32> -> vector<16xf32>
          %get3A_453 = arith.index_cast %add3A_420 : i32 to index
          %get3A_454 = arith.constant 48 : index
          %get3A_455 = tpu.vector_load %arg9[%get3A_453, %get3A_454] {strides = array<i32>} : memref<128x144xf32, #tpu.memory_space<vmem>>, vector<1x16xf32>,
          %get3A_456 = vector.shape_cast %get3A_455 : vector<1x16xf32> to vector<16xf32>
          %mul3A_457 = arith.mulf %get3A_456, %gather3A_452 : vector<16xf32>
          %swap3A_458 = arith.index_cast %add3A_420 : i32 to index
          %swap3A_459 = arith.constant 48 : index
          %swap3A_460 = tpu.vector_load %arg9[%swap3A_458, %swap3A_459] {strides = array<i32>} : memref<128x144xf32, #tpu.memory_space<vmem>>, vector<1x16xf32>,
          %swap3A_461 = vector.shape_cast %swap3A_460 : vector<1x16xf32> to vector<16xf32>
          %swap3A_462 = vector.shape_cast %mul3A_457 : vector<16xf32> to vector<1x16xf32>
          tpu.vector_store %arg9[%swap3A_458, %swap3A_459], %swap3A_462 {strides = array<i32>} : memref<128x144xf32, #tpu.memory_space<vmem>>, vector<1x16xf32>,
          %broadcast_in_dim3A_463 = arith.constant 3 : i32
          %broadcast_in_dim3A_464 = vector.broadcast %broadcast_in_dim3A_463 : i32 to vector<16x1xi32>
          %gather3A_465 = vector.shape_cast %broadcast_in_dim3A_464 : vector<16x1xi32> to vector<16xi32>
          %gather3A_466 = tpu.dynamic_gather %select_n3A_151[%gather3A_465] in [0] : vector<16xf32>, vector<16xi32> -> vector<16xf32>
          %get3A_467 = arith.index_cast %add3A_420 : i32 to index
          %get3A_468 = arith.constant 64 : index
          %get3A_469 = tpu.vector_load %arg9[%get3A_467, %get3A_468] {strides = array<i32>} : memref<128x144xf32, #tpu.memory_space<vmem>>, vector<1x16xf32>,
          %get3A_470 = vector.shape_cast %get3A_469 : vector<1x16xf32> to vector<16xf32>
          %mul3A_471 = arith.mulf %get3A_470, %gather3A_466 : vector<16xf32>
          %swap3A_472 = arith.index_cast %add3A_420 : i32 to index
          %swap3A_473 = arith.constant 64 : index
          %swap3A_474 = tpu.vector_load %arg9[%swap3A_472, %swap3A_473] {strides = array<i32>} : memref<128x144xf32, #tpu.memory_space<vmem>>, vector<1x16xf32>,
          %swap3A_475 = vector.shape_cast %swap3A_474 : vector<1x16xf32> to vector<16xf32>
          %swap3A_476 = vector.shape_cast %mul3A_471 : vector<16xf32> to vector<1x16xf32>
          tpu.vector_store %arg9[%swap3A_472, %swap3A_473], %swap3A_476 {strides = array<i32>} : memref<128x144xf32, #tpu.memory_space<vmem>>, vector<1x16xf32>,
          %broadcast_in_dim3A_477 = arith.constant 4 : i32
          %broadcast_in_dim3A_478 = vector.broadcast %broadcast_in_dim3A_477 : i32 to vector<16x1xi32>
          %gather3A_479 = vector.shape_cast %broadcast_in_dim3A_478 : vector<16x1xi32> to vector<16xi32>
          %gather3A_480 = tpu.dynamic_gather %select_n3A_151[%gather3A_479] in [0] : vector<16xf32>, vector<16xi32> -> vector<16xf32>
          %get3A_481 = arith.index_cast %add3A_420 : i32 to index
          %get3A_482 = arith.constant 80 : index
          %get3A_483 = tpu.vector_load %arg9[%get3A_481, %get3A_482] {strides = array<i32>} : memref<128x144xf32, #tpu.memory_space<vmem>>, vector<1x16xf32>,
          %get3A_484 = vector.shape_cast %get3A_483 : vector<1x16xf32> to vector<16xf32>
          %mul3A_485 = arith.mulf %get3A_484, %gather3A_480 : vector<16xf32>
          %swap3A_486 = arith.index_cast %add3A_420 : i32 to index
          %swap3A_487 = arith.constant 80 : index
          %swap3A_488 = tpu.vector_load %arg9[%swap3A_486, %swap3A_487] {strides = array<i32>} : memref<128x144xf32, #tpu.memory_space<vmem>>, vector<1x16xf32>,
          %swap3A_489 = vector.shape_cast %swap3A_488 : vector<1x16xf32> to vector<16xf32>
          %swap3A_490 = vector.shape_cast %mul3A_485 : vector<16xf32> to vector<1x16xf32>
          tpu.vector_store %arg9[%swap3A_486, %swap3A_487], %swap3A_490 {strides = array<i32>} : memref<128x144xf32, #tpu.memory_space<vmem>>, vector<1x16xf32>,
          %broadcast_in_dim3A_491 = arith.constant 5 : i32
          %broadcast_in_dim3A_492 = vector.broadcast %broadcast_in_dim3A_491 : i32 to vector<16x1xi32>
          %gather3A_493 = vector.shape_cast %broadcast_in_dim3A_492 : vector<16x1xi32> to vector<16xi32>
          %gather3A_494 = tpu.dynamic_gather %select_n3A_151[%gather3A_493] in [0] : vector<16xf32>, vector<16xi32> -> vector<16xf32>
          %get3A_495 = arith.index_cast %add3A_420 : i32 to index
          %get3A_496 = arith.constant 96 : index
          %get3A_497 = tpu.vector_load %arg9[%get3A_495, %get3A_496] {strides = array<i32>} : memref<128x144xf32, #tpu.memory_space<vmem>>, vector<1x16xf32>,
          %get3A_498 = vector.shape_cast %get3A_497 : vector<1x16xf32> to vector<16xf32>
          %mul3A_499 = arith.mulf %get3A_498, %gather3A_494 : vector<16xf32>
          %swap3A_500 = arith.index_cast %add3A_420 : i32 to index
          %swap3A_501 = arith.constant 96 : index
          %swap3A_502 = tpu.vector_load %arg9[%swap3A_500, %swap3A_501] {strides = array<i32>} : memref<128x144xf32, #tpu.memory_space<vmem>>, vector<1x16xf32>,
          %swap3A_503 = vector.shape_cast %swap3A_502 : vector<1x16xf32> to vector<16xf32>
          %swap3A_504 = vector.shape_cast %mul3A_499 : vector<16xf32> to vector<1x16xf32>
          tpu.vector_store %arg9[%swap3A_500, %swap3A_501], %swap3A_504 {strides = array<i32>} : memref<128x144xf32, #tpu.memory_space<vmem>>, vector<1x16xf32>,
          %broadcast_in_dim3A_505 = arith.constant 6 : i32
          %broadcast_in_dim3A_506 = vector.broadcast %broadcast_in_dim3A_505 : i32 to vector<16x1xi32>
          %gather3A_507 = vector.shape_cast %broadcast_in_dim3A_506 : vector<16x1xi32> to vector<16xi32>
          %gather3A_508 = tpu.dynamic_gather %select_n3A_151[%gather3A_507] in [0] : vector<16xf32>, vector<16xi32> -> vector<16xf32>
          %get3A_509 = arith.index_cast %add3A_420 : i32 to index
          %get3A_510 = arith.constant 112 : index
          %get3A_511 = tpu.vector_load %arg9[%get3A_509, %get3A_510] {strides = array<i32>} : memref<128x144xf32, #tpu.memory_space<vmem>>, vector<1x16xf32>,
          %get3A_512 = vector.shape_cast %get3A_511 : vector<1x16xf32> to vector<16xf32>
          %mul3A_513 = arith.mulf %get3A_512, %gather3A_508 : vector<16xf32>
          %swap3A_514 = arith.index_cast %add3A_420 : i32 to index
          %swap3A_515 = arith.constant 112 : index
          %swap3A_516 = tpu.vector_load %arg9[%swap3A_514, %swap3A_515] {strides = array<i32>} : memref<128x144xf32, #tpu.memory_space<vmem>>, vector<1x16xf32>,
          %swap3A_517 = vector.shape_cast %swap3A_516 : vector<1x16xf32> to vector<16xf32>
          %swap3A_518 = vector.shape_cast %mul3A_513 : vector<16xf32> to vector<1x16xf32>
          tpu.vector_store %arg9[%swap3A_514, %swap3A_515], %swap3A_518 {strides = array<i32>} : memref<128x144xf32, #tpu.memory_space<vmem>>, vector<1x16xf32>,
          %broadcast_in_dim3A_519 = arith.constant 7 : i32
          %broadcast_in_dim3A_520 = vector.broadcast %broadcast_in_dim3A_519 : i32 to vector<16x1xi32>
          %gather3A_521 = vector.shape_cast %broadcast_in_dim3A_520 : vector<16x1xi32> to vector<16xi32>
          %gather3A_522 = tpu.dynamic_gather %select_n3A_151[%gather3A_521] in [0] : vector<16xf32>, vector<16xi32> -> vector<16xf32>
          %get3A_523 = arith.index_cast %add3A_420 : i32 to index
          %get3A_524 = arith.constant 128 : index
          %get3A_525 = tpu.vector_load %arg9[%get3A_523, %get3A_524] {strides = array<i32>} : memref<128x144xf32, #tpu.memory_space<vmem>>, vector<1x16xf32>,
          %get3A_526 = vector.shape_cast %get3A_525 : vector<1x16xf32> to vector<16xf32>
          %mul3A_527 = arith.mulf %get3A_526, %gather3A_522 : vector<16xf32>
          %swap3A_528 = arith.index_cast %add3A_420 : i32 to index
          %swap3A_529 = arith.constant 128 : index
          %swap3A_530 = tpu.vector_load %arg9[%swap3A_528, %swap3A_529] {strides = array<i32>} : memref<128x144xf32, #tpu.memory_space<vmem>>, vector<1x16xf32>,
          %swap3A_531 = vector.shape_cast %swap3A_530 : vector<1x16xf32> to vector<16xf32>
          %swap3A_532 = vector.shape_cast %mul3A_527 : vector<16xf32> to vector<1x16xf32>
          tpu.vector_store %arg9[%swap3A_528, %swap3A_529], %swap3A_532 {strides = array<i32>} : memref<128x144xf32, #tpu.memory_space<vmem>>, vector<1x16xf32>,
          %mul3A_533 = arith.constant 4 : i32
          %mul3A_534 = arith.muli %scan3A_75, %mul3A_533 : i32
          %add3A_535 = arith.constant 3 : i32
          %add3A_536 = arith.addi %mul3A_534, %add3A_535 : i32
          %broadcast_in_dim3A_537 = arith.constant 0 : i32
          %broadcast_in_dim3A_538 = vector.broadcast %broadcast_in_dim3A_537 : i32 to vector<16x1xi32>
          %gather3A_539 = vector.shape_cast %broadcast_in_dim3A_538 : vector<16x1xi32> to vector<16xi32>
          %gather3A_540 = tpu.dynamic_gather %select_n3A_180[%gather3A_539] in [0] : vector<16xf32>, vector<16xi32> -> vector<16xf32>
          %get3A_541 = arith.index_cast %add3A_536 : i32 to index
          %get3A_542 = arith.constant 16 : index
          %get3A_543 = tpu.vector_load %arg9[%get3A_541, %get3A_542] {strides = array<i32>} : memref<128x144xf32, #tpu.memory_space<vmem>>, vector<1x16xf32>,
          %get3A_544 = vector.shape_cast %get3A_543 : vector<1x16xf32> to vector<16xf32>
          %mul3A_545 = arith.mulf %get3A_544, %gather3A_540 : vector<16xf32>
          %swap3A_546 = arith.index_cast %add3A_536 : i32 to index
          %swap3A_547 = arith.constant 16 : index
          %swap3A_548 = tpu.vector_load %arg9[%swap3A_546, %swap3A_547] {strides = array<i32>} : memref<128x144xf32, #tpu.memory_space<vmem>>, vector<1x16xf32>,
          %swap3A_549 = vector.shape_cast %swap3A_548 : vector<1x16xf32> to vector<16xf32>
          %swap3A_550 = vector.shape_cast %mul3A_545 : vector<16xf32> to vector<1x16xf32>
          tpu.vector_store %arg9[%swap3A_546, %swap3A_547], %swap3A_550 {strides = array<i32>} : memref<128x144xf32, #tpu.memory_space<vmem>>, vector<1x16xf32>,
          %broadcast_in_dim3A_551 = arith.constant 1 : i32
          %broadcast_in_dim3A_552 = vector.broadcast %broadcast_in_dim3A_551 : i32 to vector<16x1xi32>
          %gather3A_553 = vector.shape_cast %broadcast_in_dim3A_552 : vector<16x1xi32> to vector<16xi32>
          %gather3A_554 = tpu.dynamic_gather %select_n3A_180[%gather3A_553] in [0] : vector<16xf32>, vector<16xi32> -> vector<16xf32>
          %get3A_555 = arith.index_cast %add3A_536 : i32 to index
          %get3A_556 = arith.constant 32 : index
          %get3A_557 = tpu.vector_load %arg9[%get3A_555, %get3A_556] {strides = array<i32>} : memref<128x144xf32, #tpu.memory_space<vmem>>, vector<1x16xf32>,
          %get3A_558 = vector.shape_cast %get3A_557 : vector<1x16xf32> to vector<16xf32>
          %mul3A_559 = arith.mulf %get3A_558, %gather3A_554 : vector<16xf32>
          %swap3A_560 = arith.index_cast %add3A_536 : i32 to index
          %swap3A_561 = arith.constant 32 : index
          %swap3A_562 = tpu.vector_load %arg9[%swap3A_560, %swap3A_561] {strides = array<i32>} : memref<128x144xf32, #tpu.memory_space<vmem>>, vector<1x16xf32>,
          %swap3A_563 = vector.shape_cast %swap3A_562 : vector<1x16xf32> to vector<16xf32>
          %swap3A_564 = vector.shape_cast %mul3A_559 : vector<16xf32> to vector<1x16xf32>
          tpu.vector_store %arg9[%swap3A_560, %swap3A_561], %swap3A_564 {strides = array<i32>} : memref<128x144xf32, #tpu.memory_space<vmem>>, vector<1x16xf32>,
          %broadcast_in_dim3A_565 = arith.constant 2 : i32
          %broadcast_in_dim3A_566 = vector.broadcast %broadcast_in_dim3A_565 : i32 to vector<16x1xi32>
          %gather3A_567 = vector.shape_cast %broadcast_in_dim3A_566 : vector<16x1xi32> to vector<16xi32>
          %gather3A_568 = tpu.dynamic_gather %select_n3A_180[%gather3A_567] in [0] : vector<16xf32>, vector<16xi32> -> vector<16xf32>
          %get3A_569 = arith.index_cast %add3A_536 : i32 to index
          %get3A_570 = arith.constant 48 : index
          %get3A_571 = tpu.vector_load %arg9[%get3A_569, %get3A_570] {strides = array<i32>} : memref<128x144xf32, #tpu.memory_space<vmem>>, vector<1x16xf32>,
          %get3A_572 = vector.shape_cast %get3A_571 : vector<1x16xf32> to vector<16xf32>
          %mul3A_573 = arith.mulf %get3A_572, %gather3A_568 : vector<16xf32>
          %swap3A_574 = arith.index_cast %add3A_536 : i32 to index
          %swap3A_575 = arith.constant 48 : index
          %swap3A_576 = tpu.vector_load %arg9[%swap3A_574, %swap3A_575] {strides = array<i32>} : memref<128x144xf32, #tpu.memory_space<vmem>>, vector<1x16xf32>,
          %swap3A_577 = vector.shape_cast %swap3A_576 : vector<1x16xf32> to vector<16xf32>
          %swap3A_578 = vector.shape_cast %mul3A_573 : vector<16xf32> to vector<1x16xf32>
          tpu.vector_store %arg9[%swap3A_574, %swap3A_575], %swap3A_578 {strides = array<i32>} : memref<128x144xf32, #tpu.memory_space<vmem>>, vector<1x16xf32>,
          %broadcast_in_dim3A_579 = arith.constant 3 : i32
          %broadcast_in_dim3A_580 = vector.broadcast %broadcast_in_dim3A_579 : i32 to vector<16x1xi32>
          %gather3A_581 = vector.shape_cast %broadcast_in_dim3A_580 : vector<16x1xi32> to vector<16xi32>
          %gather3A_582 = tpu.dynamic_gather %select_n3A_180[%gather3A_581] in [0] : vector<16xf32>, vector<16xi32> -> vector<16xf32>
          %get3A_583 = arith.index_cast %add3A_536 : i32 to index
          %get3A_584 = arith.constant 64 : index
          %get3A_585 = tpu.vector_load %arg9[%get3A_583, %get3A_584] {strides = array<i32>} : memref<128x144xf32, #tpu.memory_space<vmem>>, vector<1x16xf32>,
          %get3A_586 = vector.shape_cast %get3A_585 : vector<1x16xf32> to vector<16xf32>
          %mul3A_587 = arith.mulf %get3A_586, %gather3A_582 : vector<16xf32>
          %swap3A_588 = arith.index_cast %add3A_536 : i32 to index
          %swap3A_589 = arith.constant 64 : index
          %swap3A_590 = tpu.vector_load %arg9[%swap3A_588, %swap3A_589] {strides = array<i32>} : memref<128x144xf32, #tpu.memory_space<vmem>>, vector<1x16xf32>,
          %swap3A_591 = vector.shape_cast %swap3A_590 : vector<1x16xf32> to vector<16xf32>
          %swap3A_592 = vector.shape_cast %mul3A_587 : vector<16xf32> to vector<1x16xf32>
          tpu.vector_store %arg9[%swap3A_588, %swap3A_589], %swap3A_592 {strides = array<i32>} : memref<128x144xf32, #tpu.memory_space<vmem>>, vector<1x16xf32>,
          %broadcast_in_dim3A_593 = arith.constant 4 : i32
          %broadcast_in_dim3A_594 = vector.broadcast %broadcast_in_dim3A_593 : i32 to vector<16x1xi32>
          %gather3A_595 = vector.shape_cast %broadcast_in_dim3A_594 : vector<16x1xi32> to vector<16xi32>
          %gather3A_596 = tpu.dynamic_gather %select_n3A_180[%gather3A_595] in [0] : vector<16xf32>, vector<16xi32> -> vector<16xf32>
          %get3A_597 = arith.index_cast %add3A_536 : i32 to index
          %get3A_598 = arith.constant 80 : index
          %get3A_599 = tpu.vector_load %arg9[%get3A_597, %get3A_598] {strides = array<i32>} : memref<128x144xf32, #tpu.memory_space<vmem>>, vector<1x16xf32>,
          %get3A_600 = vector.shape_cast %get3A_599 : vector<1x16xf32> to vector<16xf32>
          %mul3A_601 = arith.mulf %get3A_600, %gather3A_596 : vector<16xf32>
          %swap3A_602 = arith.index_cast %add3A_536 : i32 to index
          %swap3A_603 = arith.constant 80 : index
          %swap3A_604 = tpu.vector_load %arg9[%swap3A_602, %swap3A_603] {strides = array<i32>} : memref<128x144xf32, #tpu.memory_space<vmem>>, vector<1x16xf32>,
          %swap3A_605 = vector.shape_cast %swap3A_604 : vector<1x16xf32> to vector<16xf32>
          %swap3A_606 = vector.shape_cast %mul3A_601 : vector<16xf32> to vector<1x16xf32>
          tpu.vector_store %arg9[%swap3A_602, %swap3A_603], %swap3A_606 {strides = array<i32>} : memref<128x144xf32, #tpu.memory_space<vmem>>, vector<1x16xf32>,
          %broadcast_in_dim3A_607 = arith.constant 5 : i32
          %broadcast_in_dim3A_608 = vector.broadcast %broadcast_in_dim3A_607 : i32 to vector<16x1xi32>
          %gather3A_609 = vector.shape_cast %broadcast_in_dim3A_608 : vector<16x1xi32> to vector<16xi32>
          %gather3A_610 = tpu.dynamic_gather %select_n3A_180[%gather3A_609] in [0] : vector<16xf32>, vector<16xi32> -> vector<16xf32>
          %get3A_611 = arith.index_cast %add3A_536 : i32 to index
          %get3A_612 = arith.constant 96 : index
          %get3A_613 = tpu.vector_load %arg9[%get3A_611, %get3A_612] {strides = array<i32>} : memref<128x144xf32, #tpu.memory_space<vmem>>, vector<1x16xf32>,
          %get3A_614 = vector.shape_cast %get3A_613 : vector<1x16xf32> to vector<16xf32>
          %mul3A_615 = arith.mulf %get3A_614, %gather3A_610 : vector<16xf32>
          %swap3A_616 = arith.index_cast %add3A_536 : i32 to index
          %swap3A_617 = arith.constant 96 : index
          %swap3A_618 = tpu.vector_load %arg9[%swap3A_616, %swap3A_617] {strides = array<i32>} : memref<128x144xf32, #tpu.memory_space<vmem>>, vector<1x16xf32>,
          %swap3A_619 = vector.shape_cast %swap3A_618 : vector<1x16xf32> to vector<16xf32>
          %swap3A_620 = vector.shape_cast %mul3A_615 : vector<16xf32> to vector<1x16xf32>
          tpu.vector_store %arg9[%swap3A_616, %swap3A_617], %swap3A_620 {strides = array<i32>} : memref<128x144xf32, #tpu.memory_space<vmem>>, vector<1x16xf32>,
          %broadcast_in_dim3A_621 = arith.constant 6 : i32
          %broadcast_in_dim3A_622 = vector.broadcast %broadcast_in_dim3A_621 : i32 to vector<16x1xi32>
          %gather3A_623 = vector.shape_cast %broadcast_in_dim3A_622 : vector<16x1xi32> to vector<16xi32>
          %gather3A_624 = tpu.dynamic_gather %select_n3A_180[%gather3A_623] in [0] : vector<16xf32>, vector<16xi32> -> vector<16xf32>
          %get3A_625 = arith.index_cast %add3A_536 : i32 to index
          %get3A_626 = arith.constant 112 : index
          %get3A_627 = tpu.vector_load %arg9[%get3A_625, %get3A_626] {strides = array<i32>} : memref<128x144xf32, #tpu.memory_space<vmem>>, vector<1x16xf32>,
          %get3A_628 = vector.shape_cast %get3A_627 : vector<1x16xf32> to vector<16xf32>
          %mul3A_629 = arith.mulf %get3A_628, %gather3A_624 : vector<16xf32>
          %swap3A_630 = arith.index_cast %add3A_536 : i32 to index
          %swap3A_631 = arith.constant 112 : index
          %swap3A_632 = tpu.vector_load %arg9[%swap3A_630, %swap3A_631] {strides = array<i32>} : memref<128x144xf32, #tpu.memory_space<vmem>>, vector<1x16xf32>,
          %swap3A_633 = vector.shape_cast %swap3A_632 : vector<1x16xf32> to vector<16xf32>
          %swap3A_634 = vector.shape_cast %mul3A_629 : vector<16xf32> to vector<1x16xf32>
          tpu.vector_store %arg9[%swap3A_630, %swap3A_631], %swap3A_634 {strides = array<i32>} : memref<128x144xf32, #tpu.memory_space<vmem>>, vector<1x16xf32>,
          %broadcast_in_dim3A_635 = arith.constant 7 : i32
          %broadcast_in_dim3A_636 = vector.broadcast %broadcast_in_dim3A_635 : i32 to vector<16x1xi32>
          %gather3A_637 = vector.shape_cast %broadcast_in_dim3A_636 : vector<16x1xi32> to vector<16xi32>
          %gather3A_638 = tpu.dynamic_gather %select_n3A_180[%gather3A_637] in [0] : vector<16xf32>, vector<16xi32> -> vector<16xf32>
          %get3A_639 = arith.index_cast %add3A_536 : i32 to index
          %get3A_640 = arith.constant 128 : index
          %get3A_641 = tpu.vector_load %arg9[%get3A_639, %get3A_640] {strides = array<i32>} : memref<128x144xf32, #tpu.memory_space<vmem>>, vector<1x16xf32>,
          %get3A_642 = vector.shape_cast %get3A_641 : vector<1x16xf32> to vector<16xf32>
          %mul3A_643 = arith.mulf %get3A_642, %gather3A_638 : vector<16xf32>
          %swap3A_644 = arith.index_cast %add3A_536 : i32 to index
          %swap3A_645 = arith.constant 128 : index
          %swap3A_646 = tpu.vector_load %arg9[%swap3A_644, %swap3A_645] {strides = array<i32>} : memref<128x144xf32, #tpu.memory_space<vmem>>, vector<1x16xf32>,
          %swap3A_647 = vector.shape_cast %swap3A_646 : vector<1x16xf32> to vector<16xf32>
          %swap3A_648 = vector.shape_cast %mul3A_643 : vector<16xf32> to vector<1x16xf32>
          tpu.vector_store %arg9[%swap3A_644, %swap3A_645], %swap3A_648 {strides = array<i32>} : memref<128x144xf32, #tpu.memory_space<vmem>>, vector<1x16xf32>,
        }
        %scan3A_74 = arith.constant 32 : i32
        "tpu.region"() ({
          %run_scoped3A = tpu.sem_alloc : memref<!tpu.dma_semaphore, #tpu.memory_space<semaphore_mem>>
          %dma_start3A_75 = arith.constant 0 : i32
          %dma_start3A_76 = arith.constant 0 : i32
          %dma_start3A_77 = tpu.memref_slice %arg8[%dma_start3A_75, %dma_start3A_76] : memref<10112x144xf32, #tpu.memory_space<vmem_shared>> -> memref<10112x144xf32, #tpu.memory_space<vmem_shared>>
          tpu.enqueue_indirect_dma source(%arg9 : memref<128x144xf32, #tpu.memory_space<vmem>>) target(%dma_start3A_77 : memref<10112x144xf32, #tpu.memory_space<vmem_shared>>) offsets(%arg12 : memref<128xi32, #tpu.memory_space<vmem>>) semaphore(%run_scoped3A : memref<!tpu.dma_semaphore, #tpu.memory_space<semaphore_mem>>) {add = true}
          %dma_wait3A_78 = arith.constant 0 : i32
          %dma_wait3A_79 = arith.constant 0 : i32
          %dma_wait3A_80 = tpu.memref_slice %arg8[%dma_wait3A_78, %dma_wait3A_79] : memref<10112x144xf32, #tpu.memory_space<vmem_shared>> -> memref<10112x144xf32, #tpu.memory_space<vmem_shared>>
          tpu.wait_indirect_dma semaphore(%run_scoped3A : memref<!tpu.dma_semaphore, #tpu.memory_space<semaphore_mem>>) src(%arg9 : memref<128x144xf32, #tpu.memory_space<vmem>>) dst(%dma_wait3A_80 : memref<10112x144xf32, #tpu.memory_space<vmem_shared>>)
          tpu.yield
        }) : () -> ()
      } else {
      }
    }
    %scan3A_26 = arith.constant 79 : i32
    %barrier3A_27 = arith.constant 0 : index
    tpu.barrier barrier_id(%barrier3A_27)
    %add3A_28 = arith.constant 0 : i32
    %add3A_29 = arith.addi %mul3A_7, %add3A_28 : i32
    %add3A_30 = arith.constant 0 : i32
    %add3A_31 = arith.addi %mul3A_7, %add3A_30 : i32
    "tpu.region"() ({
      %run_scoped3A = tpu.sem_alloc : memref<!tpu.dma_semaphore, #tpu.memory_space<semaphore_mem>>
      %dma_start3A = arith.constant 0 : i32
      %dma_start3A_48 = tpu.memref_slice %arg7[%arg0, %add3A_31, %dma_start3A] : memref<2x10112x144xf32, #tpu.memory_space<hbm>> -> memref<1x128x144xf32, #tpu.memory_space<hbm>>
      %dma_start3A_49 = tpu.memref_squeeze %dma_start3A_48 : memref<1x128x144xf32, #tpu.memory_space<hbm>> -> memref<128x144xf32, #tpu.memory_space<hbm>>
      %dma_start3A_50 = arith.constant 0 : i32
      %dma_start3A_51 = tpu.memref_slice %arg8[%add3A_29, %dma_start3A_50] : memref<10112x144xf32, #tpu.memory_space<vmem_shared>> -> memref<128x144xf32, #tpu.memory_space<vmem_shared>>
      tpu.enqueue_dma source(%dma_start3A_51 : memref<128x144xf32, #tpu.memory_space<vmem_shared>>) target(%dma_start3A_49 : memref<128x144xf32, #tpu.memory_space<hbm>>) target_semaphore(%run_scoped3A : memref<!tpu.dma_semaphore, #tpu.memory_space<semaphore_mem>>)
      %dma_wait3A = arith.constant 0 : i32
      %dma_wait3A_52 = tpu.memref_slice %arg7[%arg0, %add3A_31, %dma_wait3A] : memref<2x10112x144xf32, #tpu.memory_space<hbm>> -> memref<1x128x144xf32, #tpu.memory_space<hbm>>
      %dma_wait3A_53 = tpu.memref_squeeze %dma_wait3A_52 : memref<1x128x144xf32, #tpu.memory_space<hbm>> -> memref<128x144xf32, #tpu.memory_space<hbm>>
      %dma_wait3A_54 = arith.constant 0 : i32
      %dma_wait3A_55 = tpu.memref_slice %arg8[%add3A_29, %dma_wait3A_54] : memref<10112x144xf32, #tpu.memory_space<vmem_shared>> -> memref<128x144xf32, #tpu.memory_space<vmem_shared>>
      tpu.wait_dma2 semaphore(%run_scoped3A : memref<!tpu.dma_semaphore, #tpu.memory_space<semaphore_mem>>) src(%dma_wait3A_55 : memref<128x144xf32, #tpu.memory_space<vmem_shared>>) dst(%dma_wait3A_53 : memref<128x144xf32, #tpu.memory_space<hbm>>)
      tpu.yield
    }) : () -> ()
    %add3A_32 = arith.constant 128 : i32
    %add3A_33 = arith.addi %mul3A_7, %add3A_32 : i32
    %add3A_34 = arith.constant 128 : i32
    %add3A_35 = arith.addi %mul3A_7, %add3A_34 : i32
    "tpu.region"() ({
      %run_scoped3A = tpu.sem_alloc : memref<!tpu.dma_semaphore, #tpu.memory_space<semaphore_mem>>
      %dma_start3A = arith.constant 0 : i32
      %dma_start3A_48 = tpu.memref_slice %arg7[%arg0, %add3A_35, %dma_start3A] : memref<2x10112x144xf32, #tpu.memory_space<hbm>> -> memref<1x128x144xf32, #tpu.memory_space<hbm>>
      %dma_start3A_49 = tpu.memref_squeeze %dma_start3A_48 : memref<1x128x144xf32, #tpu.memory_space<hbm>> -> memref<128x144xf32, #tpu.memory_space<hbm>>
      %dma_start3A_50 = arith.constant 0 : i32
      %dma_start3A_51 = tpu.memref_slice %arg8[%add3A_33, %dma_start3A_50] : memref<10112x144xf32, #tpu.memory_space<vmem_shared>> -> memref<128x144xf32, #tpu.memory_space<vmem_shared>>
      tpu.enqueue_dma source(%dma_start3A_51 : memref<128x144xf32, #tpu.memory_space<vmem_shared>>) target(%dma_start3A_49 : memref<128x144xf32, #tpu.memory_space<hbm>>) target_semaphore(%run_scoped3A : memref<!tpu.dma_semaphore, #tpu.memory_space<semaphore_mem>>)
      %dma_wait3A = arith.constant 0 : i32
      %dma_wait3A_52 = tpu.memref_slice %arg7[%arg0, %add3A_35, %dma_wait3A] : memref<2x10112x144xf32, #tpu.memory_space<hbm>> -> memref<1x128x144xf32, #tpu.memory_space<hbm>>
      %dma_wait3A_53 = tpu.memref_squeeze %dma_wait3A_52 : memref<1x128x144xf32, #tpu.memory_space<hbm>> -> memref<128x144xf32, #tpu.memory_space<hbm>>
      %dma_wait3A_54 = arith.constant 0 : i32
      %dma_wait3A_55 = tpu.memref_slice %arg8[%add3A_33, %dma_wait3A_54] : memref<10112x144xf32, #tpu.memory_space<vmem_shared>> -> memref<128x144xf32, #tpu.memory_space<vmem_shared>>
      tpu.wait_dma2 semaphore(%run_scoped3A : memref<!tpu.dma_semaphore, #tpu.memory_space<semaphore_mem>>) src(%dma_wait3A_55 : memref<128x144xf32, #tpu.memory_space<vmem_shared>>) dst(%dma_wait3A_53 : memref<128x144xf32, #tpu.memory_space<hbm>>)
      tpu.yield
    }) : () -> ()
    %add3A_36 = arith.constant 256 : i32
    %add3A_37 = arith.addi %mul3A_7, %add3A_36 : i32
    %add3A_38 = arith.constant 256 : i32
    %add3A_39 = arith.addi %mul3A_7, %add3A_38 : i32
    "tpu.region"() ({
      %run_scoped3A = tpu.sem_alloc : memref<!tpu.dma_semaphore, #tpu.memory_space<semaphore_mem>>
      %dma_start3A = arith.constant 0 : i32
      %dma_start3A_48 = tpu.memref_slice %arg7[%arg0, %add3A_39, %dma_start3A] : memref<2x10112x144xf32, #tpu.memory_space<hbm>> -> memref<1x128x144xf32, #tpu.memory_space<hbm>>
      %dma_start3A_49 = tpu.memref_squeeze %dma_start3A_48 : memref<1x128x144xf32, #tpu.memory_space<hbm>> -> memref<128x144xf32, #tpu.memory_space<hbm>>
      %dma_start3A_50 = arith.constant 0 : i32
      %dma_start3A_51 = tpu.memref_slice %arg8[%add3A_37, %dma_start3A_50] : memref<10112x144xf32, #tpu.memory_space<vmem_shared>> -> memref<128x144xf32, #tpu.memory_space<vmem_shared>>
      tpu.enqueue_dma source(%dma_start3A_51 : memref<128x144xf32, #tpu.memory_space<vmem_shared>>) target(%dma_start3A_49 : memref<128x144xf32, #tpu.memory_space<hbm>>) target_semaphore(%run_scoped3A : memref<!tpu.dma_semaphore, #tpu.memory_space<semaphore_mem>>)
      %dma_wait3A = arith.constant 0 : i32
      %dma_wait3A_52 = tpu.memref_slice %arg7[%arg0, %add3A_39, %dma_wait3A] : memref<2x10112x144xf32, #tpu.memory_space<hbm>> -> memref<1x128x144xf32, #tpu.memory_space<hbm>>
      %dma_wait3A_53 = tpu.memref_squeeze %dma_wait3A_52 : memref<1x128x144xf32, #tpu.memory_space<hbm>> -> memref<128x144xf32, #tpu.memory_space<hbm>>
      %dma_wait3A_54 = arith.constant 0 : i32
      %dma_wait3A_55 = tpu.memref_slice %arg8[%add3A_37, %dma_wait3A_54] : memref<10112x144xf32, #tpu.memory_space<vmem_shared>> -> memref<128x144xf32, #tpu.memory_space<vmem_shared>>
      tpu.wait_dma2 semaphore(%run_scoped3A : memref<!tpu.dma_semaphore, #tpu.memory_space<semaphore_mem>>) src(%dma_wait3A_55 : memref<128x144xf32, #tpu.memory_space<vmem_shared>>) dst(%dma_wait3A_53 : memref<128x144xf32, #tpu.memory_space<hbm>>)
      tpu.yield
    }) : () -> ()
    %add3A_40 = arith.constant 384 : i32
    %add3A_41 = arith.addi %mul3A_7, %add3A_40 : i32
    %add3A_42 = arith.constant 384 : i32
    %add3A_43 = arith.addi %mul3A_7, %add3A_42 : i32
    "tpu.region"() ({
      %run_scoped3A = tpu.sem_alloc : memref<!tpu.dma_semaphore, #tpu.memory_space<semaphore_mem>>
      %dma_start3A = arith.constant 0 : i32
      %dma_start3A_48 = tpu.memref_slice %arg7[%arg0, %add3A_43, %dma_start3A] : memref<2x10112x144xf32, #tpu.memory_space<hbm>> -> memref<1x128x144xf32, #tpu.memory_space<hbm>>
      %dma_start3A_49 = tpu.memref_squeeze %dma_start3A_48 : memref<1x128x144xf32, #tpu.memory_space<hbm>> -> memref<128x144xf32, #tpu.memory_space<hbm>>
      %dma_start3A_50 = arith.constant 0 : i32
      %dma_start3A_51 = tpu.memref_slice %arg8[%add3A_41, %dma_start3A_50] : memref<10112x144xf32, #tpu.memory_space<vmem_shared>> -> memref<128x144xf32, #tpu.memory_space<vmem_shared>>
      tpu.enqueue_dma source(%dma_start3A_51 : memref<128x144xf32, #tpu.memory_space<vmem_shared>>) target(%dma_start3A_49 : memref<128x144xf32, #tpu.memory_space<hbm>>) target_semaphore(%run_scoped3A : memref<!tpu.dma_semaphore, #tpu.memory_space<semaphore_mem>>)
      %dma_wait3A = arith.constant 0 : i32
      %dma_wait3A_52 = tpu.memref_slice %arg7[%arg0, %add3A_43, %dma_wait3A] : memref<2x10112x144xf32, #tpu.memory_space<hbm>> -> memref<1x128x144xf32, #tpu.memory_space<hbm>>
      %dma_wait3A_53 = tpu.memref_squeeze %dma_wait3A_52 : memref<1x128x144xf32, #tpu.memory_space<hbm>> -> memref<128x144xf32, #tpu.memory_space<hbm>>
      %dma_wait3A_54 = arith.constant 0 : i32
      %dma_wait3A_55 = tpu.memref_slice %arg8[%add3A_41, %dma_wait3A_54] : memref<10112x144xf32, #tpu.memory_space<vmem_shared>> -> memref<128x144xf32, #tpu.memory_space<vmem_shared>>
      tpu.wait_dma2 semaphore(%run_scoped3A : memref<!tpu.dma_semaphore, #tpu.memory_space<semaphore_mem>>) src(%dma_wait3A_55 : memref<128x144xf32, #tpu.memory_space<vmem_shared>>) dst(%dma_wait3A_53 : memref<128x144xf32, #tpu.memory_space<hbm>>)
      tpu.yield
    }) : () -> ()
    %add3A_44 = arith.constant 512 : i32
    %add3A_45 = arith.addi %mul3A_7, %add3A_44 : i32
    %add3A_46 = arith.constant 512 : i32
    %add3A_47 = arith.addi %mul3A_7, %add3A_46 : i32
    "tpu.region"() ({
      %run_scoped3A = tpu.sem_alloc : memref<!tpu.dma_semaphore, #tpu.memory_space<semaphore_mem>>
      %dma_start3A = arith.constant 0 : i32
      %dma_start3A_48 = tpu.memref_slice %arg7[%arg0, %add3A_47, %dma_start3A] : memref<2x10112x144xf32, #tpu.memory_space<hbm>> -> memref<1x120x144xf32, #tpu.memory_space<hbm>>
      %dma_start3A_49 = tpu.memref_squeeze %dma_start3A_48 : memref<1x120x144xf32, #tpu.memory_space<hbm>> -> memref<120x144xf32, #tpu.memory_space<hbm>>
      %dma_start3A_50 = arith.constant 0 : i32
      %dma_start3A_51 = tpu.memref_slice %arg8[%add3A_45, %dma_start3A_50] : memref<10112x144xf32, #tpu.memory_space<vmem_shared>> -> memref<120x144xf32, #tpu.memory_space<vmem_shared>>
      tpu.enqueue_dma source(%dma_start3A_51 : memref<120x144xf32, #tpu.memory_space<vmem_shared>>) target(%dma_start3A_49 : memref<120x144xf32, #tpu.memory_space<hbm>>) target_semaphore(%run_scoped3A : memref<!tpu.dma_semaphore, #tpu.memory_space<semaphore_mem>>)
      %dma_wait3A = arith.constant 0 : i32
      %dma_wait3A_52 = tpu.memref_slice %arg7[%arg0, %add3A_47, %dma_wait3A] : memref<2x10112x144xf32, #tpu.memory_space<hbm>> -> memref<1x120x144xf32, #tpu.memory_space<hbm>>
      %dma_wait3A_53 = tpu.memref_squeeze %dma_wait3A_52 : memref<1x120x144xf32, #tpu.memory_space<hbm>> -> memref<120x144xf32, #tpu.memory_space<hbm>>
      %dma_wait3A_54 = arith.constant 0 : i32
      %dma_wait3A_55 = tpu.memref_slice %arg8[%add3A_45, %dma_wait3A_54] : memref<10112x144xf32, #tpu.memory_space<vmem_shared>> -> memref<120x144xf32, #tpu.memory_space<vmem_shared>>
      tpu.wait_dma2 semaphore(%run_scoped3A : memref<!tpu.dma_semaphore, #tpu.memory_space<semaphore_mem>>) src(%dma_wait3A_55 : memref<120x144xf32, #tpu.memory_space<vmem_shared>>) dst(%dma_wait3A_53 : memref<120x144xf32, #tpu.memory_space<hbm>>)
      tpu.yield
    }) : () -> ()
    return
  }
}

#map = affine_map<(d0, d1) -> (0, 0)>
#map1 = affine_map<(d0, d1) -> (0)>
#map2 = affine_map<(d0, d1) -> (0, 0, 0)>
module attributes {stable_mosaic.version = 14 : i64} {
  func.func @_sc2_body(%arg0: i32, %arg1: i32, %arg2: memref<10000x16xf32, #tpu.memory_space<hbm>>, %arg3: memref<10000x16xf32, #tpu.memory_space<hbm>>, %arg4: memref<323584xi32, #tpu.memory_space<hbm>>, %arg5: memref<323584xi32, #tpu.memory_space<hbm>>, %arg6: memref<16xf32, #tpu.memory_space<hbm>>, %arg7: memref<2x10112x16xf32, #tpu.memory_space<hbm>>, %arg8: memref<10112x16xf32, #tpu.memory_space<vmem_shared>>, %arg9: memref<128x16xf32, #tpu.memory_space<vmem>>, %arg10: memref<128x16xf32, #tpu.memory_space<vmem>>, %arg11: memref<128xi32, #tpu.memory_space<vmem>>, %arg12: memref<128xi32, #tpu.memory_space<vmem>>, %arg13: memref<16xf32, #tpu.memory_space<vmem>>, %arg14: memref<!tpu.dma_semaphore, #tpu.memory_space<semaphore_mem>>, %arg15: memref<!tpu.dma_semaphore, #tpu.memory_space<semaphore_mem>>) attributes {dimension_semantics = [#tpu.dimension_semantics<core_parallel>, #tpu.dimension_semantics<subcore_parallel>], iteration_bounds = array<i64: 2, 16>, scalar_prefetch = 0 : i64, scratch_operands = 8 : i64, tpu.core_type = #tpu.core_type<sc_vector_subcore>, window_params = [{transform_indices = #map}, {transform_indices = #map}, {transform_indices = #map1}, {transform_indices = #map1}, {transform_indices = #map1}, {transform_indices = #map2}]} {
    %mul3A = arith.constant 2 : i32
    %mul3A_0 = arith.muli %arg1, %mul3A : i32
    %add3A = arith.addi %mul3A_0, %arg0 : i32
    %scan3A = arith.constant 0 : i32
    %scan3A_1 = arith.constant 0 : i32
    %scan3A_2 = arith.constant 128 : i32
    %scan3A_3 = arith.addi %scan3A_1, %scan3A_2 : i32
    %scan3A_4 = arith.constant 1 : i32
    scf.for %scan3A_61 = %scan3A_1 to %scan3A_3 step %scan3A_4  : i32 {
      %broadcast_in_dim3A_62 = arith.constant 0.000000e+00 : f32
      %broadcast_in_dim3A_63 = vector.broadcast %broadcast_in_dim3A_62 : f32 to vector<16xf32>
      %swap3A = arith.index_cast %scan3A_61 : i32 to index
      %swap3A_64 = arith.constant 0 : index
      %swap3A_65 = tpu.vector_load %arg9[%swap3A, %swap3A_64] {strides = array<i32>} : memref<128x16xf32, #tpu.memory_space<vmem>>, vector<1x16xf32>,
      %swap3A_66 = vector.shape_cast %swap3A_65 : vector<1x16xf32> to vector<16xf32>
      %swap3A_67 = vector.shape_cast %broadcast_in_dim3A_63 : vector<16xf32> to vector<1x16xf32>
      tpu.vector_store %arg9[%swap3A, %swap3A_64], %swap3A_67 {strides = array<i32>} : memref<128x16xf32, #tpu.memory_space<vmem>>, vector<1x16xf32>,
    }
    %scan3A_5 = arith.constant 128 : i32
    %mul3A_6 = arith.constant 632 : i32
    %mul3A_7 = arith.muli %arg1, %mul3A_6 : i32
    %add3A_8 = arith.constant 0 : i32
    %add3A_9 = arith.addi %mul3A_7, %add3A_8 : i32
    "tpu.region"() ({
      %run_scoped3A = tpu.sem_alloc : memref<!tpu.dma_semaphore, #tpu.memory_space<semaphore_mem>>
      %dma_start3A = arith.constant 0 : i32
      %dma_start3A_61 = arith.constant 0 : i32
      %dma_start3A_62 = tpu.memref_slice %arg9[%dma_start3A, %dma_start3A_61] : memref<128x16xf32, #tpu.memory_space<vmem>> -> memref<128x16xf32, #tpu.memory_space<vmem>>
      %dma_start3A_63 = arith.constant 0 : i32
      %dma_start3A_64 = tpu.memref_slice %arg8[%add3A_9, %dma_start3A_63] : memref<10112x16xf32, #tpu.memory_space<vmem_shared>> -> memref<128x16xf32, #tpu.memory_space<vmem_shared>>
      %dma_start3A_65 = arith.constant 0 : i32
      %dma_start3A_66 = tpu.memref_slice %arg8[%add3A_9, %dma_start3A_65] : memref<10112x16xf32, #tpu.memory_space<vmem_shared>> -> memref<128x16xf32, #tpu.memory_space<vmem_shared>>
      %dma_start3A_67 = arith.constant 0 : i32
      %dma_start3A_68 = arith.constant 0 : i32
      %dma_start3A_69 = tpu.memref_slice %arg9[%dma_start3A_67, %dma_start3A_68] : memref<128x16xf32, #tpu.memory_space<vmem>> -> memref<128x16xf32, #tpu.memory_space<vmem>>
      tpu.enqueue_dma source(%dma_start3A_69 : memref<128x16xf32, #tpu.memory_space<vmem>>) target(%dma_start3A_66 : memref<128x16xf32, #tpu.memory_space<vmem_shared>>) target_semaphore(%run_scoped3A : memref<!tpu.dma_semaphore, #tpu.memory_space<semaphore_mem>>)
      %dma_wait3A = arith.constant 0 : i32
      %dma_wait3A_70 = arith.constant 0 : i32
      %dma_wait3A_71 = tpu.memref_slice %arg9[%dma_wait3A, %dma_wait3A_70] : memref<128x16xf32, #tpu.memory_space<vmem>> -> memref<128x16xf32, #tpu.memory_space<vmem>>
      %dma_wait3A_72 = arith.constant 0 : i32
      %dma_wait3A_73 = tpu.memref_slice %arg8[%add3A_9, %dma_wait3A_72] : memref<10112x16xf32, #tpu.memory_space<vmem_shared>> -> memref<128x16xf32, #tpu.memory_space<vmem_shared>>
      %dma_wait3A_74 = arith.constant 0 : i32
      %dma_wait3A_75 = tpu.memref_slice %arg8[%add3A_9, %dma_wait3A_74] : memref<10112x16xf32, #tpu.memory_space<vmem_shared>> -> memref<128x16xf32, #tpu.memory_space<vmem_shared>>
      %dma_wait3A_76 = arith.constant 0 : i32
      %dma_wait3A_77 = arith.constant 0 : i32
      %dma_wait3A_78 = tpu.memref_slice %arg9[%dma_wait3A_76, %dma_wait3A_77] : memref<128x16xf32, #tpu.memory_space<vmem>> -> memref<128x16xf32, #tpu.memory_space<vmem>>
      tpu.wait_dma2 semaphore(%run_scoped3A : memref<!tpu.dma_semaphore, #tpu.memory_space<semaphore_mem>>) src(%dma_wait3A_78 : memref<128x16xf32, #tpu.memory_space<vmem>>) dst(%dma_wait3A_75 : memref<128x16xf32, #tpu.memory_space<vmem_shared>>)
      tpu.yield
    }) : () -> ()
    %add3A_10 = arith.constant 128 : i32
    %add3A_11 = arith.addi %mul3A_7, %add3A_10 : i32
    "tpu.region"() ({
      %run_scoped3A = tpu.sem_alloc : memref<!tpu.dma_semaphore, #tpu.memory_space<semaphore_mem>>
      %dma_start3A = arith.constant 0 : i32
      %dma_start3A_61 = arith.constant 0 : i32
      %dma_start3A_62 = tpu.memref_slice %arg9[%dma_start3A, %dma_start3A_61] : memref<128x16xf32, #tpu.memory_space<vmem>> -> memref<128x16xf32, #tpu.memory_space<vmem>>
      %dma_start3A_63 = arith.constant 0 : i32
      %dma_start3A_64 = tpu.memref_slice %arg8[%add3A_11, %dma_start3A_63] : memref<10112x16xf32, #tpu.memory_space<vmem_shared>> -> memref<128x16xf32, #tpu.memory_space<vmem_shared>>
      %dma_start3A_65 = arith.constant 0 : i32
      %dma_start3A_66 = tpu.memref_slice %arg8[%add3A_11, %dma_start3A_65] : memref<10112x16xf32, #tpu.memory_space<vmem_shared>> -> memref<128x16xf32, #tpu.memory_space<vmem_shared>>
      %dma_start3A_67 = arith.constant 0 : i32
      %dma_start3A_68 = arith.constant 0 : i32
      %dma_start3A_69 = tpu.memref_slice %arg9[%dma_start3A_67, %dma_start3A_68] : memref<128x16xf32, #tpu.memory_space<vmem>> -> memref<128x16xf32, #tpu.memory_space<vmem>>
      tpu.enqueue_dma source(%dma_start3A_69 : memref<128x16xf32, #tpu.memory_space<vmem>>) target(%dma_start3A_66 : memref<128x16xf32, #tpu.memory_space<vmem_shared>>) target_semaphore(%run_scoped3A : memref<!tpu.dma_semaphore, #tpu.memory_space<semaphore_mem>>)
      %dma_wait3A = arith.constant 0 : i32
      %dma_wait3A_70 = arith.constant 0 : i32
      %dma_wait3A_71 = tpu.memref_slice %arg9[%dma_wait3A, %dma_wait3A_70] : memref<128x16xf32, #tpu.memory_space<vmem>> -> memref<128x16xf32, #tpu.memory_space<vmem>>
      %dma_wait3A_72 = arith.constant 0 : i32
      %dma_wait3A_73 = tpu.memref_slice %arg8[%add3A_11, %dma_wait3A_72] : memref<10112x16xf32, #tpu.memory_space<vmem_shared>> -> memref<128x16xf32, #tpu.memory_space<vmem_shared>>
      %dma_wait3A_74 = arith.constant 0 : i32
      %dma_wait3A_75 = tpu.memref_slice %arg8[%add3A_11, %dma_wait3A_74] : memref<10112x16xf32, #tpu.memory_space<vmem_shared>> -> memref<128x16xf32, #tpu.memory_space<vmem_shared>>
      %dma_wait3A_76 = arith.constant 0 : i32
      %dma_wait3A_77 = arith.constant 0 : i32
      %dma_wait3A_78 = tpu.memref_slice %arg9[%dma_wait3A_76, %dma_wait3A_77] : memref<128x16xf32, #tpu.memory_space<vmem>> -> memref<128x16xf32, #tpu.memory_space<vmem>>
      tpu.wait_dma2 semaphore(%run_scoped3A : memref<!tpu.dma_semaphore, #tpu.memory_space<semaphore_mem>>) src(%dma_wait3A_78 : memref<128x16xf32, #tpu.memory_space<vmem>>) dst(%dma_wait3A_75 : memref<128x16xf32, #tpu.memory_space<vmem_shared>>)
      tpu.yield
    }) : () -> ()
    %add3A_12 = arith.constant 256 : i32
    %add3A_13 = arith.addi %mul3A_7, %add3A_12 : i32
    "tpu.region"() ({
      %run_scoped3A = tpu.sem_alloc : memref<!tpu.dma_semaphore, #tpu.memory_space<semaphore_mem>>
      %dma_start3A = arith.constant 0 : i32
      %dma_start3A_61 = arith.constant 0 : i32
      %dma_start3A_62 = tpu.memref_slice %arg9[%dma_start3A, %dma_start3A_61] : memref<128x16xf32, #tpu.memory_space<vmem>> -> memref<128x16xf32, #tpu.memory_space<vmem>>
      %dma_start3A_63 = arith.constant 0 : i32
      %dma_start3A_64 = tpu.memref_slice %arg8[%add3A_13, %dma_start3A_63] : memref<10112x16xf32, #tpu.memory_space<vmem_shared>> -> memref<128x16xf32, #tpu.memory_space<vmem_shared>>
      %dma_start3A_65 = arith.constant 0 : i32
      %dma_start3A_66 = tpu.memref_slice %arg8[%add3A_13, %dma_start3A_65] : memref<10112x16xf32, #tpu.memory_space<vmem_shared>> -> memref<128x16xf32, #tpu.memory_space<vmem_shared>>
      %dma_start3A_67 = arith.constant 0 : i32
      %dma_start3A_68 = arith.constant 0 : i32
      %dma_start3A_69 = tpu.memref_slice %arg9[%dma_start3A_67, %dma_start3A_68] : memref<128x16xf32, #tpu.memory_space<vmem>> -> memref<128x16xf32, #tpu.memory_space<vmem>>
      tpu.enqueue_dma source(%dma_start3A_69 : memref<128x16xf32, #tpu.memory_space<vmem>>) target(%dma_start3A_66 : memref<128x16xf32, #tpu.memory_space<vmem_shared>>) target_semaphore(%run_scoped3A : memref<!tpu.dma_semaphore, #tpu.memory_space<semaphore_mem>>)
      %dma_wait3A = arith.constant 0 : i32
      %dma_wait3A_70 = arith.constant 0 : i32
      %dma_wait3A_71 = tpu.memref_slice %arg9[%dma_wait3A, %dma_wait3A_70] : memref<128x16xf32, #tpu.memory_space<vmem>> -> memref<128x16xf32, #tpu.memory_space<vmem>>
      %dma_wait3A_72 = arith.constant 0 : i32
      %dma_wait3A_73 = tpu.memref_slice %arg8[%add3A_13, %dma_wait3A_72] : memref<10112x16xf32, #tpu.memory_space<vmem_shared>> -> memref<128x16xf32, #tpu.memory_space<vmem_shared>>
      %dma_wait3A_74 = arith.constant 0 : i32
      %dma_wait3A_75 = tpu.memref_slice %arg8[%add3A_13, %dma_wait3A_74] : memref<10112x16xf32, #tpu.memory_space<vmem_shared>> -> memref<128x16xf32, #tpu.memory_space<vmem_shared>>
      %dma_wait3A_76 = arith.constant 0 : i32
      %dma_wait3A_77 = arith.constant 0 : i32
      %dma_wait3A_78 = tpu.memref_slice %arg9[%dma_wait3A_76, %dma_wait3A_77] : memref<128x16xf32, #tpu.memory_space<vmem>> -> memref<128x16xf32, #tpu.memory_space<vmem>>
      tpu.wait_dma2 semaphore(%run_scoped3A : memref<!tpu.dma_semaphore, #tpu.memory_space<semaphore_mem>>) src(%dma_wait3A_78 : memref<128x16xf32, #tpu.memory_space<vmem>>) dst(%dma_wait3A_75 : memref<128x16xf32, #tpu.memory_space<vmem_shared>>)
      tpu.yield
    }) : () -> ()
    %add3A_14 = arith.constant 384 : i32
    %add3A_15 = arith.addi %mul3A_7, %add3A_14 : i32
    "tpu.region"() ({
      %run_scoped3A = tpu.sem_alloc : memref<!tpu.dma_semaphore, #tpu.memory_space<semaphore_mem>>
      %dma_start3A = arith.constant 0 : i32
      %dma_start3A_61 = arith.constant 0 : i32
      %dma_start3A_62 = tpu.memref_slice %arg9[%dma_start3A, %dma_start3A_61] : memref<128x16xf32, #tpu.memory_space<vmem>> -> memref<128x16xf32, #tpu.memory_space<vmem>>
      %dma_start3A_63 = arith.constant 0 : i32
      %dma_start3A_64 = tpu.memref_slice %arg8[%add3A_15, %dma_start3A_63] : memref<10112x16xf32, #tpu.memory_space<vmem_shared>> -> memref<128x16xf32, #tpu.memory_space<vmem_shared>>
      %dma_start3A_65 = arith.constant 0 : i32
      %dma_start3A_66 = tpu.memref_slice %arg8[%add3A_15, %dma_start3A_65] : memref<10112x16xf32, #tpu.memory_space<vmem_shared>> -> memref<128x16xf32, #tpu.memory_space<vmem_shared>>
      %dma_start3A_67 = arith.constant 0 : i32
      %dma_start3A_68 = arith.constant 0 : i32
      %dma_start3A_69 = tpu.memref_slice %arg9[%dma_start3A_67, %dma_start3A_68] : memref<128x16xf32, #tpu.memory_space<vmem>> -> memref<128x16xf32, #tpu.memory_space<vmem>>
      tpu.enqueue_dma source(%dma_start3A_69 : memref<128x16xf32, #tpu.memory_space<vmem>>) target(%dma_start3A_66 : memref<128x16xf32, #tpu.memory_space<vmem_shared>>) target_semaphore(%run_scoped3A : memref<!tpu.dma_semaphore, #tpu.memory_space<semaphore_mem>>)
      %dma_wait3A = arith.constant 0 : i32
      %dma_wait3A_70 = arith.constant 0 : i32
      %dma_wait3A_71 = tpu.memref_slice %arg9[%dma_wait3A, %dma_wait3A_70] : memref<128x16xf32, #tpu.memory_space<vmem>> -> memref<128x16xf32, #tpu.memory_space<vmem>>
      %dma_wait3A_72 = arith.constant 0 : i32
      %dma_wait3A_73 = tpu.memref_slice %arg8[%add3A_15, %dma_wait3A_72] : memref<10112x16xf32, #tpu.memory_space<vmem_shared>> -> memref<128x16xf32, #tpu.memory_space<vmem_shared>>
      %dma_wait3A_74 = arith.constant 0 : i32
      %dma_wait3A_75 = tpu.memref_slice %arg8[%add3A_15, %dma_wait3A_74] : memref<10112x16xf32, #tpu.memory_space<vmem_shared>> -> memref<128x16xf32, #tpu.memory_space<vmem_shared>>
      %dma_wait3A_76 = arith.constant 0 : i32
      %dma_wait3A_77 = arith.constant 0 : i32
      %dma_wait3A_78 = tpu.memref_slice %arg9[%dma_wait3A_76, %dma_wait3A_77] : memref<128x16xf32, #tpu.memory_space<vmem>> -> memref<128x16xf32, #tpu.memory_space<vmem>>
      tpu.wait_dma2 semaphore(%run_scoped3A : memref<!tpu.dma_semaphore, #tpu.memory_space<semaphore_mem>>) src(%dma_wait3A_78 : memref<128x16xf32, #tpu.memory_space<vmem>>) dst(%dma_wait3A_75 : memref<128x16xf32, #tpu.memory_space<vmem_shared>>)
      tpu.yield
    }) : () -> ()
    %add3A_16 = arith.constant 512 : i32
    %add3A_17 = arith.addi %mul3A_7, %add3A_16 : i32
    "tpu.region"() ({
      %run_scoped3A = tpu.sem_alloc : memref<!tpu.dma_semaphore, #tpu.memory_space<semaphore_mem>>
      %dma_start3A = arith.constant 0 : i32
      %dma_start3A_61 = arith.constant 0 : i32
      %dma_start3A_62 = tpu.memref_slice %arg9[%dma_start3A, %dma_start3A_61] : memref<128x16xf32, #tpu.memory_space<vmem>> -> memref<120x16xf32, #tpu.memory_space<vmem>>
      %dma_start3A_63 = arith.constant 0 : i32
      %dma_start3A_64 = tpu.memref_slice %arg8[%add3A_17, %dma_start3A_63] : memref<10112x16xf32, #tpu.memory_space<vmem_shared>> -> memref<120x16xf32, #tpu.memory_space<vmem_shared>>
      %dma_start3A_65 = arith.constant 0 : i32
      %dma_start3A_66 = tpu.memref_slice %arg8[%add3A_17, %dma_start3A_65] : memref<10112x16xf32, #tpu.memory_space<vmem_shared>> -> memref<120x16xf32, #tpu.memory_space<vmem_shared>>
      %dma_start3A_67 = arith.constant 0 : i32
      %dma_start3A_68 = arith.constant 0 : i32
      %dma_start3A_69 = tpu.memref_slice %arg9[%dma_start3A_67, %dma_start3A_68] : memref<128x16xf32, #tpu.memory_space<vmem>> -> memref<120x16xf32, #tpu.memory_space<vmem>>
      tpu.enqueue_dma source(%dma_start3A_69 : memref<120x16xf32, #tpu.memory_space<vmem>>) target(%dma_start3A_66 : memref<120x16xf32, #tpu.memory_space<vmem_shared>>) target_semaphore(%run_scoped3A : memref<!tpu.dma_semaphore, #tpu.memory_space<semaphore_mem>>)
      %dma_wait3A = arith.constant 0 : i32
      %dma_wait3A_70 = arith.constant 0 : i32
      %dma_wait3A_71 = tpu.memref_slice %arg9[%dma_wait3A, %dma_wait3A_70] : memref<128x16xf32, #tpu.memory_space<vmem>> -> memref<120x16xf32, #tpu.memory_space<vmem>>
      %dma_wait3A_72 = arith.constant 0 : i32
      %dma_wait3A_73 = tpu.memref_slice %arg8[%add3A_17, %dma_wait3A_72] : memref<10112x16xf32, #tpu.memory_space<vmem_shared>> -> memref<120x16xf32, #tpu.memory_space<vmem_shared>>
      %dma_wait3A_74 = arith.constant 0 : i32
      %dma_wait3A_75 = tpu.memref_slice %arg8[%add3A_17, %dma_wait3A_74] : memref<10112x16xf32, #tpu.memory_space<vmem_shared>> -> memref<120x16xf32, #tpu.memory_space<vmem_shared>>
      %dma_wait3A_76 = arith.constant 0 : i32
      %dma_wait3A_77 = arith.constant 0 : i32
      %dma_wait3A_78 = tpu.memref_slice %arg9[%dma_wait3A_76, %dma_wait3A_77] : memref<128x16xf32, #tpu.memory_space<vmem>> -> memref<120x16xf32, #tpu.memory_space<vmem>>
      tpu.wait_dma2 semaphore(%run_scoped3A : memref<!tpu.dma_semaphore, #tpu.memory_space<semaphore_mem>>) src(%dma_wait3A_78 : memref<120x16xf32, #tpu.memory_space<vmem>>) dst(%dma_wait3A_75 : memref<120x16xf32, #tpu.memory_space<vmem_shared>>)
      tpu.yield
    }) : () -> ()
    %barrier3A = arith.constant 0 : index
    tpu.barrier barrier_id(%barrier3A)
    "tpu.region"() ({
      %run_scoped3A = tpu.sem_alloc : memref<!tpu.dma_semaphore, #tpu.memory_space<semaphore_mem>>
      tpu.enqueue_dma source(%arg6 : memref<16xf32, #tpu.memory_space<hbm>>) target(%arg13 : memref<16xf32, #tpu.memory_space<vmem>>) target_semaphore(%run_scoped3A : memref<!tpu.dma_semaphore, #tpu.memory_space<semaphore_mem>>)
      tpu.wait_dma2 semaphore(%run_scoped3A : memref<!tpu.dma_semaphore, #tpu.memory_space<semaphore_mem>>) src(%arg6 : memref<16xf32, #tpu.memory_space<hbm>>) dst(%arg13 : memref<16xf32, #tpu.memory_space<vmem>>)
      tpu.yield
    }) : () -> ()
    %get3A = arith.constant 0 : index
    %get3A_18 = tpu.vector_load %arg13[%get3A] {strides = array<i32>} : memref<16xf32, #tpu.memory_space<vmem>>, vector<16xf32>,
    %get3A_19 = vector.shape_cast %get3A_18 : vector<16xf32> to vector<16xf32>
    %broadcast_in_dim3A = arith.constant 0 : i32
    %broadcast_in_dim3A_20 = vector.broadcast %broadcast_in_dim3A : i32 to vector<16x1xi32>
    %gather3A = vector.shape_cast %broadcast_in_dim3A_20 : vector<16x1xi32> to vector<16xi32>
    %gather3A_21 = tpu.dynamic_gather %get3A_19[%gather3A] in [0] : vector<16xf32>, vector<16xi32> -> vector<16xf32>
    %broadcast_in_dim3A_22 = arith.constant 8 : i32
    %broadcast_in_dim3A_23 = vector.broadcast %broadcast_in_dim3A_22 : i32 to vector<16x1xi32>
    %gather3A_24 = vector.shape_cast %broadcast_in_dim3A_23 : vector<16x1xi32> to vector<16xi32>
    %gather3A_25 = tpu.dynamic_gather %get3A_19[%gather3A_24] in [0] : vector<16xf32>, vector<16xi32> -> vector<16xf32>
    %add3A_26 = arith.addf %gather3A_21, %gather3A_25 : vector<16xf32>
    %mul3A_27 = arith.constant 2.000000e-01 : f32
    %mul3A_28 = vector.broadcast %mul3A_27 : f32 to vector<16xf32>
    %mul3A_29 = arith.mulf %mul3A_28, %add3A_26 : vector<16xf32>
    %max3A = arith.maximumf %add3A_26, %mul3A_29 : vector<16xf32>
    %iota3A = tpu.iota {dimensions = array<i32: 0>} : vector<16xi32>
    %broadcast_in_dim3A_30 = arith.constant 0.000000e+00 : f32
    %broadcast_in_dim3A_31 = vector.broadcast %broadcast_in_dim3A_30 : f32 to vector<16xf32>
    %broadcast_in_dim3A_32 = arith.constant 1.000000e+00 : f32
    %broadcast_in_dim3A_33 = vector.broadcast %broadcast_in_dim3A_32 : f32 to vector<16xf32>
    %scan3A_34 = arith.constant 0 : i32
    %scan3A_35 = arith.constant 0 : i32
    %scan3A_36 = arith.constant 79 : i32
    %scan3A_37 = arith.addi %scan3A_35, %scan3A_36 : i32
    %scan3A_38 = arith.constant 1 : i32
    scf.for %scan3A_61 = %scan3A_35 to %scan3A_37 step %scan3A_38  : i32 {
      %mul3A_62 = arith.constant 32 : i32
      %mul3A_63 = arith.muli %scan3A_61, %mul3A_62 : i32
      %add3A_64 = arith.addi %mul3A_63, %add3A : i32
      %lt3A = arith.constant 2500 : i32
      %lt3A_65 = arith.cmpi slt, %add3A_64, %lt3A : i32
      %convert_element_type3A = arith.extui %lt3A_65 : i1 to i32
      %cond3A = arith.constant 0 : i32
      %cond3A_66 = arith.cmpi ne, %convert_element_type3A, %cond3A : i32
      scf.if %cond3A_66 {
        %mul3A_67 = arith.constant 128 : i32
        %mul3A_68 = arith.muli %add3A_64, %mul3A_67 : i32
        "tpu.region"() ({
          %run_scoped3A = tpu.sem_alloc : memref<!tpu.dma_semaphore, #tpu.memory_space<semaphore_mem>>
          %dma_start3A_85 = tpu.memref_slice %arg4[%mul3A_68] : memref<323584xi32, #tpu.memory_space<hbm>> -> memref<128xi32, #tpu.memory_space<hbm>>
          %dma_start3A_86 = tpu.memref_slice %arg4[%mul3A_68] : memref<323584xi32, #tpu.memory_space<hbm>> -> memref<128xi32, #tpu.memory_space<hbm>>
          tpu.enqueue_dma source(%dma_start3A_86 : memref<128xi32, #tpu.memory_space<hbm>>) target(%arg11 : memref<128xi32, #tpu.memory_space<vmem>>) target_semaphore(%run_scoped3A : memref<!tpu.dma_semaphore, #tpu.memory_space<semaphore_mem>>)
          %dma_wait3A_87 = tpu.memref_slice %arg4[%mul3A_68] : memref<323584xi32, #tpu.memory_space<hbm>> -> memref<128xi32, #tpu.memory_space<hbm>>
          %dma_wait3A_88 = tpu.memref_slice %arg4[%mul3A_68] : memref<323584xi32, #tpu.memory_space<hbm>> -> memref<128xi32, #tpu.memory_space<hbm>>
          tpu.wait_dma2 semaphore(%run_scoped3A : memref<!tpu.dma_semaphore, #tpu.memory_space<semaphore_mem>>) src(%dma_wait3A_88 : memref<128xi32, #tpu.memory_space<hbm>>) dst(%arg11 : memref<128xi32, #tpu.memory_space<vmem>>)
          tpu.yield
        }) : () -> ()
        "tpu.region"() ({
          %run_scoped3A = tpu.sem_alloc : memref<!tpu.dma_semaphore, #tpu.memory_space<semaphore_mem>>
          %dma_start3A_85 = tpu.memref_slice %arg5[%mul3A_68] : memref<323584xi32, #tpu.memory_space<hbm>> -> memref<128xi32, #tpu.memory_space<hbm>>
          %dma_start3A_86 = tpu.memref_slice %arg5[%mul3A_68] : memref<323584xi32, #tpu.memory_space<hbm>> -> memref<128xi32, #tpu.memory_space<hbm>>
          tpu.enqueue_dma source(%dma_start3A_86 : memref<128xi32, #tpu.memory_space<hbm>>) target(%arg12 : memref<128xi32, #tpu.memory_space<vmem>>) target_semaphore(%run_scoped3A : memref<!tpu.dma_semaphore, #tpu.memory_space<semaphore_mem>>)
          %dma_wait3A_87 = tpu.memref_slice %arg5[%mul3A_68] : memref<323584xi32, #tpu.memory_space<hbm>> -> memref<128xi32, #tpu.memory_space<hbm>>
          %dma_wait3A_88 = tpu.memref_slice %arg5[%mul3A_68] : memref<323584xi32, #tpu.memory_space<hbm>> -> memref<128xi32, #tpu.memory_space<hbm>>
          tpu.wait_dma2 semaphore(%run_scoped3A : memref<!tpu.dma_semaphore, #tpu.memory_space<semaphore_mem>>) src(%dma_wait3A_88 : memref<128xi32, #tpu.memory_space<hbm>>) dst(%arg12 : memref<128xi32, #tpu.memory_space<vmem>>)
          tpu.yield
        }) : () -> ()
        %dma_start3A = arith.constant 0 : i32
        %dma_start3A_69 = arith.constant 0 : i32
        %dma_start3A_70 = tpu.memref_slice %arg2[%dma_start3A, %dma_start3A_69] : memref<10000x16xf32, #tpu.memory_space<hbm>> -> memref<10000x16xf32, #tpu.memory_space<hbm>>
        tpu.enqueue_indirect_dma source(%dma_start3A_70 : memref<10000x16xf32, #tpu.memory_space<hbm>>) target(%arg9 : memref<128x16xf32, #tpu.memory_space<vmem>>) offsets(%arg11 : memref<128xi32, #tpu.memory_space<vmem>>) semaphore(%arg14 : memref<!tpu.dma_semaphore, #tpu.memory_space<semaphore_mem>>)
        %dma_start3A_71 = arith.constant 0 : i32
        %dma_start3A_72 = arith.constant 0 : i32
        %dma_start3A_73 = tpu.memref_slice %arg3[%dma_start3A_71, %dma_start3A_72] : memref<10000x16xf32, #tpu.memory_space<hbm>> -> memref<10000x16xf32, #tpu.memory_space<hbm>>
        tpu.enqueue_indirect_dma source(%dma_start3A_73 : memref<10000x16xf32, #tpu.memory_space<hbm>>) target(%arg10 : memref<128x16xf32, #tpu.memory_space<vmem>>) offsets(%arg12 : memref<128xi32, #tpu.memory_space<vmem>>) semaphore(%arg15 : memref<!tpu.dma_semaphore, #tpu.memory_space<semaphore_mem>>)
        %dma_wait3A = arith.constant 0 : i32
        %dma_wait3A_74 = arith.constant 0 : i32
        %dma_wait3A_75 = tpu.memref_slice %arg2[%dma_wait3A, %dma_wait3A_74] : memref<10000x16xf32, #tpu.memory_space<hbm>> -> memref<10000x16xf32, #tpu.memory_space<hbm>>
        tpu.wait_indirect_dma semaphore(%arg14 : memref<!tpu.dma_semaphore, #tpu.memory_space<semaphore_mem>>) src(%dma_wait3A_75 : memref<10000x16xf32, #tpu.memory_space<hbm>>) dst(%arg9 : memref<128x16xf32, #tpu.memory_space<vmem>>)
        %dma_wait3A_76 = arith.constant 0 : i32
        %dma_wait3A_77 = arith.constant 0 : i32
        %dma_wait3A_78 = tpu.memref_slice %arg3[%dma_wait3A_76, %dma_wait3A_77] : memref<10000x16xf32, #tpu.memory_space<hbm>> -> memref<10000x16xf32, #tpu.memory_space<hbm>>
        tpu.wait_indirect_dma semaphore(%arg15 : memref<!tpu.dma_semaphore, #tpu.memory_space<semaphore_mem>>) src(%dma_wait3A_78 : memref<10000x16xf32, #tpu.memory_space<hbm>>) dst(%arg10 : memref<128x16xf32, #tpu.memory_space<vmem>>)
        %scan3A_79 = arith.constant 0 : i32
        %scan3A_80 = arith.constant 0 : i32
        %scan3A_81 = arith.constant 16 : i32
        %scan3A_82 = arith.addi %scan3A_80, %scan3A_81 : i32
        %scan3A_83 = arith.constant 1 : i32
        scf.for %scan3A_85 = %scan3A_80 to %scan3A_82 step %scan3A_83  : i32 {
          %mul3A_86 = arith.constant 8 : i32
          %mul3A_87 = arith.muli %scan3A_85, %mul3A_86 : i32
          %add3A_88 = arith.constant 0 : i32
          %add3A_89 = arith.addi %mul3A_87, %add3A_88 : i32
          %get3A_90 = arith.index_cast %add3A_89 : i32 to index
          %get3A_91 = arith.constant 0 : index
          %get3A_92 = tpu.vector_load %arg9[%get3A_90, %get3A_91] {strides = array<i32>} : memref<128x16xf32, #tpu.memory_space<vmem>>, vector<1x16xf32>,
          %get3A_93 = vector.shape_cast %get3A_92 : vector<1x16xf32> to vector<16xf32>
          %get3A_94 = arith.index_cast %add3A_89 : i32 to index
          %get3A_95 = arith.constant 0 : index
          %get3A_96 = tpu.vector_load %arg10[%get3A_94, %get3A_95] {strides = array<i32>} : memref<128x16xf32, #tpu.memory_space<vmem>>, vector<1x16xf32>,
          %get3A_97 = vector.shape_cast %get3A_96 : vector<1x16xf32> to vector<16xf32>
          %add3A_98 = arith.addf %get3A_93, %get3A_97 : vector<16xf32>
          %broadcast_in_dim3A_99 = arith.constant 0 : i32
          %broadcast_in_dim3A_100 = vector.broadcast %broadcast_in_dim3A_99 : i32 to vector<16x1xi32>
          %gather3A_101 = vector.shape_cast %broadcast_in_dim3A_100 : vector<16x1xi32> to vector<16xi32>
          %gather3A_102 = tpu.dynamic_gather %add3A_98[%gather3A_101] in [0] : vector<16xf32>, vector<16xi32> -> vector<16xf32>
          %mul3A_103 = arith.constant 2.000000e-01 : f32
          %mul3A_104 = vector.broadcast %mul3A_103 : f32 to vector<16xf32>
          %mul3A_105 = arith.mulf %mul3A_104, %gather3A_102 : vector<16xf32>
          %max3A_106 = arith.maximumf %gather3A_102, %mul3A_105 : vector<16xf32>
          %sub3A = arith.subf %max3A_106, %max3A : vector<16xf32>
          %exp3A = math.exp %sub3A : vector<16xf32>
          %eq3A = arith.constant 0 : i32
          %eq3A_107 = vector.broadcast %eq3A : i32 to vector<16xi32>
          %eq3A_108 = arith.cmpi eq, %iota3A, %eq3A_107 : vector<16xi32>
          %lt3A_109 = arith.constant 3 : i32
          %lt3A_110 = vector.broadcast %lt3A_109 : i32 to vector<16xi32>
          %lt3A_111 = arith.cmpi slt, %iota3A, %lt3A_110 : vector<16xi32>
          %select_n3A = arith.select %lt3A_111, %get3A_93, %broadcast_in_dim3A_31 : vector<16xi1>, vector<16xf32>
          %select_n3A_112 = arith.select %eq3A_108, %broadcast_in_dim3A_33, %select_n3A : vector<16xi1>, vector<16xf32>
          %mul3A_113 = arith.mulf %exp3A, %select_n3A_112 : vector<16xf32>
          %swap3A = arith.index_cast %add3A_89 : i32 to index
          %swap3A_114 = arith.constant 0 : index
          %swap3A_115 = tpu.vector_load %arg9[%swap3A, %swap3A_114] {strides = array<i32>} : memref<128x16xf32, #tpu.memory_space<vmem>>, vector<1x16xf32>,
          %swap3A_116 = vector.shape_cast %swap3A_115 : vector<1x16xf32> to vector<16xf32>
          %swap3A_117 = vector.shape_cast %mul3A_113 : vector<16xf32> to vector<1x16xf32>
          tpu.vector_store %arg9[%swap3A, %swap3A_114], %swap3A_117 {strides = array<i32>} : memref<128x16xf32, #tpu.memory_space<vmem>>, vector<1x16xf32>,
          %mul3A_118 = arith.constant 8 : i32
          %mul3A_119 = arith.muli %scan3A_85, %mul3A_118 : i32
          %add3A_120 = arith.constant 1 : i32
          %add3A_121 = arith.addi %mul3A_119, %add3A_120 : i32
          %get3A_122 = arith.index_cast %add3A_121 : i32 to index
          %get3A_123 = arith.constant 0 : index
          %get3A_124 = tpu.vector_load %arg9[%get3A_122, %get3A_123] {strides = array<i32>} : memref<128x16xf32, #tpu.memory_space<vmem>>, vector<1x16xf32>,
          %get3A_125 = vector.shape_cast %get3A_124 : vector<1x16xf32> to vector<16xf32>
          %get3A_126 = arith.index_cast %add3A_121 : i32 to index
          %get3A_127 = arith.constant 0 : index
          %get3A_128 = tpu.vector_load %arg10[%get3A_126, %get3A_127] {strides = array<i32>} : memref<128x16xf32, #tpu.memory_space<vmem>>, vector<1x16xf32>,
          %get3A_129 = vector.shape_cast %get3A_128 : vector<1x16xf32> to vector<16xf32>
          %add3A_130 = arith.addf %get3A_125, %get3A_129 : vector<16xf32>
          %broadcast_in_dim3A_131 = arith.constant 0 : i32
          %broadcast_in_dim3A_132 = vector.broadcast %broadcast_in_dim3A_131 : i32 to vector<16x1xi32>
          %gather3A_133 = vector.shape_cast %broadcast_in_dim3A_132 : vector<16x1xi32> to vector<16xi32>
          %gather3A_134 = tpu.dynamic_gather %add3A_130[%gather3A_133] in [0] : vector<16xf32>, vector<16xi32> -> vector<16xf32>
          %mul3A_135 = arith.constant 2.000000e-01 : f32
          %mul3A_136 = vector.broadcast %mul3A_135 : f32 to vector<16xf32>
          %mul3A_137 = arith.mulf %mul3A_136, %gather3A_134 : vector<16xf32>
          %max3A_138 = arith.maximumf %gather3A_134, %mul3A_137 : vector<16xf32>
          %sub3A_139 = arith.subf %max3A_138, %max3A : vector<16xf32>
          %exp3A_140 = math.exp %sub3A_139 : vector<16xf32>
          %eq3A_141 = arith.constant 0 : i32
          %eq3A_142 = vector.broadcast %eq3A_141 : i32 to vector<16xi32>
          %eq3A_143 = arith.cmpi eq, %iota3A, %eq3A_142 : vector<16xi32>
          %lt3A_144 = arith.constant 3 : i32
          %lt3A_145 = vector.broadcast %lt3A_144 : i32 to vector<16xi32>
          %lt3A_146 = arith.cmpi slt, %iota3A, %lt3A_145 : vector<16xi32>
          %select_n3A_147 = arith.select %lt3A_146, %get3A_125, %broadcast_in_dim3A_31 : vector<16xi1>, vector<16xf32>
          %select_n3A_148 = arith.select %eq3A_143, %broadcast_in_dim3A_33, %select_n3A_147 : vector<16xi1>, vector<16xf32>
          %mul3A_149 = arith.mulf %exp3A_140, %select_n3A_148 : vector<16xf32>
          %swap3A_150 = arith.index_cast %add3A_121 : i32 to index
          %swap3A_151 = arith.constant 0 : index
          %swap3A_152 = tpu.vector_load %arg9[%swap3A_150, %swap3A_151] {strides = array<i32>} : memref<128x16xf32, #tpu.memory_space<vmem>>, vector<1x16xf32>,
          %swap3A_153 = vector.shape_cast %swap3A_152 : vector<1x16xf32> to vector<16xf32>
          %swap3A_154 = vector.shape_cast %mul3A_149 : vector<16xf32> to vector<1x16xf32>
          tpu.vector_store %arg9[%swap3A_150, %swap3A_151], %swap3A_154 {strides = array<i32>} : memref<128x16xf32, #tpu.memory_space<vmem>>, vector<1x16xf32>,
          %mul3A_155 = arith.constant 8 : i32
          %mul3A_156 = arith.muli %scan3A_85, %mul3A_155 : i32
          %add3A_157 = arith.constant 2 : i32
          %add3A_158 = arith.addi %mul3A_156, %add3A_157 : i32
          %get3A_159 = arith.index_cast %add3A_158 : i32 to index
          %get3A_160 = arith.constant 0 : index
          %get3A_161 = tpu.vector_load %arg9[%get3A_159, %get3A_160] {strides = array<i32>} : memref<128x16xf32, #tpu.memory_space<vmem>>, vector<1x16xf32>,
          %get3A_162 = vector.shape_cast %get3A_161 : vector<1x16xf32> to vector<16xf32>
          %get3A_163 = arith.index_cast %add3A_158 : i32 to index
          %get3A_164 = arith.constant 0 : index
          %get3A_165 = tpu.vector_load %arg10[%get3A_163, %get3A_164] {strides = array<i32>} : memref<128x16xf32, #tpu.memory_space<vmem>>, vector<1x16xf32>,
          %get3A_166 = vector.shape_cast %get3A_165 : vector<1x16xf32> to vector<16xf32>
          %add3A_167 = arith.addf %get3A_162, %get3A_166 : vector<16xf32>
          %broadcast_in_dim3A_168 = arith.constant 0 : i32
          %broadcast_in_dim3A_169 = vector.broadcast %broadcast_in_dim3A_168 : i32 to vector<16x1xi32>
          %gather3A_170 = vector.shape_cast %broadcast_in_dim3A_169 : vector<16x1xi32> to vector<16xi32>
          %gather3A_171 = tpu.dynamic_gather %add3A_167[%gather3A_170] in [0] : vector<16xf32>, vector<16xi32> -> vector<16xf32>
          %mul3A_172 = arith.constant 2.000000e-01 : f32
          %mul3A_173 = vector.broadcast %mul3A_172 : f32 to vector<16xf32>
          %mul3A_174 = arith.mulf %mul3A_173, %gather3A_171 : vector<16xf32>
          %max3A_175 = arith.maximumf %gather3A_171, %mul3A_174 : vector<16xf32>
          %sub3A_176 = arith.subf %max3A_175, %max3A : vector<16xf32>
          %exp3A_177 = math.exp %sub3A_176 : vector<16xf32>
          %eq3A_178 = arith.constant 0 : i32
          %eq3A_179 = vector.broadcast %eq3A_178 : i32 to vector<16xi32>
          %eq3A_180 = arith.cmpi eq, %iota3A, %eq3A_179 : vector<16xi32>
          %lt3A_181 = arith.constant 3 : i32
          %lt3A_182 = vector.broadcast %lt3A_181 : i32 to vector<16xi32>
          %lt3A_183 = arith.cmpi slt, %iota3A, %lt3A_182 : vector<16xi32>
          %select_n3A_184 = arith.select %lt3A_183, %get3A_162, %broadcast_in_dim3A_31 : vector<16xi1>, vector<16xf32>
          %select_n3A_185 = arith.select %eq3A_180, %broadcast_in_dim3A_33, %select_n3A_184 : vector<16xi1>, vector<16xf32>
          %mul3A_186 = arith.mulf %exp3A_177, %select_n3A_185 : vector<16xf32>
          %swap3A_187 = arith.index_cast %add3A_158 : i32 to index
          %swap3A_188 = arith.constant 0 : index
          %swap3A_189 = tpu.vector_load %arg9[%swap3A_187, %swap3A_188] {strides = array<i32>} : memref<128x16xf32, #tpu.memory_space<vmem>>, vector<1x16xf32>,
          %swap3A_190 = vector.shape_cast %swap3A_189 : vector<1x16xf32> to vector<16xf32>
          %swap3A_191 = vector.shape_cast %mul3A_186 : vector<16xf32> to vector<1x16xf32>
          tpu.vector_store %arg9[%swap3A_187, %swap3A_188], %swap3A_191 {strides = array<i32>} : memref<128x16xf32, #tpu.memory_space<vmem>>, vector<1x16xf32>,
          %mul3A_192 = arith.constant 8 : i32
          %mul3A_193 = arith.muli %scan3A_85, %mul3A_192 : i32
          %add3A_194 = arith.constant 3 : i32
          %add3A_195 = arith.addi %mul3A_193, %add3A_194 : i32
          %get3A_196 = arith.index_cast %add3A_195 : i32 to index
          %get3A_197 = arith.constant 0 : index
          %get3A_198 = tpu.vector_load %arg9[%get3A_196, %get3A_197] {strides = array<i32>} : memref<128x16xf32, #tpu.memory_space<vmem>>, vector<1x16xf32>,
          %get3A_199 = vector.shape_cast %get3A_198 : vector<1x16xf32> to vector<16xf32>
          %get3A_200 = arith.index_cast %add3A_195 : i32 to index
          %get3A_201 = arith.constant 0 : index
          %get3A_202 = tpu.vector_load %arg10[%get3A_200, %get3A_201] {strides = array<i32>} : memref<128x16xf32, #tpu.memory_space<vmem>>, vector<1x16xf32>,
          %get3A_203 = vector.shape_cast %get3A_202 : vector<1x16xf32> to vector<16xf32>
          %add3A_204 = arith.addf %get3A_199, %get3A_203 : vector<16xf32>
          %broadcast_in_dim3A_205 = arith.constant 0 : i32
          %broadcast_in_dim3A_206 = vector.broadcast %broadcast_in_dim3A_205 : i32 to vector<16x1xi32>
          %gather3A_207 = vector.shape_cast %broadcast_in_dim3A_206 : vector<16x1xi32> to vector<16xi32>
          %gather3A_208 = tpu.dynamic_gather %add3A_204[%gather3A_207] in [0] : vector<16xf32>, vector<16xi32> -> vector<16xf32>
          %mul3A_209 = arith.constant 2.000000e-01 : f32
          %mul3A_210 = vector.broadcast %mul3A_209 : f32 to vector<16xf32>
          %mul3A_211 = arith.mulf %mul3A_210, %gather3A_208 : vector<16xf32>
          %max3A_212 = arith.maximumf %gather3A_208, %mul3A_211 : vector<16xf32>
          %sub3A_213 = arith.subf %max3A_212, %max3A : vector<16xf32>
          %exp3A_214 = math.exp %sub3A_213 : vector<16xf32>
          %eq3A_215 = arith.constant 0 : i32
          %eq3A_216 = vector.broadcast %eq3A_215 : i32 to vector<16xi32>
          %eq3A_217 = arith.cmpi eq, %iota3A, %eq3A_216 : vector<16xi32>
          %lt3A_218 = arith.constant 3 : i32
          %lt3A_219 = vector.broadcast %lt3A_218 : i32 to vector<16xi32>
          %lt3A_220 = arith.cmpi slt, %iota3A, %lt3A_219 : vector<16xi32>
          %select_n3A_221 = arith.select %lt3A_220, %get3A_199, %broadcast_in_dim3A_31 : vector<16xi1>, vector<16xf32>
          %select_n3A_222 = arith.select %eq3A_217, %broadcast_in_dim3A_33, %select_n3A_221 : vector<16xi1>, vector<16xf32>
          %mul3A_223 = arith.mulf %exp3A_214, %select_n3A_222 : vector<16xf32>
          %swap3A_224 = arith.index_cast %add3A_195 : i32 to index
          %swap3A_225 = arith.constant 0 : index
          %swap3A_226 = tpu.vector_load %arg9[%swap3A_224, %swap3A_225] {strides = array<i32>} : memref<128x16xf32, #tpu.memory_space<vmem>>, vector<1x16xf32>,
          %swap3A_227 = vector.shape_cast %swap3A_226 : vector<1x16xf32> to vector<16xf32>
          %swap3A_228 = vector.shape_cast %mul3A_223 : vector<16xf32> to vector<1x16xf32>
          tpu.vector_store %arg9[%swap3A_224, %swap3A_225], %swap3A_228 {strides = array<i32>} : memref<128x16xf32, #tpu.memory_space<vmem>>, vector<1x16xf32>,
          %mul3A_229 = arith.constant 8 : i32
          %mul3A_230 = arith.muli %scan3A_85, %mul3A_229 : i32
          %add3A_231 = arith.constant 4 : i32
          %add3A_232 = arith.addi %mul3A_230, %add3A_231 : i32
          %get3A_233 = arith.index_cast %add3A_232 : i32 to index
          %get3A_234 = arith.constant 0 : index
          %get3A_235 = tpu.vector_load %arg9[%get3A_233, %get3A_234] {strides = array<i32>} : memref<128x16xf32, #tpu.memory_space<vmem>>, vector<1x16xf32>,
          %get3A_236 = vector.shape_cast %get3A_235 : vector<1x16xf32> to vector<16xf32>
          %get3A_237 = arith.index_cast %add3A_232 : i32 to index
          %get3A_238 = arith.constant 0 : index
          %get3A_239 = tpu.vector_load %arg10[%get3A_237, %get3A_238] {strides = array<i32>} : memref<128x16xf32, #tpu.memory_space<vmem>>, vector<1x16xf32>,
          %get3A_240 = vector.shape_cast %get3A_239 : vector<1x16xf32> to vector<16xf32>
          %add3A_241 = arith.addf %get3A_236, %get3A_240 : vector<16xf32>
          %broadcast_in_dim3A_242 = arith.constant 0 : i32
          %broadcast_in_dim3A_243 = vector.broadcast %broadcast_in_dim3A_242 : i32 to vector<16x1xi32>
          %gather3A_244 = vector.shape_cast %broadcast_in_dim3A_243 : vector<16x1xi32> to vector<16xi32>
          %gather3A_245 = tpu.dynamic_gather %add3A_241[%gather3A_244] in [0] : vector<16xf32>, vector<16xi32> -> vector<16xf32>
          %mul3A_246 = arith.constant 2.000000e-01 : f32
          %mul3A_247 = vector.broadcast %mul3A_246 : f32 to vector<16xf32>
          %mul3A_248 = arith.mulf %mul3A_247, %gather3A_245 : vector<16xf32>
          %max3A_249 = arith.maximumf %gather3A_245, %mul3A_248 : vector<16xf32>
          %sub3A_250 = arith.subf %max3A_249, %max3A : vector<16xf32>
          %exp3A_251 = math.exp %sub3A_250 : vector<16xf32>
          %eq3A_252 = arith.constant 0 : i32
          %eq3A_253 = vector.broadcast %eq3A_252 : i32 to vector<16xi32>
          %eq3A_254 = arith.cmpi eq, %iota3A, %eq3A_253 : vector<16xi32>
          %lt3A_255 = arith.constant 3 : i32
          %lt3A_256 = vector.broadcast %lt3A_255 : i32 to vector<16xi32>
          %lt3A_257 = arith.cmpi slt, %iota3A, %lt3A_256 : vector<16xi32>
          %select_n3A_258 = arith.select %lt3A_257, %get3A_236, %broadcast_in_dim3A_31 : vector<16xi1>, vector<16xf32>
          %select_n3A_259 = arith.select %eq3A_254, %broadcast_in_dim3A_33, %select_n3A_258 : vector<16xi1>, vector<16xf32>
          %mul3A_260 = arith.mulf %exp3A_251, %select_n3A_259 : vector<16xf32>
          %swap3A_261 = arith.index_cast %add3A_232 : i32 to index
          %swap3A_262 = arith.constant 0 : index
          %swap3A_263 = tpu.vector_load %arg9[%swap3A_261, %swap3A_262] {strides = array<i32>} : memref<128x16xf32, #tpu.memory_space<vmem>>, vector<1x16xf32>,
          %swap3A_264 = vector.shape_cast %swap3A_263 : vector<1x16xf32> to vector<16xf32>
          %swap3A_265 = vector.shape_cast %mul3A_260 : vector<16xf32> to vector<1x16xf32>
          tpu.vector_store %arg9[%swap3A_261, %swap3A_262], %swap3A_265 {strides = array<i32>} : memref<128x16xf32, #tpu.memory_space<vmem>>, vector<1x16xf32>,
          %mul3A_266 = arith.constant 8 : i32
          %mul3A_267 = arith.muli %scan3A_85, %mul3A_266 : i32
          %add3A_268 = arith.constant 5 : i32
          %add3A_269 = arith.addi %mul3A_267, %add3A_268 : i32
          %get3A_270 = arith.index_cast %add3A_269 : i32 to index
          %get3A_271 = arith.constant 0 : index
          %get3A_272 = tpu.vector_load %arg9[%get3A_270, %get3A_271] {strides = array<i32>} : memref<128x16xf32, #tpu.memory_space<vmem>>, vector<1x16xf32>,
          %get3A_273 = vector.shape_cast %get3A_272 : vector<1x16xf32> to vector<16xf32>
          %get3A_274 = arith.index_cast %add3A_269 : i32 to index
          %get3A_275 = arith.constant 0 : index
          %get3A_276 = tpu.vector_load %arg10[%get3A_274, %get3A_275] {strides = array<i32>} : memref<128x16xf32, #tpu.memory_space<vmem>>, vector<1x16xf32>,
          %get3A_277 = vector.shape_cast %get3A_276 : vector<1x16xf32> to vector<16xf32>
          %add3A_278 = arith.addf %get3A_273, %get3A_277 : vector<16xf32>
          %broadcast_in_dim3A_279 = arith.constant 0 : i32
          %broadcast_in_dim3A_280 = vector.broadcast %broadcast_in_dim3A_279 : i32 to vector<16x1xi32>
          %gather3A_281 = vector.shape_cast %broadcast_in_dim3A_280 : vector<16x1xi32> to vector<16xi32>
          %gather3A_282 = tpu.dynamic_gather %add3A_278[%gather3A_281] in [0] : vector<16xf32>, vector<16xi32> -> vector<16xf32>
          %mul3A_283 = arith.constant 2.000000e-01 : f32
          %mul3A_284 = vector.broadcast %mul3A_283 : f32 to vector<16xf32>
          %mul3A_285 = arith.mulf %mul3A_284, %gather3A_282 : vector<16xf32>
          %max3A_286 = arith.maximumf %gather3A_282, %mul3A_285 : vector<16xf32>
          %sub3A_287 = arith.subf %max3A_286, %max3A : vector<16xf32>
          %exp3A_288 = math.exp %sub3A_287 : vector<16xf32>
          %eq3A_289 = arith.constant 0 : i32
          %eq3A_290 = vector.broadcast %eq3A_289 : i32 to vector<16xi32>
          %eq3A_291 = arith.cmpi eq, %iota3A, %eq3A_290 : vector<16xi32>
          %lt3A_292 = arith.constant 3 : i32
          %lt3A_293 = vector.broadcast %lt3A_292 : i32 to vector<16xi32>
          %lt3A_294 = arith.cmpi slt, %iota3A, %lt3A_293 : vector<16xi32>
          %select_n3A_295 = arith.select %lt3A_294, %get3A_273, %broadcast_in_dim3A_31 : vector<16xi1>, vector<16xf32>
          %select_n3A_296 = arith.select %eq3A_291, %broadcast_in_dim3A_33, %select_n3A_295 : vector<16xi1>, vector<16xf32>
          %mul3A_297 = arith.mulf %exp3A_288, %select_n3A_296 : vector<16xf32>
          %swap3A_298 = arith.index_cast %add3A_269 : i32 to index
          %swap3A_299 = arith.constant 0 : index
          %swap3A_300 = tpu.vector_load %arg9[%swap3A_298, %swap3A_299] {strides = array<i32>} : memref<128x16xf32, #tpu.memory_space<vmem>>, vector<1x16xf32>,
          %swap3A_301 = vector.shape_cast %swap3A_300 : vector<1x16xf32> to vector<16xf32>
          %swap3A_302 = vector.shape_cast %mul3A_297 : vector<16xf32> to vector<1x16xf32>
          tpu.vector_store %arg9[%swap3A_298, %swap3A_299], %swap3A_302 {strides = array<i32>} : memref<128x16xf32, #tpu.memory_space<vmem>>, vector<1x16xf32>,
          %mul3A_303 = arith.constant 8 : i32
          %mul3A_304 = arith.muli %scan3A_85, %mul3A_303 : i32
          %add3A_305 = arith.constant 6 : i32
          %add3A_306 = arith.addi %mul3A_304, %add3A_305 : i32
          %get3A_307 = arith.index_cast %add3A_306 : i32 to index
          %get3A_308 = arith.constant 0 : index
          %get3A_309 = tpu.vector_load %arg9[%get3A_307, %get3A_308] {strides = array<i32>} : memref<128x16xf32, #tpu.memory_space<vmem>>, vector<1x16xf32>,
          %get3A_310 = vector.shape_cast %get3A_309 : vector<1x16xf32> to vector<16xf32>
          %get3A_311 = arith.index_cast %add3A_306 : i32 to index
          %get3A_312 = arith.constant 0 : index
          %get3A_313 = tpu.vector_load %arg10[%get3A_311, %get3A_312] {strides = array<i32>} : memref<128x16xf32, #tpu.memory_space<vmem>>, vector<1x16xf32>,
          %get3A_314 = vector.shape_cast %get3A_313 : vector<1x16xf32> to vector<16xf32>
          %add3A_315 = arith.addf %get3A_310, %get3A_314 : vector<16xf32>
          %broadcast_in_dim3A_316 = arith.constant 0 : i32
          %broadcast_in_dim3A_317 = vector.broadcast %broadcast_in_dim3A_316 : i32 to vector<16x1xi32>
          %gather3A_318 = vector.shape_cast %broadcast_in_dim3A_317 : vector<16x1xi32> to vector<16xi32>
          %gather3A_319 = tpu.dynamic_gather %add3A_315[%gather3A_318] in [0] : vector<16xf32>, vector<16xi32> -> vector<16xf32>
          %mul3A_320 = arith.constant 2.000000e-01 : f32
          %mul3A_321 = vector.broadcast %mul3A_320 : f32 to vector<16xf32>
          %mul3A_322 = arith.mulf %mul3A_321, %gather3A_319 : vector<16xf32>
          %max3A_323 = arith.maximumf %gather3A_319, %mul3A_322 : vector<16xf32>
          %sub3A_324 = arith.subf %max3A_323, %max3A : vector<16xf32>
          %exp3A_325 = math.exp %sub3A_324 : vector<16xf32>
          %eq3A_326 = arith.constant 0 : i32
          %eq3A_327 = vector.broadcast %eq3A_326 : i32 to vector<16xi32>
          %eq3A_328 = arith.cmpi eq, %iota3A, %eq3A_327 : vector<16xi32>
          %lt3A_329 = arith.constant 3 : i32
          %lt3A_330 = vector.broadcast %lt3A_329 : i32 to vector<16xi32>
          %lt3A_331 = arith.cmpi slt, %iota3A, %lt3A_330 : vector<16xi32>
          %select_n3A_332 = arith.select %lt3A_331, %get3A_310, %broadcast_in_dim3A_31 : vector<16xi1>, vector<16xf32>
          %select_n3A_333 = arith.select %eq3A_328, %broadcast_in_dim3A_33, %select_n3A_332 : vector<16xi1>, vector<16xf32>
          %mul3A_334 = arith.mulf %exp3A_325, %select_n3A_333 : vector<16xf32>
          %swap3A_335 = arith.index_cast %add3A_306 : i32 to index
          %swap3A_336 = arith.constant 0 : index
          %swap3A_337 = tpu.vector_load %arg9[%swap3A_335, %swap3A_336] {strides = array<i32>} : memref<128x16xf32, #tpu.memory_space<vmem>>, vector<1x16xf32>,
          %swap3A_338 = vector.shape_cast %swap3A_337 : vector<1x16xf32> to vector<16xf32>
          %swap3A_339 = vector.shape_cast %mul3A_334 : vector<16xf32> to vector<1x16xf32>
          tpu.vector_store %arg9[%swap3A_335, %swap3A_336], %swap3A_339 {strides = array<i32>} : memref<128x16xf32, #tpu.memory_space<vmem>>, vector<1x16xf32>,
          %mul3A_340 = arith.constant 8 : i32
          %mul3A_341 = arith.muli %scan3A_85, %mul3A_340 : i32
          %add3A_342 = arith.constant 7 : i32
          %add3A_343 = arith.addi %mul3A_341, %add3A_342 : i32
          %get3A_344 = arith.index_cast %add3A_343 : i32 to index
          %get3A_345 = arith.constant 0 : index
          %get3A_346 = tpu.vector_load %arg9[%get3A_344, %get3A_345] {strides = array<i32>} : memref<128x16xf32, #tpu.memory_space<vmem>>, vector<1x16xf32>,
          %get3A_347 = vector.shape_cast %get3A_346 : vector<1x16xf32> to vector<16xf32>
          %get3A_348 = arith.index_cast %add3A_343 : i32 to index
          %get3A_349 = arith.constant 0 : index
          %get3A_350 = tpu.vector_load %arg10[%get3A_348, %get3A_349] {strides = array<i32>} : memref<128x16xf32, #tpu.memory_space<vmem>>, vector<1x16xf32>,
          %get3A_351 = vector.shape_cast %get3A_350 : vector<1x16xf32> to vector<16xf32>
          %add3A_352 = arith.addf %get3A_347, %get3A_351 : vector<16xf32>
          %broadcast_in_dim3A_353 = arith.constant 0 : i32
          %broadcast_in_dim3A_354 = vector.broadcast %broadcast_in_dim3A_353 : i32 to vector<16x1xi32>
          %gather3A_355 = vector.shape_cast %broadcast_in_dim3A_354 : vector<16x1xi32> to vector<16xi32>
          %gather3A_356 = tpu.dynamic_gather %add3A_352[%gather3A_355] in [0] : vector<16xf32>, vector<16xi32> -> vector<16xf32>
          %mul3A_357 = arith.constant 2.000000e-01 : f32
          %mul3A_358 = vector.broadcast %mul3A_357 : f32 to vector<16xf32>
          %mul3A_359 = arith.mulf %mul3A_358, %gather3A_356 : vector<16xf32>
          %max3A_360 = arith.maximumf %gather3A_356, %mul3A_359 : vector<16xf32>
          %sub3A_361 = arith.subf %max3A_360, %max3A : vector<16xf32>
          %exp3A_362 = math.exp %sub3A_361 : vector<16xf32>
          %eq3A_363 = arith.constant 0 : i32
          %eq3A_364 = vector.broadcast %eq3A_363 : i32 to vector<16xi32>
          %eq3A_365 = arith.cmpi eq, %iota3A, %eq3A_364 : vector<16xi32>
          %lt3A_366 = arith.constant 3 : i32
          %lt3A_367 = vector.broadcast %lt3A_366 : i32 to vector<16xi32>
          %lt3A_368 = arith.cmpi slt, %iota3A, %lt3A_367 : vector<16xi32>
          %select_n3A_369 = arith.select %lt3A_368, %get3A_347, %broadcast_in_dim3A_31 : vector<16xi1>, vector<16xf32>
          %select_n3A_370 = arith.select %eq3A_365, %broadcast_in_dim3A_33, %select_n3A_369 : vector<16xi1>, vector<16xf32>
          %mul3A_371 = arith.mulf %exp3A_362, %select_n3A_370 : vector<16xf32>
          %swap3A_372 = arith.index_cast %add3A_343 : i32 to index
          %swap3A_373 = arith.constant 0 : index
          %swap3A_374 = tpu.vector_load %arg9[%swap3A_372, %swap3A_373] {strides = array<i32>} : memref<128x16xf32, #tpu.memory_space<vmem>>, vector<1x16xf32>,
          %swap3A_375 = vector.shape_cast %swap3A_374 : vector<1x16xf32> to vector<16xf32>
          %swap3A_376 = vector.shape_cast %mul3A_371 : vector<16xf32> to vector<1x16xf32>
          tpu.vector_store %arg9[%swap3A_372, %swap3A_373], %swap3A_376 {strides = array<i32>} : memref<128x16xf32, #tpu.memory_space<vmem>>, vector<1x16xf32>,
        }
        %scan3A_84 = arith.constant 16 : i32
        "tpu.region"() ({
          %run_scoped3A = tpu.sem_alloc : memref<!tpu.dma_semaphore, #tpu.memory_space<semaphore_mem>>
          %dma_start3A_85 = arith.constant 0 : i32
          %dma_start3A_86 = arith.constant 0 : i32
          %dma_start3A_87 = tpu.memref_slice %arg8[%dma_start3A_85, %dma_start3A_86] : memref<10112x16xf32, #tpu.memory_space<vmem_shared>> -> memref<10112x16xf32, #tpu.memory_space<vmem_shared>>
          tpu.enqueue_indirect_dma source(%arg9 : memref<128x16xf32, #tpu.memory_space<vmem>>) target(%dma_start3A_87 : memref<10112x16xf32, #tpu.memory_space<vmem_shared>>) offsets(%arg12 : memref<128xi32, #tpu.memory_space<vmem>>) semaphore(%run_scoped3A : memref<!tpu.dma_semaphore, #tpu.memory_space<semaphore_mem>>) {add = true}
          %dma_wait3A_88 = arith.constant 0 : i32
          %dma_wait3A_89 = arith.constant 0 : i32
          %dma_wait3A_90 = tpu.memref_slice %arg8[%dma_wait3A_88, %dma_wait3A_89] : memref<10112x16xf32, #tpu.memory_space<vmem_shared>> -> memref<10112x16xf32, #tpu.memory_space<vmem_shared>>
          tpu.wait_indirect_dma semaphore(%run_scoped3A : memref<!tpu.dma_semaphore, #tpu.memory_space<semaphore_mem>>) src(%arg9 : memref<128x16xf32, #tpu.memory_space<vmem>>) dst(%dma_wait3A_90 : memref<10112x16xf32, #tpu.memory_space<vmem_shared>>)
          tpu.yield
        }) : () -> ()
      } else {
      }
    }
    %scan3A_39 = arith.constant 79 : i32
    %barrier3A_40 = arith.constant 0 : index
    tpu.barrier barrier_id(%barrier3A_40)
    %add3A_41 = arith.constant 0 : i32
    %add3A_42 = arith.addi %mul3A_7, %add3A_41 : i32
    %add3A_43 = arith.constant 0 : i32
    %add3A_44 = arith.addi %mul3A_7, %add3A_43 : i32
    "tpu.region"() ({
      %run_scoped3A = tpu.sem_alloc : memref<!tpu.dma_semaphore, #tpu.memory_space<semaphore_mem>>
      %dma_start3A = arith.constant 0 : i32
      %dma_start3A_61 = tpu.memref_slice %arg7[%arg0, %add3A_44, %dma_start3A] : memref<2x10112x16xf32, #tpu.memory_space<hbm>> -> memref<1x128x16xf32, #tpu.memory_space<hbm>>
      %dma_start3A_62 = tpu.memref_squeeze %dma_start3A_61 : memref<1x128x16xf32, #tpu.memory_space<hbm>> -> memref<128x16xf32, #tpu.memory_space<hbm>>
      %dma_start3A_63 = arith.constant 0 : i32
      %dma_start3A_64 = tpu.memref_slice %arg8[%add3A_42, %dma_start3A_63] : memref<10112x16xf32, #tpu.memory_space<vmem_shared>> -> memref<128x16xf32, #tpu.memory_space<vmem_shared>>
      tpu.enqueue_dma source(%dma_start3A_64 : memref<128x16xf32, #tpu.memory_space<vmem_shared>>) target(%dma_start3A_62 : memref<128x16xf32, #tpu.memory_space<hbm>>) target_semaphore(%run_scoped3A : memref<!tpu.dma_semaphore, #tpu.memory_space<semaphore_mem>>)
      %dma_wait3A = arith.constant 0 : i32
      %dma_wait3A_65 = tpu.memref_slice %arg7[%arg0, %add3A_44, %dma_wait3A] : memref<2x10112x16xf32, #tpu.memory_space<hbm>> -> memref<1x128x16xf32, #tpu.memory_space<hbm>>
      %dma_wait3A_66 = tpu.memref_squeeze %dma_wait3A_65 : memref<1x128x16xf32, #tpu.memory_space<hbm>> -> memref<128x16xf32, #tpu.memory_space<hbm>>
      %dma_wait3A_67 = arith.constant 0 : i32
      %dma_wait3A_68 = tpu.memref_slice %arg8[%add3A_42, %dma_wait3A_67] : memref<10112x16xf32, #tpu.memory_space<vmem_shared>> -> memref<128x16xf32, #tpu.memory_space<vmem_shared>>
      tpu.wait_dma2 semaphore(%run_scoped3A : memref<!tpu.dma_semaphore, #tpu.memory_space<semaphore_mem>>) src(%dma_wait3A_68 : memref<128x16xf32, #tpu.memory_space<vmem_shared>>) dst(%dma_wait3A_66 : memref<128x16xf32, #tpu.memory_space<hbm>>)
      tpu.yield
    }) : () -> ()
    %add3A_45 = arith.constant 128 : i32
    %add3A_46 = arith.addi %mul3A_7, %add3A_45 : i32
    %add3A_47 = arith.constant 128 : i32
    %add3A_48 = arith.addi %mul3A_7, %add3A_47 : i32
    "tpu.region"() ({
      %run_scoped3A = tpu.sem_alloc : memref<!tpu.dma_semaphore, #tpu.memory_space<semaphore_mem>>
      %dma_start3A = arith.constant 0 : i32
      %dma_start3A_61 = tpu.memref_slice %arg7[%arg0, %add3A_48, %dma_start3A] : memref<2x10112x16xf32, #tpu.memory_space<hbm>> -> memref<1x128x16xf32, #tpu.memory_space<hbm>>
      %dma_start3A_62 = tpu.memref_squeeze %dma_start3A_61 : memref<1x128x16xf32, #tpu.memory_space<hbm>> -> memref<128x16xf32, #tpu.memory_space<hbm>>
      %dma_start3A_63 = arith.constant 0 : i32
      %dma_start3A_64 = tpu.memref_slice %arg8[%add3A_46, %dma_start3A_63] : memref<10112x16xf32, #tpu.memory_space<vmem_shared>> -> memref<128x16xf32, #tpu.memory_space<vmem_shared>>
      tpu.enqueue_dma source(%dma_start3A_64 : memref<128x16xf32, #tpu.memory_space<vmem_shared>>) target(%dma_start3A_62 : memref<128x16xf32, #tpu.memory_space<hbm>>) target_semaphore(%run_scoped3A : memref<!tpu.dma_semaphore, #tpu.memory_space<semaphore_mem>>)
      %dma_wait3A = arith.constant 0 : i32
      %dma_wait3A_65 = tpu.memref_slice %arg7[%arg0, %add3A_48, %dma_wait3A] : memref<2x10112x16xf32, #tpu.memory_space<hbm>> -> memref<1x128x16xf32, #tpu.memory_space<hbm>>
      %dma_wait3A_66 = tpu.memref_squeeze %dma_wait3A_65 : memref<1x128x16xf32, #tpu.memory_space<hbm>> -> memref<128x16xf32, #tpu.memory_space<hbm>>
      %dma_wait3A_67 = arith.constant 0 : i32
      %dma_wait3A_68 = tpu.memref_slice %arg8[%add3A_46, %dma_wait3A_67] : memref<10112x16xf32, #tpu.memory_space<vmem_shared>> -> memref<128x16xf32, #tpu.memory_space<vmem_shared>>
      tpu.wait_dma2 semaphore(%run_scoped3A : memref<!tpu.dma_semaphore, #tpu.memory_space<semaphore_mem>>) src(%dma_wait3A_68 : memref<128x16xf32, #tpu.memory_space<vmem_shared>>) dst(%dma_wait3A_66 : memref<128x16xf32, #tpu.memory_space<hbm>>)
      tpu.yield
    }) : () -> ()
    %add3A_49 = arith.constant 256 : i32
    %add3A_50 = arith.addi %mul3A_7, %add3A_49 : i32
    %add3A_51 = arith.constant 256 : i32
    %add3A_52 = arith.addi %mul3A_7, %add3A_51 : i32
    "tpu.region"() ({
      %run_scoped3A = tpu.sem_alloc : memref<!tpu.dma_semaphore, #tpu.memory_space<semaphore_mem>>
      %dma_start3A = arith.constant 0 : i32
      %dma_start3A_61 = tpu.memref_slice %arg7[%arg0, %add3A_52, %dma_start3A] : memref<2x10112x16xf32, #tpu.memory_space<hbm>> -> memref<1x128x16xf32, #tpu.memory_space<hbm>>
      %dma_start3A_62 = tpu.memref_squeeze %dma_start3A_61 : memref<1x128x16xf32, #tpu.memory_space<hbm>> -> memref<128x16xf32, #tpu.memory_space<hbm>>
      %dma_start3A_63 = arith.constant 0 : i32
      %dma_start3A_64 = tpu.memref_slice %arg8[%add3A_50, %dma_start3A_63] : memref<10112x16xf32, #tpu.memory_space<vmem_shared>> -> memref<128x16xf32, #tpu.memory_space<vmem_shared>>
      tpu.enqueue_dma source(%dma_start3A_64 : memref<128x16xf32, #tpu.memory_space<vmem_shared>>) target(%dma_start3A_62 : memref<128x16xf32, #tpu.memory_space<hbm>>) target_semaphore(%run_scoped3A : memref<!tpu.dma_semaphore, #tpu.memory_space<semaphore_mem>>)
      %dma_wait3A = arith.constant 0 : i32
      %dma_wait3A_65 = tpu.memref_slice %arg7[%arg0, %add3A_52, %dma_wait3A] : memref<2x10112x16xf32, #tpu.memory_space<hbm>> -> memref<1x128x16xf32, #tpu.memory_space<hbm>>
      %dma_wait3A_66 = tpu.memref_squeeze %dma_wait3A_65 : memref<1x128x16xf32, #tpu.memory_space<hbm>> -> memref<128x16xf32, #tpu.memory_space<hbm>>
      %dma_wait3A_67 = arith.constant 0 : i32
      %dma_wait3A_68 = tpu.memref_slice %arg8[%add3A_50, %dma_wait3A_67] : memref<10112x16xf32, #tpu.memory_space<vmem_shared>> -> memref<128x16xf32, #tpu.memory_space<vmem_shared>>
      tpu.wait_dma2 semaphore(%run_scoped3A : memref<!tpu.dma_semaphore, #tpu.memory_space<semaphore_mem>>) src(%dma_wait3A_68 : memref<128x16xf32, #tpu.memory_space<vmem_shared>>) dst(%dma_wait3A_66 : memref<128x16xf32, #tpu.memory_space<hbm>>)
      tpu.yield
    }) : () -> ()
    %add3A_53 = arith.constant 384 : i32
    %add3A_54 = arith.addi %mul3A_7, %add3A_53 : i32
    %add3A_55 = arith.constant 384 : i32
    %add3A_56 = arith.addi %mul3A_7, %add3A_55 : i32
    "tpu.region"() ({
      %run_scoped3A = tpu.sem_alloc : memref<!tpu.dma_semaphore, #tpu.memory_space<semaphore_mem>>
      %dma_start3A = arith.constant 0 : i32
      %dma_start3A_61 = tpu.memref_slice %arg7[%arg0, %add3A_56, %dma_start3A] : memref<2x10112x16xf32, #tpu.memory_space<hbm>> -> memref<1x128x16xf32, #tpu.memory_space<hbm>>
      %dma_start3A_62 = tpu.memref_squeeze %dma_start3A_61 : memref<1x128x16xf32, #tpu.memory_space<hbm>> -> memref<128x16xf32, #tpu.memory_space<hbm>>
      %dma_start3A_63 = arith.constant 0 : i32
      %dma_start3A_64 = tpu.memref_slice %arg8[%add3A_54, %dma_start3A_63] : memref<10112x16xf32, #tpu.memory_space<vmem_shared>> -> memref<128x16xf32, #tpu.memory_space<vmem_shared>>
      tpu.enqueue_dma source(%dma_start3A_64 : memref<128x16xf32, #tpu.memory_space<vmem_shared>>) target(%dma_start3A_62 : memref<128x16xf32, #tpu.memory_space<hbm>>) target_semaphore(%run_scoped3A : memref<!tpu.dma_semaphore, #tpu.memory_space<semaphore_mem>>)
      %dma_wait3A = arith.constant 0 : i32
      %dma_wait3A_65 = tpu.memref_slice %arg7[%arg0, %add3A_56, %dma_wait3A] : memref<2x10112x16xf32, #tpu.memory_space<hbm>> -> memref<1x128x16xf32, #tpu.memory_space<hbm>>
      %dma_wait3A_66 = tpu.memref_squeeze %dma_wait3A_65 : memref<1x128x16xf32, #tpu.memory_space<hbm>> -> memref<128x16xf32, #tpu.memory_space<hbm>>
      %dma_wait3A_67 = arith.constant 0 : i32
      %dma_wait3A_68 = tpu.memref_slice %arg8[%add3A_54, %dma_wait3A_67] : memref<10112x16xf32, #tpu.memory_space<vmem_shared>> -> memref<128x16xf32, #tpu.memory_space<vmem_shared>>
      tpu.wait_dma2 semaphore(%run_scoped3A : memref<!tpu.dma_semaphore, #tpu.memory_space<semaphore_mem>>) src(%dma_wait3A_68 : memref<128x16xf32, #tpu.memory_space<vmem_shared>>) dst(%dma_wait3A_66 : memref<128x16xf32, #tpu.memory_space<hbm>>)
      tpu.yield
    }) : () -> ()
    %add3A_57 = arith.constant 512 : i32
    %add3A_58 = arith.addi %mul3A_7, %add3A_57 : i32
    %add3A_59 = arith.constant 512 : i32
    %add3A_60 = arith.addi %mul3A_7, %add3A_59 : i32
    "tpu.region"() ({
      %run_scoped3A = tpu.sem_alloc : memref<!tpu.dma_semaphore, #tpu.memory_space<semaphore_mem>>
      %dma_start3A = arith.constant 0 : i32
      %dma_start3A_61 = tpu.memref_slice %arg7[%arg0, %add3A_60, %dma_start3A] : memref<2x10112x16xf32, #tpu.memory_space<hbm>> -> memref<1x120x16xf32, #tpu.memory_space<hbm>>
      %dma_start3A_62 = tpu.memref_squeeze %dma_start3A_61 : memref<1x120x16xf32, #tpu.memory_space<hbm>> -> memref<120x16xf32, #tpu.memory_space<hbm>>
      %dma_start3A_63 = arith.constant 0 : i32
      %dma_start3A_64 = tpu.memref_slice %arg8[%add3A_58, %dma_start3A_63] : memref<10112x16xf32, #tpu.memory_space<vmem_shared>> -> memref<120x16xf32, #tpu.memory_space<vmem_shared>>
      tpu.enqueue_dma source(%dma_start3A_64 : memref<120x16xf32, #tpu.memory_space<vmem_shared>>) target(%dma_start3A_62 : memref<120x16xf32, #tpu.memory_space<hbm>>) target_semaphore(%run_scoped3A : memref<!tpu.dma_semaphore, #tpu.memory_space<semaphore_mem>>)
      %dma_wait3A = arith.constant 0 : i32
      %dma_wait3A_65 = tpu.memref_slice %arg7[%arg0, %add3A_60, %dma_wait3A] : memref<2x10112x16xf32, #tpu.memory_space<hbm>> -> memref<1x120x16xf32, #tpu.memory_space<hbm>>
      %dma_wait3A_66 = tpu.memref_squeeze %dma_wait3A_65 : memref<1x120x16xf32, #tpu.memory_space<hbm>> -> memref<120x16xf32, #tpu.memory_space<hbm>>
      %dma_wait3A_67 = arith.constant 0 : i32
      %dma_wait3A_68 = tpu.memref_slice %arg8[%add3A_58, %dma_wait3A_67] : memref<10112x16xf32, #tpu.memory_space<vmem_shared>> -> memref<120x16xf32, #tpu.memory_space<vmem_shared>>
      tpu.wait_dma2 semaphore(%run_scoped3A : memref<!tpu.dma_semaphore, #tpu.memory_space<semaphore_mem>>) src(%dma_wait3A_68 : memref<120x16xf32, #tpu.memory_space<vmem_shared>>) dst(%dma_wait3A_66 : memref<120x16xf32, #tpu.memory_space<hbm>>)
      tpu.yield
    }) : () -> ()
    return
  }
}

module attributes {stable_mosaic.version = 14 : i64} {
  func.func @_tc1_body(%arg0: memref<10000x128xf32, #tpu.memory_space<vmem>>, %arg1: memref<128x128xf32, #tpu.memory_space<vmem>>, %arg2: memref<8x16xf32, #tpu.memory_space<vmem>>, %arg3: memref<8x16xf32, #tpu.memory_space<vmem>>, %arg4: memref<10000x144xf32, #tpu.memory_space<vmem>>, %arg5: memref<10000x16xf32, #tpu.memory_space<vmem>>, %arg6: memref<16xf32, #tpu.memory_space<vmem>>) attributes {dimension_semantics = [], scalar_prefetch = 0 : i64, scratch_operands = 0 : i64, tpu.core_type = #tpu.core_type<tc>} {
    %get3A = arith.constant 0 : index
    %get3A_0 = arith.constant 0 : index
    %get3A_1 = vector.load %arg0[%get3A, %get3A_0] : memref<10000x128xf32, #tpu.memory_space<vmem>>, vector<10000x128xf32>
    %get3A_2 = arith.constant 0 : index
    %get3A_3 = arith.constant 0 : index
    %get3A_4 = vector.load %arg1[%get3A_2, %get3A_3] : memref<128x128xf32, #tpu.memory_space<vmem>>, vector<128x128xf32>
    %dot_general3A = arith.constant dense<0.000000e+00> : vector<10000x128xf32>
    %dot_general3A_5 = tpu.matmul %get3A_1, %get3A_4, %dot_general3A {dimension_numbers = #tpu.dot_dimension_numbers<[1], [0], [0], [1], [0, 0, 1, 1], [], []>, transpose_lhs_hint = false} : vector<10000x128xf32>, vector<128x128xf32>, vector<10000x128xf32> -> vector<10000x128xf32>
    %reshape3A = vector.shape_cast %dot_general3A_5 : vector<10000x128xf32> to vector<10000x8x16xf32>
    %get3A_6 = arith.constant 0 : index
    %get3A_7 = arith.constant 0 : index
    %get3A_8 = vector.load %arg2[%get3A_6, %get3A_7] : memref<8x16xf32, #tpu.memory_space<vmem>>, vector<8x16xf32>
    %broadcast_in_dim3A = vector.shape_cast %get3A_8 : vector<8x16xf32> to vector<1x8x16xf32>
    %mul3A = vector.broadcast %broadcast_in_dim3A : vector<1x8x16xf32> to vector<10000x8x16xf32>
    %mul3A_9 = arith.mulf %reshape3A, %mul3A : vector<10000x8x16xf32>
    %reduce_sum3A = arith.constant dense<0.000000e+00> : vector<10000x8xf32>
    %reduce_sum3A_10 = vector.multi_reduction <add>, %mul3A_9, %reduce_sum3A [2] : vector<10000x8x16xf32> to vector<10000x8xf32>
    %get3A_11 = arith.constant 0 : index
    %get3A_12 = arith.constant 0 : index
    %get3A_13 = vector.load %arg3[%get3A_11, %get3A_12] : memref<8x16xf32, #tpu.memory_space<vmem>>, vector<8x16xf32>
    %broadcast_in_dim3A_14 = vector.shape_cast %get3A_13 : vector<8x16xf32> to vector<1x8x16xf32>
    %mul3A_15 = vector.broadcast %broadcast_in_dim3A_14 : vector<1x8x16xf32> to vector<10000x8x16xf32>
    %mul3A_16 = arith.mulf %reshape3A, %mul3A_15 : vector<10000x8x16xf32>
    %reduce_sum3A_17 = arith.constant dense<0.000000e+00> : vector<10000x8xf32>
    %reduce_sum3A_18 = vector.multi_reduction <add>, %mul3A_16, %reduce_sum3A_17 [2] : vector<10000x8x16xf32> to vector<10000x8xf32>
    %reduce_max3A = arith.constant dense<0xFF800000> : vector<8xf32>
    %reduce_max3A_19 = vector.multi_reduction <maximumf>, %reduce_sum3A_10, %reduce_max3A [0] : vector<10000x8xf32> to vector<8xf32>
    %reduce_max3A_20 = arith.constant dense<0xFF800000> : vector<8xf32>
    %reduce_max3A_21 = vector.multi_reduction <maximumf>, %reduce_sum3A_18, %reduce_max3A_20 [0] : vector<10000x8xf32> to vector<8xf32>
    %add3A = arith.addf %reduce_max3A_19, %reduce_max3A_21 : vector<8xf32>
    %mul3A_22 = arith.constant 2.000000e-01 : f32
    %mul3A_23 = vector.broadcast %mul3A_22 : f32 to vector<8xf32>
    %mul3A_24 = arith.mulf %mul3A_23, %add3A : vector<8xf32>
    %max3A = arith.maximumf %add3A, %mul3A_24 : vector<8xf32>
    %broadcast_in_dim3A_25 = arith.constant 0.000000e+00 : f32
    %broadcast_in_dim3A_26 = vector.broadcast %broadcast_in_dim3A_25 : f32 to vector<10000x8xf32>
    %concatenate3A = tpu.concatenate %reduce_sum3A_10, %broadcast_in_dim3A_26, %dot_general3A_5 in 1 : vector<10000x8xf32>, vector<10000x8xf32>, vector<10000x128xf32> -> vector<10000x144xf32>
    %swap3A = arith.constant 0 : index
    %swap3A_27 = arith.constant 0 : index
    %swap3A_28 = vector.load %arg4[%swap3A, %swap3A_27] : memref<10000x144xf32, #tpu.memory_space<vmem>>, vector<10000x144xf32>
    tpu.vector_store %arg4[%swap3A, %swap3A_27], %concatenate3A {strides = array<i32>} : memref<10000x144xf32, #tpu.memory_space<vmem>>, vector<10000x144xf32>,
    %concatenate3A_29 = tpu.concatenate %reduce_sum3A_18, %broadcast_in_dim3A_26 in 1 : vector<10000x8xf32>, vector<10000x8xf32> -> vector<10000x16xf32>
    %swap3A_30 = arith.constant 0 : index
    %swap3A_31 = arith.constant 0 : index
    %swap3A_32 = vector.load %arg5[%swap3A_30, %swap3A_31] : memref<10000x16xf32, #tpu.memory_space<vmem>>, vector<10000x16xf32>
    tpu.vector_store %arg5[%swap3A_30, %swap3A_31], %concatenate3A_29 {strides = array<i32>} : memref<10000x16xf32, #tpu.memory_space<vmem>>, vector<10000x16xf32>,
    %concatenate3A_33 = tpu.concatenate %max3A, %max3A in 0 : vector<8xf32>, vector<8xf32> -> vector<16xf32>
    %swap3A_34 = arith.constant 0 : index
    %swap3A_35 = vector.load %arg6[%swap3A_34] : memref<16xf32, #tpu.memory_space<vmem>>, vector<16xf32>
    tpu.vector_store %arg6[%swap3A_34], %concatenate3A_33 {strides = array<i32>} : memref<16xf32, #tpu.memory_space<vmem>>, vector<16xf32>,
    return
  }
}

module attributes {stable_mosaic.version = 14 : i64} {
  func.func @_tc2_body(%arg0: i32, %arg1: memref<2x2000x144xf32, #tpu.memory_space<vmem>>, %arg2: memref<2000x144xf32, #tpu.memory_space<vmem>>, %arg3: memref<2000x16xf32, #tpu.memory_space<vmem>>, %arg4: memref<16xf32, #tpu.memory_space<vmem>>, %arg5: memref<128xf32, #tpu.memory_space<vmem>>, %arg6: memref<128x2xf32, #tpu.memory_space<vmem>>, %arg7: memref<1x2xf32, #tpu.memory_space<vmem>>, %arg8: memref<1x2xf32, #tpu.memory_space<vmem>>, %arg9: memref<2000x16xf32, #tpu.memory_space<vmem>>, %arg10: memref<2000x16xf32, #tpu.memory_space<vmem>>, %arg11: memref<16xf32, #tpu.memory_space<vmem>>) attributes {dimension_semantics = [#tpu.dimension_semantics<arbitrary>], iteration_bounds = array<i64: 5>, scalar_prefetch = 0 : i64, scratch_operands = 0 : i64, tpu.core_type = #tpu.core_type<tc>, window_params = [{transform_indices = @transform_0, window_bounds = array<i64: 2, 2000, 144>}, {transform_indices = @transform_1, window_bounds = array<i64: 2000, 144>}, {transform_indices = @transform_2, window_bounds = array<i64: 2000, 16>}, {pipeline_mode = #tpu.pipeline_mode<synchronous>, transform_indices = @transform_3, window_bounds = array<i64: 16>}, {pipeline_mode = #tpu.pipeline_mode<synchronous>, transform_indices = @transform_4, window_bounds = array<i64: 128>}, {pipeline_mode = #tpu.pipeline_mode<synchronous>, transform_indices = @transform_5, window_bounds = array<i64: 128, 2>}, {pipeline_mode = #tpu.pipeline_mode<synchronous>, transform_indices = @transform_6, window_bounds = array<i64: 1, 2>}, {pipeline_mode = #tpu.pipeline_mode<synchronous>, transform_indices = @transform_7, window_bounds = array<i64: 1, 2>}, {transform_indices = @transform_8, window_bounds = array<i64: 2000, 16>}, {transform_indices = @transform_9, window_bounds = array<i64: 2000, 16>}, {pipeline_mode = #tpu.pipeline_mode<synchronous>, transform_indices = @transform_10, window_bounds = array<i64: 16>}]} {
    %get3A = arith.constant 0 : index
    %get3A_0 = arith.constant 0 : index
    %get3A_1 = arith.constant 0 : index
    %get3A_2 = vector.load %arg1[%get3A, %get3A_0, %get3A_1] : memref<2x2000x144xf32, #tpu.memory_space<vmem>>, vector<1x2000x144xf32>
    %get3A_3 = vector.shape_cast %get3A_2 : vector<1x2000x144xf32> to vector<2000x144xf32>
    %get3A_4 = arith.constant 1 : index
    %get3A_5 = arith.constant 0 : index
    %get3A_6 = arith.constant 0 : index
    %get3A_7 = vector.load %arg1[%get3A_4, %get3A_5, %get3A_6] : memref<2x2000x144xf32, #tpu.memory_space<vmem>>, vector<1x2000x144xf32>
    %get3A_8 = vector.shape_cast %get3A_7 : vector<1x2000x144xf32> to vector<2000x144xf32>
    %add3A = arith.addf %get3A_3, %get3A_8 : vector<2000x144xf32>
    %get3A_9 = arith.constant 0 : index
    %get3A_10 = arith.constant 0 : index
    %get3A_11 = vector.load %arg2[%get3A_9, %get3A_10] : memref<2000x144xf32, #tpu.memory_space<vmem>>, vector<2000x8xf32>
    %get3A_12 = arith.constant 0 : index
    %get3A_13 = arith.constant 16 : index
    %get3A_14 = vector.load %arg2[%get3A_12, %get3A_13] : memref<2000x144xf32, #tpu.memory_space<vmem>>, vector<2000x128xf32>
    %get3A_15 = arith.constant 0 : index
    %get3A_16 = arith.constant 0 : index
    %get3A_17 = vector.load %arg3[%get3A_15, %get3A_16] : memref<2000x16xf32, #tpu.memory_space<vmem>>, vector<2000x8xf32>
    %get3A_18 = arith.constant 0 : index
    %get3A_19 = vector.load %arg4[%get3A_18] : memref<16xf32, #tpu.memory_space<vmem>>, vector<8xf32>
    %add3A_20 = arith.addf %get3A_11, %get3A_17 : vector<2000x8xf32>
    %mul3A = arith.constant 2.000000e-01 : f32
    %mul3A_21 = vector.broadcast %mul3A : f32 to vector<2000x8xf32>
    %mul3A_22 = arith.mulf %mul3A_21, %add3A_20 : vector<2000x8xf32>
    %max3A = arith.maximumf %add3A_20, %mul3A_22 : vector<2000x8xf32>
    %broadcast_in_dim3A = vector.shape_cast %get3A_19 : vector<8xf32> to vector<1x8xf32>
    %sub3A = vector.broadcast %broadcast_in_dim3A : vector<1x8xf32> to vector<2000x8xf32>
    %sub3A_23 = arith.subf %max3A, %sub3A : vector<2000x8xf32>
    %exp3A = math.exp %sub3A_23 : vector<2000x8xf32>
    %slice3A = vector.extract_strided_slice %add3A {offsets = [0, 0], sizes = [2000, 8], strides = [1, 1]} : vector<2000x144xf32> to vector<2000x8xf32>
    %add3A_24 = arith.addf %slice3A, %exp3A : vector<2000x8xf32>
    %broadcast_in_dim3A_25 = vector.shape_cast %exp3A : vector<2000x8xf32> to vector<2000x8x1xf32>
    %broadcast_in_dim3A_26 = vector.shape_cast %broadcast_in_dim3A_25 : vector<2000x8x1xf32> to vector<2000x8x1xf32>
    %broadcast_in_dim3A_27 = vector.broadcast %broadcast_in_dim3A_26 : vector<2000x8x1xf32> to vector<2000x8x16xf32>
    %reshape3A = vector.shape_cast %broadcast_in_dim3A_27 : vector<2000x8x16xf32> to vector<2000x128xf32>
    %broadcast_in_dim3A_28 = vector.shape_cast %add3A_24 : vector<2000x8xf32> to vector<2000x8x1xf32>
    %broadcast_in_dim3A_29 = vector.shape_cast %broadcast_in_dim3A_28 : vector<2000x8x1xf32> to vector<2000x8x1xf32>
    %broadcast_in_dim3A_30 = vector.broadcast %broadcast_in_dim3A_29 : vector<2000x8x1xf32> to vector<2000x8x16xf32>
    %reshape3A_31 = vector.shape_cast %broadcast_in_dim3A_30 : vector<2000x8x16xf32> to vector<2000x128xf32>
    %slice3A_32 = vector.extract_strided_slice %add3A {offsets = [0, 16], sizes = [2000, 128], strides = [1, 1]} : vector<2000x144xf32> to vector<2000x128xf32>
    %mul3A_33 = arith.mulf %reshape3A, %get3A_14 : vector<2000x128xf32>
    %add3A_34 = arith.addf %slice3A_32, %mul3A_33 : vector<2000x128xf32>
    %add3A_35 = arith.constant 1.000000e-16 : f32
    %add3A_36 = vector.broadcast %add3A_35 : f32 to vector<2000x128xf32>
    %add3A_37 = arith.addf %reshape3A_31, %add3A_36 : vector<2000x128xf32>
    %div3A = arith.divf %add3A_34, %add3A_37 : vector<2000x128xf32>
    %get3A_38 = arith.constant 0 : index
    %get3A_39 = vector.load %arg5[%get3A_38] : memref<128xf32, #tpu.memory_space<vmem>>, vector<128xf32>
    %broadcast_in_dim3A_40 = vector.shape_cast %get3A_39 : vector<128xf32> to vector<1x128xf32>
    %add3A_41 = vector.broadcast %broadcast_in_dim3A_40 : vector<1x128xf32> to vector<2000x128xf32>
    %add3A_42 = arith.addf %div3A, %add3A_41 : vector<2000x128xf32>
    %max3A_43 = arith.constant 0.000000e+00 : f32
    %max3A_44 = vector.broadcast %max3A_43 : f32 to vector<2000x128xf32>
    %max3A_45 = arith.maximumf %add3A_42, %max3A_44 : vector<2000x128xf32>
    %get3A_46 = arith.constant 0 : index
    %get3A_47 = arith.constant 0 : index
    %get3A_48 = vector.load %arg6[%get3A_46, %get3A_47] : memref<128x2xf32, #tpu.memory_space<vmem>>, vector<128x2xf32>
    %dot_general3A = arith.constant dense<0.000000e+00> : vector<2000x2xf32>
    %dot_general3A_49 = tpu.matmul %max3A_45, %get3A_48, %dot_general3A {dimension_numbers = #tpu.dot_dimension_numbers<[1], [0], [0], [1], [0, 0, 1, 1], [], []>, transpose_lhs_hint = false} : vector<2000x128xf32>, vector<128x2xf32>, vector<2000x2xf32> -> vector<2000x2xf32>
    %get3A_50 = arith.constant 0 : index
    %get3A_51 = arith.constant 0 : index
    %get3A_52 = vector.load %arg7[%get3A_50, %get3A_51] : memref<1x2xf32, #tpu.memory_space<vmem>>, vector<1x2xf32>
    %get3A_53 = arith.constant 0 : index
    %get3A_54 = arith.constant 0 : index
    %get3A_55 = vector.load %arg8[%get3A_53, %get3A_54] : memref<1x2xf32, #tpu.memory_space<vmem>>, vector<1x2xf32>
    %slice3A_56 = vector.extract_strided_slice %dot_general3A_49 {offsets = [0, 0], sizes = [2000, 1], strides = [1, 1]} : vector<2000x2xf32> to vector<2000x1xf32>
    %squeeze3A = vector.shape_cast %slice3A_56 : vector<2000x1xf32> to vector<2000xf32>
    %slice3A_57 = vector.extract_strided_slice %get3A_52 {offsets = [0, 0], sizes = [1, 1], strides = [1, 1]} : vector<1x2xf32> to vector<1x1xf32>
    %squeeze3A_58 = vector.extract %slice3A_57[0, 0] : f32 from vector<1x1xf32>
    %mul3A_59 = vector.broadcast %squeeze3A_58 : f32 to vector<2000xf32>
    %mul3A_60 = arith.mulf %squeeze3A, %mul3A_59 : vector<2000xf32>
    %slice3A_61 = vector.extract_strided_slice %dot_general3A_49 {offsets = [0, 1], sizes = [2000, 1], strides = [1, 1]} : vector<2000x2xf32> to vector<2000x1xf32>
    %squeeze3A_62 = vector.shape_cast %slice3A_61 : vector<2000x1xf32> to vector<2000xf32>
    %slice3A_63 = vector.extract_strided_slice %get3A_52 {offsets = [0, 1], sizes = [1, 1], strides = [1, 1]} : vector<1x2xf32> to vector<1x1xf32>
    %squeeze3A_64 = vector.extract %slice3A_63[0, 0] : f32 from vector<1x1xf32>
    %mul3A_65 = vector.broadcast %squeeze3A_64 : f32 to vector<2000xf32>
    %mul3A_66 = arith.mulf %squeeze3A_62, %mul3A_65 : vector<2000xf32>
    %add3A_67 = arith.addf %mul3A_60, %mul3A_66 : vector<2000xf32>
    %slice3A_68 = vector.extract_strided_slice %dot_general3A_49 {offsets = [0, 0], sizes = [2000, 1], strides = [1, 1]} : vector<2000x2xf32> to vector<2000x1xf32>
    %squeeze3A_69 = vector.shape_cast %slice3A_68 : vector<2000x1xf32> to vector<2000xf32>
    %slice3A_70 = vector.extract_strided_slice %get3A_55 {offsets = [0, 0], sizes = [1, 1], strides = [1, 1]} : vector<1x2xf32> to vector<1x1xf32>
    %squeeze3A_71 = vector.extract %slice3A_70[0, 0] : f32 from vector<1x1xf32>
    %mul3A_72 = vector.broadcast %squeeze3A_71 : f32 to vector<2000xf32>
    %mul3A_73 = arith.mulf %squeeze3A_69, %mul3A_72 : vector<2000xf32>
    %slice3A_74 = vector.extract_strided_slice %dot_general3A_49 {offsets = [0, 1], sizes = [2000, 1], strides = [1, 1]} : vector<2000x2xf32> to vector<2000x1xf32>
    %squeeze3A_75 = vector.shape_cast %slice3A_74 : vector<2000x1xf32> to vector<2000xf32>
    %slice3A_76 = vector.extract_strided_slice %get3A_55 {offsets = [0, 1], sizes = [1, 1], strides = [1, 1]} : vector<1x2xf32> to vector<1x1xf32>
    %squeeze3A_77 = vector.extract %slice3A_76[0, 0] : f32 from vector<1x1xf32>
    %mul3A_78 = vector.broadcast %squeeze3A_77 : f32 to vector<2000xf32>
    %mul3A_79 = arith.mulf %squeeze3A_75, %mul3A_78 : vector<2000xf32>
    %add3A_80 = arith.addf %mul3A_73, %mul3A_79 : vector<2000xf32>
    %broadcast_in_dim3A_81 = arith.constant 0.000000e+00 : f32
    %broadcast_in_dim3A_82 = vector.broadcast %broadcast_in_dim3A_81 : f32 to vector<2000x13xf32>
    %broadcast_in_dim3A_83 = arith.constant 0.000000e+00 : f32
    %broadcast_in_dim3A_84 = vector.broadcast %broadcast_in_dim3A_83 : f32 to vector<2000x15xf32>
    %broadcast_in_dim3A_85 = vector.shape_cast %add3A_67 : vector<2000xf32> to vector<2000x1xf32>
    %concatenate3A = tpu.concatenate %broadcast_in_dim3A_85, %dot_general3A_49, %broadcast_in_dim3A_82 in 1 : vector<2000x1xf32>, vector<2000x2xf32>, vector<2000x13xf32> -> vector<2000x16xf32>
    %swap3A = arith.constant 0 : index
    %swap3A_86 = arith.constant 0 : index
    %swap3A_87 = vector.load %arg9[%swap3A, %swap3A_86] : memref<2000x16xf32, #tpu.memory_space<vmem>>, vector<2000x16xf32>
    tpu.vector_store %arg9[%swap3A, %swap3A_86], %concatenate3A {strides = array<i32>} : memref<2000x16xf32, #tpu.memory_space<vmem>>, vector<2000x16xf32>,
    %broadcast_in_dim3A_88 = vector.shape_cast %add3A_80 : vector<2000xf32> to vector<2000x1xf32>
    %concatenate3A_89 = tpu.concatenate %broadcast_in_dim3A_88, %broadcast_in_dim3A_84 in 1 : vector<2000x1xf32>, vector<2000x15xf32> -> vector<2000x16xf32>
    %swap3A_90 = arith.constant 0 : index
    %swap3A_91 = arith.constant 0 : index
    %swap3A_92 = vector.load %arg10[%swap3A_90, %swap3A_91] : memref<2000x16xf32, #tpu.memory_space<vmem>>, vector<2000x16xf32>
    tpu.vector_store %arg10[%swap3A_90, %swap3A_91], %concatenate3A_89 {strides = array<i32>} : memref<2000x16xf32, #tpu.memory_space<vmem>>, vector<2000x16xf32>,
    %reduce_max3A = vector.shape_cast %add3A_67 : vector<2000xf32> to vector<1x2000xf32>
    %reduce_max3A_93 = arith.constant dense<0xFF800000> : vector<1xf32>
    %reduce_max3A_94 = vector.multi_reduction <maximumf>, %reduce_max3A, %reduce_max3A_93 [1] : vector<1x2000xf32> to vector<1xf32>
    %reduce_max3A_95 = vector.shape_cast %reduce_max3A_94 : vector<1xf32> to vector<1x1xf32>
    %reduce_max3A_96 = vector.extract %reduce_max3A_95[0, 0] : f32 from vector<1x1xf32>
    %broadcast_in_dim3A_97 = vector.broadcast %reduce_max3A_96 : f32 to vector<8xf32>
    %reduce_max3A_98 = vector.shape_cast %add3A_80 : vector<2000xf32> to vector<1x2000xf32>
    %reduce_max3A_99 = arith.constant dense<0xFF800000> : vector<1xf32>
    %reduce_max3A_100 = vector.multi_reduction <maximumf>, %reduce_max3A_98, %reduce_max3A_99 [1] : vector<1x2000xf32> to vector<1xf32>
    %reduce_max3A_101 = vector.shape_cast %reduce_max3A_100 : vector<1xf32> to vector<1x1xf32>
    %reduce_max3A_102 = vector.extract %reduce_max3A_101[0, 0] : f32 from vector<1x1xf32>
    %broadcast_in_dim3A_103 = vector.broadcast %reduce_max3A_102 : f32 to vector<8xf32>
    %concatenate3A_104 = tpu.concatenate %broadcast_in_dim3A_97, %broadcast_in_dim3A_103 in 0 : vector<8xf32>, vector<8xf32> -> vector<16xf32>
    %eq3A = arith.constant 0 : i32
    %eq3A_105 = arith.cmpi eq, %arg0, %eq3A : i32
    %convert_element_type3A = arith.extui %eq3A_105 : i1 to i32
    %cond3A = arith.constant 0 : i32
    %cond3A_106 = arith.cmpi ne, %convert_element_type3A, %cond3A : i32
    scf.if %cond3A_106 {
      %swap3A_111 = arith.constant 0 : index
      %swap3A_112 = vector.load %arg11[%swap3A_111] : memref<16xf32, #tpu.memory_space<vmem>>, vector<16xf32>
      tpu.vector_store %arg11[%swap3A_111], %concatenate3A_104 {strides = array<i32>} : memref<16xf32, #tpu.memory_space<vmem>>, vector<16xf32>,
    } else {
    }
    %gt3A = arith.constant 0 : i32
    %gt3A_107 = arith.cmpi sgt, %arg0, %gt3A : i32
    %convert_element_type3A_108 = arith.extui %gt3A_107 : i1 to i32
    %cond3A_109 = arith.constant 0 : i32
    %cond3A_110 = arith.cmpi ne, %convert_element_type3A_108, %cond3A_109 : i32
    scf.if %cond3A_110 {
      %get3A_111 = arith.constant 0 : index
      %get3A_112 = vector.load %arg11[%get3A_111] : memref<16xf32, #tpu.memory_space<vmem>>, vector<16xf32>
      %max3A_113 = arith.maximumf %get3A_112, %concatenate3A_104 : vector<16xf32>
      %swap3A_114 = arith.constant 0 : index
      %swap3A_115 = vector.load %arg11[%swap3A_114] : memref<16xf32, #tpu.memory_space<vmem>>, vector<16xf32>
      tpu.vector_store %arg11[%swap3A_114], %max3A_113 {strides = array<i32>} : memref<16xf32, #tpu.memory_space<vmem>>, vector<16xf32>,
    } else {
    }
    return
  }
  func.func @transform_0(%arg0: i32) -> (i32, i32, i32) {
    %c0_i32 = arith.constant 0 : i32
    %c0_i32_0 = arith.constant 0 : i32
    %c0_i32_1 = arith.constant 0 : i32
    return %c0_i32, %arg0, %c0_i32_0 : i32, i32, i32
  }
  func.func @transform_1(%arg0: i32) -> (i32, i32) {
    %c0_i32 = arith.constant 0 : i32
    %c0_i32_0 = arith.constant 0 : i32
    return %arg0, %c0_i32 : i32, i32
  }
  func.func @transform_2(%arg0: i32) -> (i32, i32) {
    %c0_i32 = arith.constant 0 : i32
    %c0_i32_0 = arith.constant 0 : i32
    return %arg0, %c0_i32 : i32, i32
  }
  func.func @transform_3(%arg0: i32) -> i32 {
    %c0_i32 = arith.constant 0 : i32
    %c0_i32_0 = arith.constant 0 : i32
    return %c0_i32 : i32
  }
  func.func @transform_4(%arg0: i32) -> i32 {
    %c0_i32 = arith.constant 0 : i32
    %c0_i32_0 = arith.constant 0 : i32
    return %c0_i32 : i32
  }
  func.func @transform_5(%arg0: i32) -> (i32, i32) {
    %c0_i32 = arith.constant 0 : i32
    %c0_i32_0 = arith.constant 0 : i32
    %c0_i32_1 = arith.constant 0 : i32
    return %c0_i32, %c0_i32_0 : i32, i32
  }
  func.func @transform_6(%arg0: i32) -> (i32, i32) {
    %c0_i32 = arith.constant 0 : i32
    %c0_i32_0 = arith.constant 0 : i32
    %c0_i32_1 = arith.constant 0 : i32
    return %c0_i32, %c0_i32_0 : i32, i32
  }
  func.func @transform_7(%arg0: i32) -> (i32, i32) {
    %c0_i32 = arith.constant 0 : i32
    %c0_i32_0 = arith.constant 0 : i32
    %c0_i32_1 = arith.constant 0 : i32
    return %c0_i32, %c0_i32_0 : i32, i32
  }
  func.func @transform_8(%arg0: i32) -> (i32, i32) {
    %c0_i32 = arith.constant 0 : i32
    %c0_i32_0 = arith.constant 0 : i32
    return %arg0, %c0_i32 : i32, i32
  }
  func.func @transform_9(%arg0: i32) -> (i32, i32) {
    %c0_i32 = arith.constant 0 : i32
    %c0_i32_0 = arith.constant 0 : i32
    return %arg0, %c0_i32 : i32, i32
  }
  func.func @transform_10(%arg0: i32) -> i32 {
    %c0_i32 = arith.constant 0 : i32
    %c0_i32_0 = arith.constant 0 : i32
    return %c0_i32 : i32
  }
}

module attributes {stable_mosaic.version = 14 : i64} {
  func.func @_tc3_body(%arg0: memref<2x10112x16xf32, #tpu.memory_space<vmem>>, %arg1: memref<10000x16xf32, #tpu.memory_space<vmem>>, %arg2: memref<10000x16xf32, #tpu.memory_space<vmem>>, %arg3: memref<16xf32, #tpu.memory_space<vmem>>, %arg4: memref<2xf32, #tpu.memory_space<vmem>>, %arg5: memref<10000x2xf32, #tpu.memory_space<vmem>>) attributes {dimension_semantics = [], scalar_prefetch = 0 : i64, scratch_operands = 0 : i64, tpu.core_type = #tpu.core_type<tc>} {
    %get3A = arith.constant 0 : index
    %get3A_0 = arith.constant 0 : index
    %get3A_1 = arith.constant 0 : index
    %get3A_2 = vector.load %arg0[%get3A, %get3A_0, %get3A_1] : memref<2x10112x16xf32, #tpu.memory_space<vmem>>, vector<1x10000x16xf32>
    %get3A_3 = vector.shape_cast %get3A_2 : vector<1x10000x16xf32> to vector<10000x16xf32>
    %get3A_4 = arith.constant 1 : index
    %get3A_5 = arith.constant 0 : index
    %get3A_6 = arith.constant 0 : index
    %get3A_7 = vector.load %arg0[%get3A_4, %get3A_5, %get3A_6] : memref<2x10112x16xf32, #tpu.memory_space<vmem>>, vector<1x10000x16xf32>
    %get3A_8 = vector.shape_cast %get3A_7 : vector<1x10000x16xf32> to vector<10000x16xf32>
    %add3A = arith.addf %get3A_3, %get3A_8 : vector<10000x16xf32>
    %get3A_9 = arith.constant 0 : index
    %get3A_10 = arith.constant 0 : index
    %get3A_11 = vector.load %arg1[%get3A_9, %get3A_10] : memref<10000x16xf32, #tpu.memory_space<vmem>>, vector<10000x1xf32>
    %get3A_12 = vector.shape_cast %get3A_11 : vector<10000x1xf32> to vector<10000xf32>
    %get3A_13 = arith.constant 0 : index
    %get3A_14 = arith.constant 1 : index
    %get3A_15 = vector.load %arg1[%get3A_13, %get3A_14] : memref<10000x16xf32, #tpu.memory_space<vmem>>, vector<10000x2xf32>
    %get3A_16 = arith.constant 0 : index
    %get3A_17 = arith.constant 0 : index
    %get3A_18 = vector.load %arg2[%get3A_16, %get3A_17] : memref<10000x16xf32, #tpu.memory_space<vmem>>, vector<10000x1xf32>
    %get3A_19 = vector.shape_cast %get3A_18 : vector<10000x1xf32> to vector<10000xf32>
    %get3A_20 = arith.constant 0 : index
    %get3A_21 = vector.load %arg3[%get3A_20] : memref<16xf32, #tpu.memory_space<vmem>>, vector<1xf32>
    %get3A_22 = vector.extract %get3A_21[0] : f32 from vector<1xf32>
    %get3A_23 = arith.constant 8 : index
    %get3A_24 = vector.load %arg3[%get3A_23] : memref<16xf32, #tpu.memory_space<vmem>>, vector<1xf32>
    %get3A_25 = vector.extract %get3A_24[0] : f32 from vector<1xf32>
    %add3A_26 = arith.addf %get3A_22, %get3A_25 : f32
    %mul3A = arith.constant 2.000000e-01 : f32
    %mul3A_27 = arith.mulf %mul3A, %add3A_26 : f32
    %max3A = arith.maximumf %add3A_26, %mul3A_27 : f32
    %add3A_28 = arith.addf %get3A_12, %get3A_19 : vector<10000xf32>
    %mul3A_29 = arith.constant 2.000000e-01 : f32
    %mul3A_30 = vector.broadcast %mul3A_29 : f32 to vector<10000xf32>
    %mul3A_31 = arith.mulf %mul3A_30, %add3A_28 : vector<10000xf32>
    %max3A_32 = arith.maximumf %add3A_28, %mul3A_31 : vector<10000xf32>
    %sub3A = vector.broadcast %max3A : f32 to vector<10000xf32>
    %sub3A_33 = arith.subf %max3A_32, %sub3A : vector<10000xf32>
    %exp3A = math.exp %sub3A_33 : vector<10000xf32>
    %slice3A = vector.extract_strided_slice %add3A {offsets = [0, 0], sizes = [10000, 1], strides = [1, 1]} : vector<10000x16xf32> to vector<10000x1xf32>
    %squeeze3A = vector.shape_cast %slice3A : vector<10000x1xf32> to vector<10000xf32>
    %add3A_34 = arith.addf %squeeze3A, %exp3A : vector<10000xf32>
    %slice3A_35 = vector.extract_strided_slice %add3A {offsets = [0, 1], sizes = [10000, 2], strides = [1, 1]} : vector<10000x16xf32> to vector<10000x2xf32>
    %broadcast_in_dim3A = vector.shape_cast %exp3A : vector<10000xf32> to vector<10000x1xf32>
    %mul3A_36 = vector.broadcast %broadcast_in_dim3A : vector<10000x1xf32> to vector<10000x2xf32>
    %mul3A_37 = arith.mulf %mul3A_36, %get3A_15 : vector<10000x2xf32>
    %add3A_38 = arith.addf %slice3A_35, %mul3A_37 : vector<10000x2xf32>
    %broadcast_in_dim3A_39 = vector.shape_cast %add3A_34 : vector<10000xf32> to vector<10000x1xf32>
    %add3A_40 = arith.constant 1.000000e-16 : f32
    %add3A_41 = vector.broadcast %add3A_40 : f32 to vector<10000x1xf32>
    %add3A_42 = arith.addf %broadcast_in_dim3A_39, %add3A_41 : vector<10000x1xf32>
    %div3A = vector.broadcast %add3A_42 : vector<10000x1xf32> to vector<10000x2xf32>
    %div3A_43 = arith.divf %add3A_38, %div3A : vector<10000x2xf32>
    %get3A_44 = arith.constant 0 : index
    %get3A_45 = vector.load %arg4[%get3A_44] : memref<2xf32, #tpu.memory_space<vmem>>, vector<2xf32>
    %broadcast_in_dim3A_46 = vector.shape_cast %get3A_45 : vector<2xf32> to vector<1x2xf32>
    %add3A_47 = vector.broadcast %broadcast_in_dim3A_46 : vector<1x2xf32> to vector<10000x2xf32>
    %add3A_48 = arith.addf %div3A_43, %add3A_47 : vector<10000x2xf32>
    %swap3A = arith.constant 0 : index
    %swap3A_49 = arith.constant 0 : index
    %swap3A_50 = vector.load %arg5[%swap3A, %swap3A_49] : memref<10000x2xf32, #tpu.memory_space<vmem>>, vector<10000x2xf32>
    tpu.vector_store %arg5[%swap3A, %swap3A_49], %add3A_48 {strides = array<i32>} : memref<10000x2xf32, #tpu.memory_space<vmem>>, vector<10000x2xf32>,
    return
  }
}

</mosaic_0001>

<sc_bundles>
// kernel: kernel.10.cloned.1.call-start
scs
__scs_entry_jumppad:
0x0: {  	(pc) =	sbr.rel $0x88, $3  }
0x1: {  	(tag) =	ssettag $0x0;
	lr =	simm.s32 $0x1  }
0x2: {  	[smem:$0x3F97] =	sst lr;
	_ =	strace $0xD0000000  }
0x3: {  	_ = 	snop  }
0x4: {  	_ = 	snop  }
0x5: {  	_ = 	snop  }
0x6: {  	_ = 	snop  }
0x7: {  	_ = 	snop  }
__scs_overlays_trampoline_lowered:
0x8: {  	[smem:$0x3FA6] =	sst s0  }
0x9: {  	[smem:$0x3FA7] =	sst s1  }
0xa: {  	[smem:$0x3FA8] =	sst s2  }
0xb: {  	[smem:$0x3FA9] =	sst s3  }
0xc: {  	[smem:$0x3FAA] =	sst s4  }
0xd: {  	[smem:$0x3FAB] =	sst s5  }
0xe: {  	[smem:$0x3FAC] =	sst s6  }
0xf: {  	[smem:$0x3FAD] =	sst s7  }
0x10: {  	[smem:$0x3FAE] =	sst s8  }
0x11: {  	[smem:$0x3FAF] =	sst s9;
	s0 =	simm.s32 @!p0 $0x0  }
0x12: {  	s1 =	sld [smem:$0x3F95];
	s0 =	simm.s32 @p0 $0x1  }
0x13: {  	[smem:$0x3FB0] =	sst s0;
	s0 =	simm.s32 @!p1 $0x0  }
0x14: {  	s2 =	sld [smem:$0x3F94];
	s0 =	simm.s32 @p1 $0x1  }
0x15: {  	[smem:$0x3FB1] =	sst s0;
	s0 =	simm.s32 @!p2 $0x0  }
0x16: {  	s3 =	sld [smem:$0x3FDB];
	s0 =	simm.s32 @p2 $0x1  }
0x17: {  	s4 =	simm.s32 $0x1BF5;
	[smem:$0x3FB3] =	sst s0  }
0x18: {  	s0 =	sld [smem:$0x3F96];
	_ =	swait.ge [sflag:s4], $0x0  }
0x19: {  	s7 =	sld [smem:$0x3F97]  }
0x1a: {  	s8 =	sadd.s32 $0xFFFFE003, lr  }
0x1b: {  	s9 =	sadd.s32 $0xFFFFFEF7, lr;
	s5 =	simm.s32 $0xFFFFFFFF;
	p2 =	slt.u32 s8, $0xFFFFF086  }
0x1c: {  	p1 =	slt.u32 s9, $0xF7A;
	s5 =	simm.s32 @!p2 $0x0  }
0x1d: {  	s5 =	simm.s32 @p1 $0x1;
	p0 =	seq.s32 s7, s2  }
0x1e: {  	s7 =	smul.u32 @!p0 $0xF7A, s2;
	p2 =	seq.s32 @!p0 s5, $0x0  }
0x1f: {  	s9 =	smul.u32 $0xF7A, s1;
	s8 =	simm.s32 @!p0 $0x1BF5;
	p2 =	por !p2, p0  }
0x20: {  	[sflag:s8] =	ssyncset.s32 @!p0 $0xFFFFF086;
	s6 =	sadd.s32 @!p0 s3, s7;
	s7 =	simm.s32 @!p0 $0x108  }
0x21: {  	s3 =	sadd.s32 s3, s9;
	s6 =	sadd.s32 @!p0 $0x88, s6;
	s7 =	simm.s32 @p2 $0x1082  }
0x22: {  	[simem:s7], [sflag:s8] =	dma.local @!p0 [hbm:s6], $0xF7A  }
0x23: {  	s9 =	sor.u32 $0xD0000000, s2;
	s6 =	simm.s32 $0x108;
	_ =	swait.ge @!p0 [sflag:s8], $0x0  }
0x24: {  	s3 =	sadd.s32 $0x88, s3;
	s6 =	simm.s32 @!p1 $0x1082;
	[sflag:s4] =	ssyncset.s32 $0xFFFFF086  }
0x25: {  	[simem:s6], [sflag:s4] =	dma.local [hbm:s3], $0xF7A  }
0x26: {  	[smem:$0x3F97] =	sst s1;
	(tag) =	ssettag s2;
	_ =	strace s9  }
0x27: {  	s1 =	sld [smem:$0x3FA7]  }
0x28: {  	s2 =	sld [smem:$0x3FA8]  }
0x29: {  	s4 =	sld [smem:$0x3FAA]  }
0x2a: {  	p0 =	seq.s32 s5, $0x0;
	s5 =	sld [smem:$0x3FAB]  }
0x2b: {  	s6 =	sld [smem:$0x3FAC]  }
0x2c: {  	s7 =	sld [smem:$0x3FAD]  }
0x2d: {  	s3 =	simm.s32 $0x108;
	s8 =	sld [smem:$0x3FAE]  }
0x2e: {  	s3 =	simm.s32 @!p0 $0x1082;
	s9 =	sld [smem:$0x3FAF]  }
0x2f: {  	lr =	sadd.s32 s0, s3;
	s0 =	sld [smem:$0x3FA6]  }
0x30: {  	s3 =	sld [smem:$0x3FA9]  }
0x31: {  	[smem:$0x3FB2] =	sst s10  }
0x32: {  	s10 =	sld [smem:$0x3FB0];
	_ =	sdelay $0x3  }
0x33: {  	p0 =	seq.s32 s10, $0x1;
	s10 =	sld [smem:$0x3FB2];
	_ =	sdelay $0x3  }
0x34: {  	[smem:$0x3FB2] =	sst s10  }
0x35: {  	s10 =	sld [smem:$0x3FB1];
	_ =	sdelay $0x3  }
0x36: {  	p1 =	seq.s32 s10, $0x1;
	s10 =	sld [smem:$0x3FB2];
	_ =	sdelay $0x3  }
0x37: {  	[smem:$0x3FB2] =	sst s10  }
0x38: {  	s10 =	sld [smem:$0x3FB3]  }
0x39: {  	_ = 	snop;
	(pc) =	sbr.ind lr, $3  }
0x3a: {  	_ = 	snop  }
0x3b: {  	_ = 	snop  }
0x3c: {  	p2 =	seq.s32 s10, $0x1;
	s10 =	sld [smem:$0x3FB2]  }
0x3d: {  	_ =	shalt  }
0x3e: {  	_ =	shalt  }
0x3f: {  	_ =	shalt  }
0x40: {  	_ =	shalt  }
0x41: {  	_ =	shalt  }
0x42: {  	_ =	shalt  }
0x43: {  	_ =	shalt  }
0x44: {  	_ =	shalt  }
0x45: {  	_ =	shalt  }
0x46: {  	_ =	shalt  }
0x47: {  	_ =	shalt  }
0x48: {  	_ =	shalt  }
0x49: {  	_ =	shalt  }
0x4a: {  	_ =	shalt  }
0x4b: {  	_ =	shalt  }
0x4c: {  	_ =	shalt  }
0x4d: {  	_ =	shalt  }
0x4e: {  	_ =	shalt  }
0x4f: {  	_ =	shalt  }
0x50: {  	_ =	shalt  }
0x51: {  	_ =	shalt  }
0x52: {  	_ =	shalt  }
0x53: {  	_ =	shalt  }
0x54: {  	_ =	shalt  }
0x55: {  	_ =	shalt  }
0x56: {  	_ =	shalt  }
0x57: {  	_ =	shalt  }
0x58: {  	_ =	shalt  }
0x59: {  	_ =	shalt  }
0x5a: {  	_ =	shalt  }
0x5b: {  	_ =	shalt  }
0x5c: {  	_ =	shalt  }
0x5d: {  	_ =	shalt  }
0x5e: {  	_ =	shalt  }
0x5f: {  	_ =	shalt  }
0x60: {  	_ =	shalt  }
0x61: {  	_ =	shalt  }
0x62: {  	_ =	shalt  }
0x63: {  	_ =	shalt  }
0x64: {  	_ =	shalt  }
0x65: {  	_ =	shalt  }
0x66: {  	_ =	shalt  }
0x67: {  	_ =	shalt  }
0x68: {  	_ =	shalt  }
0x69: {  	_ =	shalt  }
0x6a: {  	_ =	shalt  }
0x6b: {  	_ =	shalt  }
0x6c: {  	_ =	shalt  }
0x6d: {  	_ =	shalt  }
0x6e: {  	_ =	shalt  }
0x6f: {  	_ =	shalt  }
0x70: {  	_ =	shalt  }
0x71: {  	_ =	shalt  }
0x72: {  	_ =	shalt  }
0x73: {  	_ =	shalt  }
0x74: {  	_ =	shalt  }
0x75: {  	_ =	shalt  }
0x76: {  	_ =	shalt  }
0x77: {  	_ =	shalt  }
0x78: {  	_ =	shalt  }
0x79: {  	_ =	shalt  }
0x7a: {  	_ =	shalt  }
0x7b: {  	_ =	shalt  }
0x7c: {  	_ =	shalt  }
0x7d: {  	_ =	shalt  }
0x7e: {  	_ =	shalt  }
0x7f: {  	_ =	shalt  }
0x80: {  	_ =	shalt  }
0x81: {  	_ =	shalt  }
0x82: {  	_ =	shalt  }
0x83: {  	_ =	shalt  }
0x84: {  	_ =	shalt  }
0x85: {  	_ =	shalt  }
0x86: {  	_ =	shalt  }
0x87: {  	_ =	shalt  }
.Lfunc_end0:
.L_simem_size_0:
called_computation.1_lowered:
.L_overlay_start_0:
0x88: {  	s2 =	sld [smem:$0x3FD9]  }
0x89: {  	s3 =	sld [smem:$0x3FFE];
	_ =	sdelay $0x1  }
0x8a: {  	s1 =	srdreg.scid  }
0x8b: {  	s0 =	sand.u32 $0x1, s1  }
0x8c: {  	s16 =	sshll.u32 s0, $0xA;
	s2 =	sadd.s32 s3, s2  }
0x8d: {  	s2 =	sadd.s32 s2, s16  }
0x8e: {  	[smem:$0x3FBE] =	sst s2  }
0x8f: {  	_ = 	snop  }
0x90: {  	(tm) =	ssettm $0x1  }
0x91: {  	s17 =	sld [smem:$0x3FFB];
	_ =	sdelay $0x3  }
0x92: {  	_ =	strace s17  }
0x93: {  	s2 =	sld [smem:$0x3FFC];
	_ =	sdelay $0x3  }
0x94: {  	_ =	strace s2  }
0x95: {  	s2 =	sld [smem:$0x3FFD];
	_ =	sdelay $0x3  }
0x96: {  	_ =	strace s2  }
0x97: {  	_ =	strace $0x8FFFFFFF  }
0x98: {  	s18 =	sld [smem:$0x3FDB];
	_ =	sdelay $0x1  }
0x99: {  	s19 =	simm.s32 $_scs_section_size  }
0x9a: {  	s4 =	simm.s32 $_size__tile_overlayer_lowered;
	s5 =	simm.s32 $_tile_overlayer_lowered  }
0x9b: {  	s22 =	simm.s32 $0x1BFF;
	s21 =	sshll.u32 s5, $0x1;
	s2 =	sadd.s32 s19, s18  }
0x9c: {  	s6 =	simm.s32 $0x0;
	s20 =	sshll.u32 s4, $0x1;
	s4 =	sadd.s32 s21, s2  }
0x9d: {  	[timem:s6], [sflag:s22] =	dma.local [hbm:s4], s20  }
0x9e: {  	_ =	swait.ge [sflag:s22], s20  }
0x9f: {  	s3 =	ssub.s32 $0x0, s20;
	[sflag:s22] =	ssyncset.done $0x0  }
0xa0: {  	[sflag:s22] =	ssyncadd.s32 s3;
	_ =	sdelay $0x1  }
0xa1: {  	s23 =	simm.s32 $0x1B8B  }
0xa2: {  	_ =	swait.ge [sflag:s23], $0x1  }
0xa3: {  	[sflag:s23] =	ssyncset.done $0x0  }
0xa4: {  	s25 =	simm.s32 $0x1B8E;
	s24 =	sld [smem:$0x3FFE];
	[sflag:s23] =	ssyncadd.s32 $0xFFFFFFFF  }
0xa5: {  	s26 =	simm.s32 $execute0_lowered;
	[smem:$0x3FD2] =	sst s25  }
0xa6: {  	s4 =	sshll.u32 s26, $0x1;
	_ =	strace $0x80000049;
	[dreg:$0x1] =	wrdreg $0xFFFFFFFF  }
0xa7: {  	s28 =	simm.s32 $_size_execute0_lowered;
	s2 =	sadd.s32 s2, s4;
	[dreg:$0x0] =	wrdreg $0x0  }
0xa8: {  	s4 =	sshll.u32 s28, $0x1;
	[dreg:$0x2] =	wrdreg s2  }
0xa9: {  	[dreg:$0x3] =	wrdreg s4  }
0xaa: {  	[dreg:$0x4] =	wrdreg $0xC0  }
0xab: {  	_ =	task [dreg:s6], $0x5FFFF  }
0xac: {  	[dreg:$0x1] =	wrdreg $0xFFFFFFFF  }
0xad: {  	[dreg:$0x0] =	wrdreg $0x60  }
0xae: {  	[dreg:$0x2] =	wrdreg s24  }
0xaf: {  	[dreg:$0x3] =	wrdreg $0x0  }
0xb0: {  	[dreg:$0x4] =	wrdreg $0x9  }
0xb1: {  	_ =	task.clear_ibuf [dreg:s6], $0x5FFFF;
	_ =	strace $0x90000049  }
0xb2: {  	s29 =	simm.s32 $0x9;
	_ =	strace $0x8000004B  }
0xb3: {  	_ =	swait.ge [sflag:s29], $0x1  }
0xb4: {  	[sflag:s29] =	ssyncadd.s32 $0xFFFFFFFF  }
0xb5: {  	_ =	strace $0x9000004B  }
0xb6: {  	_ =	sfence  }
0xb7: {  	s30 =	sld [smem:$0x0];
	_ =	sdelay $0x2  }
0xb8: {  	s31 =	sshll.u32 s1, $0xD;
	s1 =	sshrl.u32 s1, $0x2  }
0xb9: {  	s3 =	sand.u32 $0x4000, s31;
	s1 =	sadd.s32 s1, s30  }
0xba: {  	s0 =	sor.u32 s3, s0;
	s1 =	sshll.u32 s1, $0x11  }
0xbb: {  	s0 =	sor.u32 s1, s0  }
0xbc: {  	s0 =	sadd.s32 $0x8F2B, s0  }
0xbd: {  	[sflag:s0] =	ssyncadd.remote.s32 $0x1  }
0xbe: {  	_ =	sfence.sel $0xFFFF  }
0xbf: {  	[dreg:$0x0] =	wrdreg $0xFFFFFFFF;
	(pc) =	sbr.abs _section_cstart, $3  }
0xc0: {  	[dreg:$0x1] =	wrdreg $0xFFFFFFFF  }
0xc1: {  	_ =	task.clear_ibuf [dreg:s6], $0x2FFFF;
	_ =	strace $0x9FFFFFFF  }
0xc2: {  	(tm) =	ssettm $0x7FFFFFFF  }
0xc3: {  	_ =	shalt  }
tec
execute0_lowered:
.L_overlay_start_1:
0x0: {  	(tag) =	ssettag $0x1  }
0x1: {  	s0 =	rddreg [dreg:$0x0]  }
0x2: {  	s1 =	rddreg [dreg:$0x1];
	s2 =	simm.s32 $0x0  }
0x3: {  	s4 =	srdreg.scid;
	s10 =	stileid.u32;
	s28 =	simm.s32 $0x3800  }
0x4: {  	s29 =	simm.s32 $0x80;
	s30 =	simm.s32 $0x2F80;
	s31 =	simm.s32 $0x1  }
0x5: {  	[smem:$0x7FF] =	sst s2;
	s3 =	sadd.s32 $0xC00, s0;
	s5 =	sadd.s32 $0x9D600, s0  }
0x6: {  	s6 =	sadd.s32 $0xB1000, s0;
	s7 =	sand.u32 $0x1, s4;
	s8 =	sadd.s32 $0xA7200, s0  }
0x7: {  	s9 =	sadd.s32 $0x9D400, s0;
	s15 =	smul.u32 $0x2780, s10;
	s0 =	sadd.s32 $0x5C00, s0  }
0x8: {  	s10 =	sshll.u32 s10, $0x1;
	_ =	strace $0x8000004A;
	s4 =	ssub.s32 $0x2, s7  }
0x9: {  	[dreg:$0x3] =	wrdreg s9;
	s16 =	smul.u32 $0x27800, s7;
	s22 =	sshrl.u32 s4, $0x1  }
0xa: {  	s11 =	sadd.s32 s15, s1;
	s23 =	sadd.s32 $0x800, s15;
	s18 =	sadd.s32 $0x1000, s15  }
0xb: {  	s19 =	sadd.s32 $0x1800, s15;
	s20 =	sadd.s32 $0x2000, s15;
	s4 =	ssub.s32 s4, s22  }
0xc: {  	s12 =	sadd.s32 s23, s1;
	s13 =	sadd.s32 s18, s1;
	s14 =	sadd.s32 s19, s1  }
0xd: {  	s17 =	sadd.s32 s15, s16;
	s9 =	sadd.s32 s16, s23;
	s15 =	sadd.s32 s20, s1  }
0xe: {  	s24 =	sadd.s32 s16, s18;
	s25 =	sadd.s32 s16, s19;
	s16 =	sadd.s32 s16, s20  }
0xf: {  	s22 =	simm.s32 $0x2780;
	s23 =	simm.s32 $0x3;
	s17 =	sshrl.u32 s17, $0x3  }
.Ltmp0:
0x10: {  	s9 =	sshrl.u32 s9, $0x3;
	s19 =	sshrl.u32 s25, $0x3;
	(pc) =	sbr.rel .LBB2_1-.Ltmp0, $4  }
0x11: {  	s26 =	sshrl.u32 s16, $0x3;
	s21 =	smax.u32 s4, $0x1;
	s25 =	simm.s32 $0x3780  }
0x12: {  	s17 =	sadd.s32 s0, s17;
	s19 =	sadd.s32 s0, s19;
	s20 =	sadd.s32 s0, s26  }
0x13: {  	v0 =	vimm.f32 $0.0e+00;
	v1 =	vimm.s32 $0x0;
	vm0 =	vcmask $0x300;
	[dreg:$0x4] =	wrdreg s17;
	s17 =	sadd.s32 s0, s9;
	s9 =	sshrl.u32 s24, $0x3  }
0x14: {  	v2 =	vimm.s32 $0x8;
	v3 =	vsel vm0, $0x3F800000, v0;
	vm0 =	vcmask $0x30C;
	s26 =	simm.s32 $0x4;
	s18 =	sadd.s32 s0, s9;
	s0 =	simm.s32 $0x2  }
.LBB2_9:
0x15: {  	s4 =	stileid.u32  }
0x16: {  	[bflag:$0x0] =	sbarrier.arrive $0xFFFF;
	s4 =	sshll.u32 s4, $0x6  }
0x17: {  	s9 =	sshrl.u32 s11, $0x3;
	s16 =	rddreg [dreg:$0x4];
	s4 =	sor.u32 $0x1C03, s4  }
0x18: {  	[hbm:s16], [sflag:s4] =	dma.local [spmem:s9], $0x100  }
0x19: {  	_ =	swait.ge [sflag:s23], $0x100  }
0x1a: {  	[sflag:s23] =	ssyncset.done $0x0  }
0x1b: {  	s16 =	sshrl.u32 s12, $0x3;
	[sflag:s23] =	ssyncadd.s32 $0xFFFFFF00  }
0x1c: {  	[hbm:s17], [sflag:s4] =	dma.local [spmem:s16], $0x100  }
0x1d: {  	_ =	swait.ge [sflag:s23], $0x100  }
0x1e: {  	[sflag:s23] =	ssyncset.done $0x0  }
0x1f: {  	s24 =	sshrl.u32 s13, $0x3;
	[sflag:s23] =	ssyncadd.s32 $0xFFFFFF00  }
0x20: {  	[hbm:s18], [sflag:s4] =	dma.local [spmem:s24], $0x100  }
0x21: {  	_ =	swait.ge [sflag:s23], $0x100  }
0x22: {  	[sflag:s23] =	ssyncset.done $0x0  }
0x23: {  	s16 =	sshrl.u32 s14, $0x3;
	[sflag:s23] =	ssyncadd.s32 $0xFFFFFF00  }
0x24: {  	[hbm:s19], [sflag:s4] =	dma.local [spmem:s16], $0x100  }
0x25: {  	s2 =	sadd.s32 $0x1, s2;
	_ =	swait.ge [sflag:s23], $0x100  }
0x26: {  	p0 =	sne.s32 s2, s21;
	[sflag:s23] =	ssyncset.done $0x0  }
.Ltmp1:
0x27: {  	s24 =	sshrl.u32 s15, $0x3;
	[sflag:s23] =	ssyncadd.s32 $0xFFFFFF00;
	(pc) =	sbr.rel @!p0 .LBB2_10-.Ltmp1, $4  }
0x28: {  	[hbm:s20], [sflag:s4] =	dma.local [spmem:s24], $0xF0  }
0x29: {  	_ =	swait.ge [sflag:s23], $0xF0  }
0x2a: {  	[sflag:s23] =	ssyncset.done $0x0  }
0x2b: {  	[sflag:s23] =	ssyncadd.s32 $0xFFFFFF10  }
.LBB2_1:
0x2c: {  	s4 =	simm.s32 $0x40;
	s9 =	simm.s32 $0x0  }
.LBB2_2:
0x2d: {  	p0 =	sne.s32 s4, $0x1FC0;
	[tilespmem:s9+$0x2780] =	vst v0;
	s9 =	smov.u32 s4;
	s4 =	sadd.s32 $0x40, s4  }
.Ltmp2:
0x2e: {  	(pc) =	sbr.rel @p0 .LBB2_2-.Ltmp2, $2  }
0x2f: {  	_ =	sdelay $0x2  }
0x30: {  	s9 =	sshra.s32 s9, $0x2  }
0x31: {  	[tilespmem:s9+$0x2780] =	vst v0  }
0x32: {  	[spmem:s11] =	stream.linear.scatter [tilespmem:s22], [sflag:$0x3], $0x800, $0x38;
	[tilespmem:$0x3890] =	vst v63  }
0x33: {  	_ =	swait.ge [sflag:s23], $0x800  }
0x34: {  	[sflag:s23] =	ssyncset.done $0x0  }
0x35: {  	[sflag:s23] =	ssyncadd.s32 $0xFFFFF800  }
0x36: {  	[spmem:s12] =	stream.linear.scatter [tilespmem:s22], [sflag:$0x3], $0x800, $0x38;
	[tilespmem:$0x3890] =	vst v63  }
0x37: {  	_ =	swait.ge [sflag:s23], $0x800  }
0x38: {  	[sflag:s23] =	ssyncset.done $0x0  }
0x39: {  	[sflag:s23] =	ssyncadd.s32 $0xFFFFF800  }
0x3a: {  	[spmem:s13] =	stream.linear.scatter [tilespmem:s22], [sflag:$0x3], $0x800, $0x38;
	[tilespmem:$0x3890] =	vst v63  }
0x3b: {  	_ =	swait.ge [sflag:s23], $0x800  }
0x3c: {  	[sflag:s23] =	ssyncset.done $0x0  }
0x3d: {  	[sflag:s23] =	ssyncadd.s32 $0xFFFFF800  }
0x3e: {  	[spmem:s14] =	stream.linear.scatter [tilespmem:s22], [sflag:$0x3], $0x800, $0x38;
	[tilespmem:$0x3890] =	vst v63  }
0x3f: {  	_ =	swait.ge [sflag:s23], $0x800  }
0x40: {  	[sflag:s23] =	ssyncset.done $0x0  }
0x41: {  	[sflag:s23] =	ssyncadd.s32 $0xFFFFF800  }
0x42: {  	[spmem:s15] =	stream.linear.scatter [tilespmem:s22], [sflag:$0x3], $0x780, $0x38;
	[tilespmem:$0x3890] =	vst v63  }
0x43: {  	_ =	swait.ge [sflag:s23], $0x780  }
0x44: {  	[sflag:s23] =	ssyncset.done $0x0  }
0x45: {  	[sflag:s23] =	ssyncadd.s32 $0xFFFFF880  }
0x46: {  	[bflag:$0x0] =	sbarrier.arrive $0xFFFF  }
0x47: {  	s4 =	simm.s32 $0x0;
	s16 =	simm.s32 $0x3880;
	s24 =	rddreg [dreg:$0x3]  }
0x48: {  	[tilespmem:s16], [sflag:$0x3] =	stream.linear.gather [hbm4b:s24+s4], $0x10, $0x38;
	[tilespmem:$0x3890] =	vst v63  }
0x49: {  	_ =	swait.ge [sflag:s23], $0x10  }
0x4a: {  	[sflag:s23] =	ssyncset.done $0x0  }
0x4b: {  	[sflag:s23] =	ssyncadd.s32 $0xFFFFFFF0  }
0x4c: {  	v4 =	vld [tilespmem:$0x3880];
	_ =	sdelay $0x4  }
0x4d: {  	v5 =	vperm.xlane v4, v1;
	v4 =	vperm.xlane v4, v2;
	_ =	sdelay $0x1  }
.Ltmp3:
0x4e: {  	v4 =	vadd.f32 v4, v5;
	(pc) =	sbr.rel .LBB2_4-.Ltmp3, $3  }
0x4f: {  	_ = 	snop  }
0x50: {  	v5 =	vmul.f32 $2.000000030e-01, v4;
	_ =	sdelay $0x1  }
0x51: {  	v4 =	vmax.f32 v4, v5  }
.LBB2_8:
0x52: {  	s4 =	sadd.s32 $0x1, s4  }
0x53: {  	p0 =	sne.s32 s4, $0x4F  }
.Ltmp4:
0x54: {  	_ = 	snop;
	(pc) =	sbr.rel @!p0 .LBB2_9-.Ltmp4, $1  }
0x55: {  	_ =	sdelay $0x3  }
.LBB2_4:
0x56: {  	s9 =	sshll.u32 s4, $0x5  }
0x57: {  	s9 =	sor.u32 s10, s9  }
0x58: {  	p0 =	sgt.u32 s9, $0x9C3  }
.Ltmp5:
0x59: {  	_ = 	snop;
	(pc) =	sbr.rel @p0 .LBB2_8-.Ltmp5, $1  }
0x5a: {  	_ =	sdelay $0x3  }
0x5b: {  	s9 =	sor.u32 s7, s9  }
0x5c: {  	s9 =	sshll.u32 s9, $0x4  }
0x5d: {  	s24 =	simm.s32 $0x0;
	s16 =	sadd.s32 s6, s9  }
0x5e: {  	[tilespmem:s25], [sflag:$0x4] =	stream.linear.gather [hbm4b:s16+s24], $0x80, $0x38;
	[tilespmem:$0x3890] =	vst v63  }
0x5f: {  	_ =	swait.ge [sflag:s26], $0x80  }
0x60: {  	[sflag:s26] =	ssyncset.done $0x0  }
0x61: {  	s9 =	sadd.s32 s8, s9;
	[sflag:s26] =	ssyncadd.s32 $0xFFFFFF80  }
0x62: {  	[tilespmem:s28], [sflag:$0x4] =	stream.linear.gather [hbm4b:s9+s24], $0x80, $0x38;
	[tilespmem:$0x3890] =	vst v63  }
0x63: {  	_ =	swait.ge [sflag:s26], $0x80  }
0x64: {  	[sflag:s26] =	ssyncset.done $0x0  }
0x65: {  	[sflag:s26] =	ssyncadd.s32 $0xFFFFFF80  }
0x66: {  	[tilespmem:s22], [sflag:$0x1] =	stream.indirect.gather [hbm4b:s3+s29], $0x10, s25, s29, $0xb8;
	[tilespmem:$0x3890] =	vst v63  }
0x67: {  	_ = 	snop  }
0x68: {  	[tilespmem:s30], [sflag:$0x2] =	stream.indirect.gather [hbm4b:s5+s29], $0x10, s28, s29, $0xb8;
	[tilespmem:$0x3890] =	vst v63  }
0x69: {  	_ =	swait.ge [sflag:s31], $0x800  }
0x6a: {  	[sflag:s31] =	ssyncset.done $0x0  }
0x6b: {  	[sflag:s31] =	ssyncadd.s32 $0xFFFFF800  }
0x6c: {  	_ =	swait.ge [sflag:s0], $0x800  }
0x6d: {  	[sflag:s0] =	ssyncset.done $0x0  }
0x6e: {  	s24 =	simm.s32 $0x0;
	[sflag:s0] =	ssyncadd.s32 $0xFFFFF800  }
0x6f: {  	v5 =	vld [tilespmem:s24+$0x2FD0]  }
0x70: {  	v11 =	vld [tilespmem:s24+$0x27D0];
	_ =	sdelay $0x1  }
0x71: {  	v8 =	vld [tilespmem:s24+$0x2F90]  }
0x72: {  	v6 =	vld [tilespmem:s24+$0x2790]  }
0x73: {  	v9 =	vld [tilespmem:s24+$0x2FA0]  }
0x74: {  	v12 =	vld [tilespmem:s24+$0x2F80];
	v10 =	vadd.f32 v5, v11  }
0x75: {  	v7 =	vld [tilespmem:s24+$0x2780]  }
0x76: {  	v5 =	vld [tilespmem:s24+$0x27A0];
	v13 =	vperm.xlane v10, v1  }
0x77: {  	v8 =	vadd.f32 v8, v6  }
0x78: {  	v14 =	vld [tilespmem:s24+$0x2FC0];
	v15 =	vmul.f32 $2.000000030e-01, v13  }
0x79: {  	v16 =	vperm.xlane v8, v1;
	v10 =	vld [tilespmem:s24+$0x27C0]  }
0x7a: {  	v17 =	vld [tilespmem:s24+$0x2FF0];
	v12 =	vadd.f32 v12, v7;
	v13 =	vmax.f32 v13, v15  }
0x7b: {  	v8 =	vld [tilespmem:s24+$0x27F0];
	v18 =	vadd.f32 v9, v5;
	v15 =	vmul.f32 $2.000000030e-01, v16;
	v13 =	vsub.f32 v13, v4  }
0x7c: {  	v19 =	vperm.xlane v12, v1;
	v9 =	vld [tilespmem:s24+$0x27B0]  }
0x7d: {  	v15 =	vmax.f32 v16, v15;
	v16 =	vperm.xlane v18, v1;
	v18 =	vld [tilespmem:s24+$0x2FB0];
	v13 =	vmul.f32 $1.442695020e+00, v13  }
0x7e: {  	v20 =	vmul.f32 $2.000000030e-01, v19;
	v14 =	vadd.f32 v14, v10  }
0x7f: {  	v12 =	vsel vm0, v3, v11;
	v11 =	vsub.f32 v15, v4;
	(erf) = vpow2.f32 v13  }
0x80: {  	v14 =	vperm.xlane v14, v1;
	v15 =	vmul.f32 $2.000000030e-01, v16;
	v13 =	vmax.f32 v19, v20;
	v19 =	vld [tilespmem:s24+$0x2FE0]  }
0x81: {  	v17 =	vadd.f32 v17, v8;
	v62 =	vmul.f32 $1.442695020e+00, v11;
	v11 =	vld [tilespmem:s24+$0x27E0];
	v13 =	vsub.f32 v13, v4  }
0x82: {  	v15 =	vmax.f32 v16, v15;
	v16 =	vadd.f32 v18, v9;
	v18 =	vmul.f32 $2.000000030e-01, v14  }
0x83: {  	v17 =	vperm.xlane v17, v1;
	v15 =	vsub.f32 v15, v4;
	(erf) = vpow2.f32 v62  }
0x84: {  	v63 =	vmul.f32 $1.442695020e+00, v13;
	v13 =	vperm.xlane v16, v1;
	v14 =	vmax.f32 v14, v18  }
0x85: {  	v21 =	vmul.f32 $2.000000030e-01, v17;
	v18 =	vmul.f32 $1.442695020e+00, v15;
	v14 =	vsub.f32 v14, v4  }
0x86: {  	v16 =	vadd.f32 v19, v11;
	(erf) = vpow2.f32 v63;
	v15 =	vmul.f32 $2.000000030e-01, v13  }
0x87: {  	s9 =	simm.s32 $0x200;
	v17 =	vmax.f32 v17, v21;
	(erf) = vpow2.f32 v18;
	v14 =	vmul.f32 $1.442695020e+00, v14  }
.LBB2_6:
0x88: {  	p0 =	sne.s32 s9, $0x1E00;
	v13 =	vmax.f32 v13, v15;
	v15 =	vperm.xlane v16, v1;
	v16 =	vsub.f32 v17, v4;
	v17 =	vpop (erf);
	s16 =	smov.u32 s9;
	s9 =	sadd.s32 $0x200, s9  }
0x89: {  	s16 =	sshra.s32 s16, $0x2;
	v13 =	vsub.f32 v13, v4;
	v12 =	vmul.f32 v17, v12;
	(erf) = vpow2.f32 v14  }
0x8a: {  	v14 =	vld [tilespmem:s16+$0x2FF0];
	v17 =	vmul.f32 $2.000000030e-01, v15;
	v16 =	vmul.f32 $1.442695020e+00, v16  }
0x8b: {  	v6 =	vsel vm0, v3, v6;
	v18 =	vld [tilespmem:s16+$0x2FD0];
	v13 =	vmul.f32 $1.442695020e+00, v13;
	[tilespmem:s24+$0x27D0] =	vst v12  }
0x8c: {  	v19 =	vld [tilespmem:s16+$0x2F90];
	v12 =	vmax.f32 v15, v17;
	v15 =	vpop (erf);
	(erf) = vpow2.f32 v16  }
0x8d: {  	v16 =	vld [tilespmem:s16+$0x27D0];
	v6 =	vmul.f32 v15, v6;
	v12 =	vsub.f32 v12, v4;
	(erf) = vpow2.f32 v13  }
0x8e: {  	v7 =	vsel vm0, v3, v7;
	v13 =	vld [tilespmem:s16+$0x2FA0]  }
0x8f: {  	[tilespmem:s24+$0x2790] =	vst v6;
	v12 =	vmul.f32 $1.442695020e+00, v12;
	v15 =	vpop (erf)  }
0x90: {  	v5 =	vsel vm0, v3, v5;
	v6 =	vld [tilespmem:s16+$0x2790];
	v7 =	vmul.f32 v15, v7;
	v15 =	vpop (erf)  }
0x91: {  	v5 =	vmul.f32 v15, v5;
	(erf) = vpow2.f32 v12  }
0x92: {  	v10 =	vsel vm0, v3, v10;
	v15 =	vld [tilespmem:s16+$0x2F80];
	v17 =	vadd.f32 v18, v16;
	v12 =	vsel vm0, v3, v16;
	[tilespmem:s24+$0x2780] =	vst v7;
	v16 =	vpop (erf)  }
0x93: {  	v7 =	vld [tilespmem:s16+$0x2780];
	[tilespmem:s24+$0x27A0] =	vst v5;
	v21 =	vmul.f32 v16, v10  }
0x94: {  	v5 =	vld [tilespmem:s16+$0x27A0];
	v16 =	vperm.xlane v17, v1  }
0x95: {  	v8 =	vsel vm0, v3, v8;
	v17 =	vadd.f32 v19, v6;
	v18 =	vld [tilespmem:s16+$0x2FC0];
	[tilespmem:s24+$0x27C0] =	vst v21;
	v10 =	vpop (erf)  }
0x96: {  	v9 =	vsel vm0, v3, v9;
	v19 =	vmul.f32 $2.000000030e-01, v16;
	v8 =	vmul.f32 v10, v8;
	v20 =	vpop (erf)  }
0x97: {  	v17 =	vperm.xlane v17, v1;
	v10 =	vld [tilespmem:s16+$0x27C0];
	v9 =	vmul.f32 v20, v9  }
0x98: {  	v15 =	vadd.f32 v15, v7;
	v16 =	vmax.f32 v16, v19;
	[tilespmem:s24+$0x27F0] =	vst v8  }
0x99: {  	v19 =	vmul.f32 $2.000000030e-01, v17;
	v13 =	vadd.f32 v13, v5;
	v16 =	vsub.f32 v16, v4;
	v8 =	vld [tilespmem:s16+$0x27F0];
	[tilespmem:s24+$0x27B0] =	vst v9  }
0x9a: {  	v11 =	vsel vm0, v3, v11;
	v15 =	vperm.xlane v15, v1;
	v9 =	vld [tilespmem:s16+$0x27B0];
	v20 =	vpop (erf)  }
0x9b: {  	v17 =	vmax.f32 v17, v19;
	v13 =	vperm.xlane v13, v1;
	v19 =	vld [tilespmem:s16+$0x2FB0];
	v16 =	vmul.f32 $1.442695020e+00, v16  }
0x9c: {  	v11 =	vmul.f32 v20, v11;
	v21 =	vmul.f32 $2.000000030e-01, v15;
	v18 =	vadd.f32 v18, v10  }
0x9d: {  	v17 =	vsub.f32 v17, v4;
	v20 =	vmul.f32 $2.000000030e-01, v13;
	(erf) = vpow2.f32 v16  }
0x9e: {  	v15 =	vmax.f32 v15, v21;
	v16 =	vperm.xlane v18, v1;
	v18 =	vld [tilespmem:s16+$0x2FE0];
	v14 =	vadd.f32 v14, v8;
	[tilespmem:s24+$0x27E0] =	vst v11;
	s24 =	smov.u32 s16  }
0x9f: {  	v17 =	vmul.f32 $1.442695020e+00, v17;
	v15 =	vsub.f32 v15, v4;
	v13 =	vmax.f32 v13, v20;
	v11 =	vld [tilespmem:s24+$0x27E0]  }
0xa0: {  	v19 =	vadd.f32 v19, v9;
	v20 =	vmul.f32 $2.000000030e-01, v16;
	v21 =	vperm.xlane v14, v1  }
.Ltmp6:
0xa1: {  	v14 =	vsub.f32 v13, v4;
	(erf) = vpow2.f32 v17;
	(pc) =	sbr.rel @p0 .LBB2_6-.Ltmp6, $4  }
0xa2: {  	v17 =	vmul.f32 $1.442695020e+00, v15;
	v13 =	vperm.xlane v19, v1;
	v15 =	vmax.f32 v16, v20  }
0xa3: {  	v19 =	vmul.f32 $1.442695020e+00, v14;
	v20 =	vmul.f32 $2.000000030e-01, v21;
	v14 =	vsub.f32 v15, v4  }
0xa4: {  	v15 =	vmul.f32 $2.000000030e-01, v13;
	v16 =	vadd.f32 v18, v11;
	(erf) = vpow2.f32 v17  }
0xa5: {  	v17 =	vmax.f32 v21, v20;
	v14 =	vmul.f32 $1.442695020e+00, v14;
	(erf) = vpow2.f32 v19  }
0xa6: {  	v16 =	vperm.xlane v16, v1;
	_ =	sdelay $0x1  }
0xa7: {  	v18 =	vmul.f32 $2.000000030e-01, v16  }
0xa8: {  	v13 =	vmax.f32 v13, v15;
	v54 =	vsub.f32 v17, v4  }
0xa9: {  	v13 =	vsub.f32 v13, v4;
	v16 =	vmax.f32 v16, v18  }
0xaa: {  	v15 =	vmul.f32 $1.442695020e+00, v54;
	v16 =	vsub.f32 v16, v4  }
0xab: {  	(erf) = vpow2.f32 v14;
	v13 =	vmul.f32 $1.442695020e+00, v13  }
0xac: {  	(erf) = vpow2.f32 v15;
	v55 =	vmul.f32 $1.442695020e+00, v16  }
0xad: {  	(erf) = vpow2.f32 v13  }
0xae: {  	(erf) = vpow2.f32 v55;
	_ =	sdelay $0x1  }
0xaf: {  	v56 =	vpop (erf)  }
0xb0: {  	v6 =	vsel vm0, v3, v6;
	v12 =	vmul.f32 v56, v12;
	v57 =	vpop (erf)  }
0xb1: {  	v7 =	vsel vm0, v3, v7;
	v6 =	vmul.f32 v57, v6;
	v58 =	vpop (erf)  }
0xb2: {  	v5 =	vsel vm0, v3, v5;
	[tilespmem:s24+$0x27D0] =	vst v12;
	v7 =	vmul.f32 v58, v7;
	v59 =	vpop (erf)  }
0xb3: {  	[tilespmem:s24+$0x2790] =	vst v6;
	v6 =	vsel vm0, v3, v10;
	v5 =	vmul.f32 v59, v5;
	v60 =	vpop (erf)  }
0xb4: {  	[tilespmem:s24+$0x2780] =	vst v7;
	v7 =	vsel vm0, v3, v8;
	v6 =	vmul.f32 v60, v6;
	v61 =	vpop (erf)  }
0xb5: {  	[tilespmem:s24+$0x27A0] =	vst v5;
	v5 =	vsel vm0, v3, v9;
	v7 =	vmul.f32 v61, v7;
	v62 =	vpop (erf)  }
0xb6: {  	[tilespmem:s24+$0x27C0] =	vst v6;
	v6 =	vsel vm0, v3, v11;
	v5 =	vmul.f32 v62, v5;
	v63 =	vpop (erf)  }
0xb7: {  	[tilespmem:s24+$0x27F0] =	vst v7;
	v6 =	vmul.f32 v63, v6  }
0xb8: {  	[tilespmem:s24+$0x27B0] =	vst v5  }
.Ltmp7:
0xb9: {  	[tilespmem:s24+$0x27E0] =	vst v6;
	(pc) =	sbr.rel .LBB2_8-.Ltmp7, $4  }
0xba: {  	[spmem:s1] =	stream.indirect.scatter.add.f32 [tilespmem:s22], [sflag:$0x3], $0x10, s28, s29, $0xb8;
	[tilespmem:$0x3890] =	vst v63  }
0xbb: {  	_ =	swait.ge [sflag:s23], $0x800  }
0xbc: {  	[sflag:s23] =	ssyncset.done $0x0  }
0xbd: {  	[sflag:s23] =	ssyncadd.s32 $0xFFFFF800  }
.LBB2_10:
0xbe: {  	_ =	sfence.sel $0x180000  }
0xbf: {  	[bflag:$0x0] =	sbarrier.arrive $0xFFFF  }
0xc0: {  	_ =	strace $0x9000004A  }
0xc1: {  	s0 =	stileid.u32;
	[bflag:$0x2] =	sbarrier.arrive $0xFFFF  }
0xc2: {  	p0 =	sne.s32 s0, $0x0;
	s0 =	rddreg [dreg:$0x2]  }
0xc3: {  	s0 =	sadd.s32 @!p0 $0x100000, s0  }
0xc4: {  	[sflag:s0] =	ssyncadd.tile.s32 @!p0 $0x1;
	_ =	shalt  }
.Lfunc_end2:
_tile_overlayer_lowered:
.L_overlay_start_2:
0xc5: {  	(tag) =	ssettag $0x2  }
0xc6: {  	s0 =	rddreg [dreg:$0x0];
	s2 =	stileid.u32  }
0xc7: {  	s1 =	rddreg [dreg:$0x1];
	p0 =	sne.s32 s2, $0x0  }
0xc8: {  	s3 =	rddreg [dreg:$0x2];
	[bflag:$0x3] =	sbarrier.arrive $0xFFFF;
	s2 =	simm.s32 @!p0 $0x1C03  }
0xc9: {  	[timem:s3], [sflag:s2] =	dma.local @!p0 [hbm:s0], s1  }
0xca: {  	s0 =	simm.s32 @!p0 $0x3  }
0xcb: {  	_ =	swait.ge @!p0 [sflag:s0], s1  }
0xcc: {  	s1 =	ssub.s32 @!p0 $0x0, s1;
	[sflag:s0] =	ssyncset.done @!p0 $0x0  }
0xcd: {  	[sflag:s0] =	ssyncadd.s32 @!p0 s1  }
0xce: {  	[bflag:$0x3] =	sbarrier.arrive $0xFFFF  }
0xcf: {  	_ =	shalt  }

// kernel: kernel.7.cloned.1.call-start
scs
__scs_entry_jumppad:
0x0: {  	(pc) =	sbr.rel $0x88, $3  }
0x1: {  	(tag) =	ssettag $0x0;
	lr =	simm.s32 $0x1  }
0x2: {  	[smem:$0x3F97] =	sst lr;
	_ =	strace $0xD0000000  }
0x3: {  	_ = 	snop  }
0x4: {  	_ = 	snop  }
0x5: {  	_ = 	snop  }
0x6: {  	_ = 	snop  }
0x7: {  	_ = 	snop  }
__scs_overlays_trampoline_lowered:
0x8: {  	[smem:$0x3FA6] =	sst s0  }
0x9: {  	[smem:$0x3FA7] =	sst s1  }
0xa: {  	[smem:$0x3FA8] =	sst s2  }
0xb: {  	[smem:$0x3FA9] =	sst s3  }
0xc: {  	[smem:$0x3FAA] =	sst s4  }
0xd: {  	[smem:$0x3FAB] =	sst s5  }
0xe: {  	[smem:$0x3FAC] =	sst s6  }
0xf: {  	[smem:$0x3FAD] =	sst s7  }
0x10: {  	[smem:$0x3FAE] =	sst s8  }
0x11: {  	[smem:$0x3FAF] =	sst s9;
	s0 =	simm.s32 @!p0 $0x0  }
0x12: {  	s1 =	sld [smem:$0x3F95];
	s0 =	simm.s32 @p0 $0x1  }
0x13: {  	[smem:$0x3FB0] =	sst s0;
	s0 =	simm.s32 @!p1 $0x0  }
0x14: {  	s2 =	sld [smem:$0x3F94];
	s0 =	simm.s32 @p1 $0x1  }
0x15: {  	[smem:$0x3FB1] =	sst s0;
	s0 =	simm.s32 @!p2 $0x0  }
0x16: {  	s3 =	sld [smem:$0x3FDB];
	s0 =	simm.s32 @p2 $0x1  }
0x17: {  	s4 =	simm.s32 $0x1BF5;
	[smem:$0x3FB3] =	sst s0  }
0x18: {  	s0 =	sld [smem:$0x3F96];
	_ =	swait.ge [sflag:s4], $0x0  }
0x19: {  	s7 =	sld [smem:$0x3F97]  }
0x1a: {  	s8 =	sadd.s32 $0xFFFFE003, lr  }
0x1b: {  	s9 =	sadd.s32 $0xFFFFFEF7, lr;
	s5 =	simm.s32 $0xFFFFFFFF;
	p2 =	slt.u32 s8, $0xFFFFF086  }
0x1c: {  	p1 =	slt.u32 s9, $0xF7A;
	s5 =	simm.s32 @!p2 $0x0  }
0x1d: {  	s5 =	simm.s32 @p1 $0x1;
	p0 =	seq.s32 s7, s2  }
0x1e: {  	s7 =	smul.u32 @!p0 $0xF7A, s2;
	p2 =	seq.s32 @!p0 s5, $0x0  }
0x1f: {  	s9 =	smul.u32 $0xF7A, s1;
	s8 =	simm.s32 @!p0 $0x1BF5;
	p2 =	por !p2, p0  }
0x20: {  	[sflag:s8] =	ssyncset.s32 @!p0 $0xFFFFF086;
	s6 =	sadd.s32 @!p0 s3, s7;
	s7 =	simm.s32 @!p0 $0x108  }
0x21: {  	s3 =	sadd.s32 s3, s9;
	s6 =	sadd.s32 @!p0 $0x88, s6;
	s7 =	simm.s32 @p2 $0x1082  }
0x22: {  	[simem:s7], [sflag:s8] =	dma.local @!p0 [hbm:s6], $0xF7A  }
0x23: {  	s9 =	sor.u32 $0xD0000000, s2;
	s6 =	simm.s32 $0x108;
	_ =	swait.ge @!p0 [sflag:s8], $0x0  }
0x24: {  	s3 =	sadd.s32 $0x88, s3;
	s6 =	simm.s32 @!p1 $0x1082;
	[sflag:s4] =	ssyncset.s32 $0xFFFFF086  }
0x25: {  	[simem:s6], [sflag:s4] =	dma.local [hbm:s3], $0xF7A  }
0x26: {  	[smem:$0x3F97] =	sst s1;
	(tag) =	ssettag s2;
	_ =	strace s9  }
0x27: {  	s1 =	sld [smem:$0x3FA7]  }
0x28: {  	s2 =	sld [smem:$0x3FA8]  }
0x29: {  	s4 =	sld [smem:$0x3FAA]  }
0x2a: {  	p0 =	seq.s32 s5, $0x0;
	s5 =	sld [smem:$0x3FAB]  }
0x2b: {  	s6 =	sld [smem:$0x3FAC]  }
0x2c: {  	s7 =	sld [smem:$0x3FAD]  }
0x2d: {  	s3 =	simm.s32 $0x108;
	s8 =	sld [smem:$0x3FAE]  }
0x2e: {  	s3 =	simm.s32 @!p0 $0x1082;
	s9 =	sld [smem:$0x3FAF]  }
0x2f: {  	lr =	sadd.s32 s0, s3;
	s0 =	sld [smem:$0x3FA6]  }
0x30: {  	s3 =	sld [smem:$0x3FA9]  }
0x31: {  	[smem:$0x3FB2] =	sst s10  }
0x32: {  	s10 =	sld [smem:$0x3FB0];
	_ =	sdelay $0x3  }
0x33: {  	p0 =	seq.s32 s10, $0x1;
	s10 =	sld [smem:$0x3FB2];
	_ =	sdelay $0x3  }
0x34: {  	[smem:$0x3FB2] =	sst s10  }
0x35: {  	s10 =	sld [smem:$0x3FB1];
	_ =	sdelay $0x3  }
0x36: {  	p1 =	seq.s32 s10, $0x1;
	s10 =	sld [smem:$0x3FB2];
	_ =	sdelay $0x3  }
0x37: {  	[smem:$0x3FB2] =	sst s10  }
0x38: {  	s10 =	sld [smem:$0x3FB3]  }
0x39: {  	_ = 	snop;
	(pc) =	sbr.ind lr, $3  }
0x3a: {  	_ = 	snop  }
0x3b: {  	_ = 	snop  }
0x3c: {  	p2 =	seq.s32 s10, $0x1;
	s10 =	sld [smem:$0x3FB2]  }
0x3d: {  	_ =	shalt  }
0x3e: {  	_ =	shalt  }
0x3f: {  	_ =	shalt  }
0x40: {  	_ =	shalt  }
0x41: {  	_ =	shalt  }
0x42: {  	_ =	shalt  }
0x43: {  	_ =	shalt  }
0x44: {  	_ =	shalt  }
0x45: {  	_ =	shalt  }
0x46: {  	_ =	shalt  }
0x47: {  	_ =	shalt  }
0x48: {  	_ =	shalt  }
0x49: {  	_ =	shalt  }
0x4a: {  	_ =	shalt  }
0x4b: {  	_ =	shalt  }
0x4c: {  	_ =	shalt  }
0x4d: {  	_ =	shalt  }
0x4e: {  	_ =	shalt  }
0x4f: {  	_ =	shalt  }
0x50: {  	_ =	shalt  }
0x51: {  	_ =	shalt  }
0x52: {  	_ =	shalt  }
0x53: {  	_ =	shalt  }
0x54: {  	_ =	shalt  }
0x55: {  	_ =	shalt  }
0x56: {  	_ =	shalt  }
0x57: {  	_ =	shalt  }
0x58: {  	_ =	shalt  }
0x59: {  	_ =	shalt  }
0x5a: {  	_ =	shalt  }
0x5b: {  	_ =	shalt  }
0x5c: {  	_ =	shalt  }
0x5d: {  	_ =	shalt  }
0x5e: {  	_ =	shalt  }
0x5f: {  	_ =	shalt  }
0x60: {  	_ =	shalt  }
0x61: {  	_ =	shalt  }
0x62: {  	_ =	shalt  }
0x63: {  	_ =	shalt  }
0x64: {  	_ =	shalt  }
0x65: {  	_ =	shalt  }
0x66: {  	_ =	shalt  }
0x67: {  	_ =	shalt  }
0x68: {  	_ =	shalt  }
0x69: {  	_ =	shalt  }
0x6a: {  	_ =	shalt  }
0x6b: {  	_ =	shalt  }
0x6c: {  	_ =	shalt  }
0x6d: {  	_ =	shalt  }
0x6e: {  	_ =	shalt  }
0x6f: {  	_ =	shalt  }
0x70: {  	_ =	shalt  }
0x71: {  	_ =	shalt  }
0x72: {  	_ =	shalt  }
0x73: {  	_ =	shalt  }
0x74: {  	_ =	shalt  }
0x75: {  	_ =	shalt  }
0x76: {  	_ =	shalt  }
0x77: {  	_ =	shalt  }
0x78: {  	_ =	shalt  }
0x79: {  	_ =	shalt  }
0x7a: {  	_ =	shalt  }
0x7b: {  	_ =	shalt  }
0x7c: {  	_ =	shalt  }
0x7d: {  	_ =	shalt  }
0x7e: {  	_ =	shalt  }
0x7f: {  	_ =	shalt  }
0x80: {  	_ =	shalt  }
0x81: {  	_ =	shalt  }
0x82: {  	_ =	shalt  }
0x83: {  	_ =	shalt  }
0x84: {  	_ =	shalt  }
0x85: {  	_ =	shalt  }
0x86: {  	_ =	shalt  }
0x87: {  	_ =	shalt  }
.Lfunc_end0:
.L_simem_size_0:
called_computation_lowered:
.L_overlay_start_0:
0x88: {  	s2 =	sld [smem:$0x3FD9]  }
0x89: {  	s3 =	sld [smem:$0x3FFE];
	_ =	sdelay $0x1  }
0x8a: {  	s1 =	srdreg.scid  }
0x8b: {  	s0 =	sand.u32 $0x1, s1  }
0x8c: {  	s16 =	sshll.u32 s0, $0xA;
	s2 =	sadd.s32 s3, s2  }
0x8d: {  	s2 =	sadd.s32 s2, s16  }
0x8e: {  	[smem:$0x3FBE] =	sst s2  }
0x8f: {  	_ = 	snop  }
0x90: {  	(tm) =	ssettm $0x1  }
0x91: {  	s17 =	sld [smem:$0x3FFB];
	_ =	sdelay $0x3  }
0x92: {  	_ =	strace s17  }
0x93: {  	s2 =	sld [smem:$0x3FFC];
	_ =	sdelay $0x3  }
0x94: {  	_ =	strace s2  }
0x95: {  	s2 =	sld [smem:$0x3FFD];
	_ =	sdelay $0x3  }
0x96: {  	_ =	strace s2  }
0x97: {  	_ =	strace $0x8FFFFFFF  }
0x98: {  	s18 =	sld [smem:$0x3FDB];
	_ =	sdelay $0x1  }
0x99: {  	s19 =	simm.s32 $_scs_section_size  }
0x9a: {  	s4 =	simm.s32 $_size__tile_overlayer_lowered;
	s5 =	simm.s32 $_tile_overlayer_lowered  }
0x9b: {  	s22 =	simm.s32 $0x1BFF;
	s21 =	sshll.u32 s5, $0x1;
	s2 =	sadd.s32 s19, s18  }
0x9c: {  	s6 =	simm.s32 $0x0;
	s20 =	sshll.u32 s4, $0x1;
	s4 =	sadd.s32 s21, s2  }
0x9d: {  	[timem:s6], [sflag:s22] =	dma.local [hbm:s4], s20  }
0x9e: {  	_ =	swait.ge [sflag:s22], s20  }
0x9f: {  	s3 =	ssub.s32 $0x0, s20;
	[sflag:s22] =	ssyncset.done $0x0  }
0xa0: {  	[sflag:s22] =	ssyncadd.s32 s3;
	_ =	sdelay $0x1  }
0xa1: {  	s23 =	simm.s32 $0x1B8B  }
0xa2: {  	_ =	swait.ge [sflag:s23], $0x1  }
0xa3: {  	[sflag:s23] =	ssyncset.done $0x0  }
0xa4: {  	s25 =	simm.s32 $0x1B8E;
	s24 =	sld [smem:$0x3FFE];
	[sflag:s23] =	ssyncadd.s32 $0xFFFFFFFF  }
0xa5: {  	s26 =	simm.s32 $execute0_lowered;
	[smem:$0x3FD2] =	sst s25  }
0xa6: {  	s4 =	sshll.u32 s26, $0x1;
	_ =	strace $0x80000046;
	[dreg:$0x1] =	wrdreg $0xFFFFFFFF  }
0xa7: {  	s28 =	simm.s32 $_size_execute0_lowered;
	s2 =	sadd.s32 s2, s4;
	[dreg:$0x0] =	wrdreg $0x0  }
0xa8: {  	s4 =	sshll.u32 s28, $0x1;
	[dreg:$0x2] =	wrdreg s2  }
0xa9: {  	[dreg:$0x3] =	wrdreg s4  }
0xaa: {  	[dreg:$0x4] =	wrdreg $0xC0  }
0xab: {  	_ =	task [dreg:s6], $0x5FFFF  }
0xac: {  	[dreg:$0x1] =	wrdreg $0xFFFFFFFF  }
0xad: {  	[dreg:$0x0] =	wrdreg $0x60  }
0xae: {  	[dreg:$0x2] =	wrdreg s24  }
0xaf: {  	[dreg:$0x3] =	wrdreg $0x0  }
0xb0: {  	[dreg:$0x4] =	wrdreg $0x9  }
0xb1: {  	_ =	task.clear_ibuf [dreg:s6], $0x5FFFF;
	_ =	strace $0x90000046  }
0xb2: {  	s29 =	simm.s32 $0x9;
	_ =	strace $0x80000048  }
0xb3: {  	_ =	swait.ge [sflag:s29], $0x1  }
0xb4: {  	[sflag:s29] =	ssyncadd.s32 $0xFFFFFFFF  }
0xb5: {  	_ =	strace $0x90000048  }
0xb6: {  	_ =	sfence  }
0xb7: {  	s30 =	sld [smem:$0x0];
	_ =	sdelay $0x2  }
0xb8: {  	s31 =	sshll.u32 s1, $0xD;
	s1 =	sshrl.u32 s1, $0x2  }
0xb9: {  	s3 =	sand.u32 $0x4000, s31;
	s1 =	sadd.s32 s1, s30  }
0xba: {  	s0 =	sor.u32 s3, s0;
	s1 =	sshll.u32 s1, $0x11  }
0xbb: {  	s0 =	sor.u32 s1, s0  }
0xbc: {  	s0 =	sadd.s32 $0x8F2B, s0  }
0xbd: {  	[sflag:s0] =	ssyncadd.remote.s32 $0x1  }
0xbe: {  	_ =	sfence.sel $0xFFFF  }
0xbf: {  	[dreg:$0x0] =	wrdreg $0xFFFFFFFF;
	(pc) =	sbr.abs _section_cstart, $3  }
0xc0: {  	[dreg:$0x1] =	wrdreg $0xFFFFFFFF  }
0xc1: {  	_ =	task.clear_ibuf [dreg:s6], $0x2FFFF;
	_ =	strace $0x9FFFFFFF  }
0xc2: {  	(tm) =	ssettm $0x7FFFFFFF  }
0xc3: {  	_ =	shalt  }
tec
execute0_lowered:
.L_overlay_start_1:
0x0: {  	(tag) =	ssettag $0x1  }
0x1: {  	s0 =	rddreg [dreg:$0x0]  }
0x2: {  	s1 =	rddreg [dreg:$0x1];
	s2 =	simm.s32 $0x0;
	s4 =	srdreg.scid  }
0x3: {  	s10 =	stileid.u32;
	s28 =	simm.s32 $0x1B400;
	s29 =	simm.s32 $0x80  }
0x4: {  	s30 =	simm.s32 $0x1AB80;
	s31 =	simm.s32 $0x1;
	[smem:$0x7FF] =	sst s2  }
0x5: {  	s3 =	sadd.s32 $0x76200, s0;
	s5 =	sadd.s32 $0xA2200, s0;
	s6 =	sadd.s32 $0xB1000, s0  }
0x6: {  	s7 =	sand.u32 $0x1, s4;
	s8 =	sadd.s32 $0xA7200, s0;
	s9 =	sadd.s32 $0x76000, s0  }
0x7: {  	s15 =	smul.u32 $0x16380, s10;
	s0 =	sadd.s32 $0xBAE00, s0;
	s10 =	sshll.u32 s10, $0x1  }
0x8: {  	_ =	strace $0x80000047;
	s4 =	ssub.s32 $0x2, s7;
	[dreg:$0x3] =	wrdreg s9  }
0x9: {  	s16 =	smul.u32 $0x163800, s7;
	s22 =	sshrl.u32 s4, $0x1;
	s11 =	sadd.s32 s15, s1  }
0xa: {  	s23 =	sadd.s32 $0x4800, s15;
	s17 =	sadd.s32 $0x9000, s15;
	s18 =	sadd.s32 $0xD800, s15  }
0xb: {  	s20 =	sadd.s32 $0x12000, s15;
	s4 =	ssub.s32 s4, s22;
	s12 =	sadd.s32 s23, s1  }
0xc: {  	s13 =	sadd.s32 s17, s1;
	s14 =	sadd.s32 s18, s1;
	s19 =	sadd.s32 s15, s16  }
0xd: {  	s9 =	sadd.s32 s16, s23;
	s15 =	sadd.s32 s20, s1;
	s24 =	sadd.s32 s16, s17  }
0xe: {  	s25 =	sadd.s32 s16, s18;
	s16 =	sadd.s32 s16, s20;
	s22 =	simm.s32 $0x16380  }
0xf: {  	s23 =	simm.s32 $0x3;
	s19 =	sshrl.u32 s19, $0x3;
	s9 =	sshrl.u32 s9, $0x3  }
.Ltmp0:
0x10: {  	s17 =	sshrl.u32 s25, $0x3;
	s26 =	sshrl.u32 s16, $0x3;
	(pc) =	sbr.rel .LBB2_1-.Ltmp0, $4  }
0x11: {  	v0 =	vimm.f32 $0.0e+00;
	s21 =	smax.u32 s4, $0x1;
	s25 =	simm.s32 $0x1B380;
	s19 =	sadd.s32 s0, s19  }
0x12: {  	vm0 =	vmmov $0xff;
	v1 =	vimm.s32 $0x0;
	v2 =	vimm.s32 $0x1;
	s9 =	sadd.s32 s0, s9;
	s20 =	sadd.s32 s0, s26;
	[dreg:$0x4] =	wrdreg s19  }
0x13: {  	v3 =	vimm.s32 $0x2;
	v4 =	vimm.s32 $0x3;
	v5 =	vimm.s32 $0x4;
	s26 =	simm.s32 $0x4;
	[dreg:$0x5] =	wrdreg s9;
	s9 =	sshrl.u32 s24, $0x3  }
0x14: {  	v6 =	vimm.s32 $0x5;
	v7 =	vimm.s32 $0x6;
	v8 =	vimm.s32 $0x7;
	s19 =	sadd.s32 s0, s17;
	s18 =	sadd.s32 s0, s9;
	s0 =	simm.s32 $0x2  }
.LBB2_9:
0x15: {  	s4 =	stileid.u32  }
0x16: {  	[bflag:$0x0] =	sbarrier.arrive $0xFFFF;
	s4 =	sshll.u32 s4, $0x6  }
0x17: {  	s9 =	sshrl.u32 s11, $0x3;
	s16 =	rddreg [dreg:$0x4];
	s4 =	sor.u32 $0x1C03, s4  }
0x18: {  	[hbm:s16], [sflag:s4] =	dma.local [spmem:s9], $0x900  }
0x19: {  	_ =	swait.ge [sflag:s23], $0x900  }
0x1a: {  	[sflag:s23] =	ssyncset.done $0x0  }
0x1b: {  	s17 =	sshrl.u32 s12, $0x3;
	s24 =	rddreg [dreg:$0x5];
	[sflag:s23] =	ssyncadd.s32 $0xFFFFF700  }
0x1c: {  	[hbm:s24], [sflag:s4] =	dma.local [spmem:s17], $0x900  }
0x1d: {  	_ =	swait.ge [sflag:s23], $0x900  }
0x1e: {  	[sflag:s23] =	ssyncset.done $0x0  }
0x1f: {  	s16 =	sshrl.u32 s13, $0x3;
	[sflag:s23] =	ssyncadd.s32 $0xFFFFF700  }
0x20: {  	[hbm:s18], [sflag:s4] =	dma.local [spmem:s16], $0x900  }
0x21: {  	_ =	swait.ge [sflag:s23], $0x900  }
0x22: {  	[sflag:s23] =	ssyncset.done $0x0  }
0x23: {  	s17 =	sshrl.u32 s14, $0x3;
	[sflag:s23] =	ssyncadd.s32 $0xFFFFF700  }
0x24: {  	[hbm:s19], [sflag:s4] =	dma.local [spmem:s17], $0x900  }
0x25: {  	s2 =	sadd.s32 $0x1, s2;
	_ =	swait.ge [sflag:s23], $0x900  }
0x26: {  	p0 =	sne.s32 s2, s21;
	[sflag:s23] =	ssyncset.done $0x0  }
.Ltmp1:
0x27: {  	s24 =	sshrl.u32 s15, $0x3;
	[sflag:s23] =	ssyncadd.s32 $0xFFFFF700;
	(pc) =	sbr.rel @!p0 .LBB2_10-.Ltmp1, $4  }
0x28: {  	[hbm:s20], [sflag:s4] =	dma.local [spmem:s24], $0x870  }
0x29: {  	_ =	swait.ge [sflag:s23], $0x870  }
0x2a: {  	[sflag:s23] =	ssyncset.done $0x0  }
0x2b: {  	[sflag:s23] =	ssyncadd.s32 $0xFFFFF790  }
.LBB2_1:
0x2c: {  	s4 =	simm.s32 $0x0;
	s9 =	simm.s32 $0x240  }
.LBB2_2:
0x2d: {  	p0 =	sne.s32 s9, $0x11DC0;
	[tilespmem:s4+$0x16400] =	vst v0  }
0x2e: {  	[tilespmem:s4+$0x16380] =	vst v0  }
0x2f: {  	[tilespmem:s4+$0x16390] =	vst v0  }
0x30: {  	[tilespmem:s4+$0x163A0] =	vst v0  }
.Ltmp2:
0x31: {  	[tilespmem:s4+$0x163B0] =	vst v0;
	(pc) =	sbr.rel @p0 .LBB2_2-.Ltmp2, $4  }
0x32: {  	[tilespmem:s4+$0x163C0] =	vst v0  }
0x33: {  	[tilespmem:s4+$0x163D0] =	vst v0  }
0x34: {  	[tilespmem:s4+$0x163E0] =	vst v0  }
0x35: {  	[tilespmem:s4+$0x163F0] =	vst v0;
	s4 =	sshra.s32 s9, $0x2;
	s9 =	sadd.s32 $0x240, s9  }
0x36: {  	[tilespmem:s4+$0x16400] =	vst v0  }
0x37: {  	[tilespmem:s4+$0x16380] =	vst v0  }
0x38: {  	[tilespmem:s4+$0x16390] =	vst v0  }
0x39: {  	[tilespmem:s4+$0x163A0] =	vst v0  }
0x3a: {  	[tilespmem:s4+$0x163B0] =	vst v0  }
0x3b: {  	[tilespmem:s4+$0x163C0] =	vst v0  }
0x3c: {  	[tilespmem:s4+$0x163D0] =	vst v0  }
0x3d: {  	[tilespmem:s4+$0x163E0] =	vst v0  }
0x3e: {  	[tilespmem:s4+$0x163F0] =	vst v0  }
0x3f: {  	[spmem:s11] =	stream.linear.scatter [tilespmem:s22], [sflag:$0x3], $0x4800, $0x38;
	[tilespmem:$0x1B490] =	vst v63  }
0x40: {  	_ =	swait.ge [sflag:s23], $0x4800  }
0x41: {  	[sflag:s23] =	ssyncset.done $0x0  }
0x42: {  	[sflag:s23] =	ssyncadd.s32 $0xFFFFB800  }
0x43: {  	[spmem:s12] =	stream.linear.scatter [tilespmem:s22], [sflag:$0x3], $0x4800, $0x38;
	[tilespmem:$0x1B490] =	vst v63  }
0x44: {  	_ =	swait.ge [sflag:s23], $0x4800  }
0x45: {  	[sflag:s23] =	ssyncset.done $0x0  }
0x46: {  	[sflag:s23] =	ssyncadd.s32 $0xFFFFB800  }
0x47: {  	[spmem:s13] =	stream.linear.scatter [tilespmem:s22], [sflag:$0x3], $0x4800, $0x38;
	[tilespmem:$0x1B490] =	vst v63  }
0x48: {  	_ =	swait.ge [sflag:s23], $0x4800  }
0x49: {  	[sflag:s23] =	ssyncset.done $0x0  }
0x4a: {  	[sflag:s23] =	ssyncadd.s32 $0xFFFFB800  }
0x4b: {  	[spmem:s14] =	stream.linear.scatter [tilespmem:s22], [sflag:$0x3], $0x4800, $0x38;
	[tilespmem:$0x1B490] =	vst v63  }
0x4c: {  	_ =	swait.ge [sflag:s23], $0x4800  }
0x4d: {  	[sflag:s23] =	ssyncset.done $0x0  }
0x4e: {  	[sflag:s23] =	ssyncadd.s32 $0xFFFFB800  }
0x4f: {  	[spmem:s15] =	stream.linear.scatter [tilespmem:s22], [sflag:$0x3], $0x4380, $0x38;
	[tilespmem:$0x1B490] =	vst v63  }
0x50: {  	_ =	swait.ge [sflag:s23], $0x4380  }
0x51: {  	[sflag:s23] =	ssyncset.done $0x0  }
0x52: {  	[sflag:s23] =	ssyncadd.s32 $0xFFFFBC80  }
0x53: {  	[bflag:$0x0] =	sbarrier.arrive $0xFFFF  }
0x54: {  	s24 =	simm.s32 $0x0;
	s9 =	simm.s32 $0x1B480;
	s17 =	rddreg [dreg:$0x3]  }
0x55: {  	[tilespmem:s9], [sflag:$0x3] =	stream.linear.gather [hbm4b:s17+s24], $0x10, $0x38;
	[tilespmem:$0x1B490] =	vst v63  }
.Ltmp3:
0x56: {  	_ = 	snop;
	(pc) =	sbr.rel .LBB2_4-.Ltmp3, $4  }
0x57: {  	_ =	swait.ge [sflag:s23], $0x10  }
0x58: {  	[sflag:s23] =	ssyncset.done $0x0  }
0x59: {  	[sflag:s23] =	ssyncadd.s32 $0xFFFFFFF0  }
0x5a: {  	v9 =	vld [tilespmem:$0x1B480]  }
.LBB2_8:
0x5b: {  	s24 =	sadd.s32 $0x1, s24  }
0x5c: {  	p0 =	sne.s32 s24, $0x4F  }
.Ltmp4:
0x5d: {  	_ = 	snop;
	(pc) =	sbr.rel @!p0 .LBB2_9-.Ltmp4, $1  }
0x5e: {  	_ =	sdelay $0x3  }
.LBB2_4:
0x5f: {  	s4 =	sshll.u32 s24, $0x5  }
0x60: {  	s4 =	sor.u32 s10, s4  }
0x61: {  	p0 =	sgt.u32 s4, $0x9C3  }
.Ltmp5:
0x62: {  	_ = 	snop;
	(pc) =	sbr.rel @p0 .LBB2_8-.Ltmp5, $1  }
0x63: {  	_ =	sdelay $0x3  }
0x64: {  	s4 =	sor.u32 s7, s4  }
0x65: {  	s4 =	sshll.u32 s4, $0x4  }
0x66: {  	s16 =	simm.s32 $0x0;
	s9 =	sadd.s32 s6, s4  }
0x67: {  	[tilespmem:s25], [sflag:$0x4] =	stream.linear.gather [hbm4b:s9+s16], $0x80, $0x38;
	[tilespmem:$0x1B490] =	vst v63  }
0x68: {  	_ =	swait.ge [sflag:s26], $0x80  }
0x69: {  	[sflag:s26] =	ssyncset.done $0x0  }
0x6a: {  	s4 =	sadd.s32 s8, s4;
	[sflag:s26] =	ssyncadd.s32 $0xFFFFFF80  }
0x6b: {  	[tilespmem:s28], [sflag:$0x4] =	stream.linear.gather [hbm4b:s4+s16], $0x80, $0x38;
	[tilespmem:$0x1B490] =	vst v63  }
0x6c: {  	_ =	swait.ge [sflag:s26], $0x80  }
0x6d: {  	[sflag:s26] =	ssyncset.done $0x0  }
0x6e: {  	[sflag:s26] =	ssyncadd.s32 $0xFFFFFF80  }
0x6f: {  	[tilespmem:s22], [sflag:$0x1] =	stream.indirect.gather [hbm4b:s3+s29], $0x90, s25, s29, $0xb8;
	[tilespmem:$0x1B490] =	vst v63  }
0x70: {  	_ = 	snop  }
0x71: {  	[tilespmem:s30], [sflag:$0x2] =	stream.indirect.gather [hbm4b:s5+s29], $0x10, s28, s29, $0xb8;
	[tilespmem:$0x1B490] =	vst v63  }
0x72: {  	_ =	swait.ge [sflag:s31], $0x4800  }
0x73: {  	[sflag:s31] =	ssyncset.done $0x0  }
0x74: {  	[sflag:s31] =	ssyncadd.s32 $0xFFFFB800  }
0x75: {  	_ =	swait.ge [sflag:s0], $0x800  }
0x76: {  	[sflag:s0] =	ssyncset.done $0x0  }
0x77: {  	s4 =	simm.s32 $0x164A0;
	[sflag:s0] =	ssyncadd.s32 $0xFFFFF800  }
0x78: {  	s17 =	simm.s32 $0x0;
	s9 =	simm.s32 $0x164A0;
	s16 =	simm.s32 $0x100;
	v10 =	vld [tilespmem:s4+$0xFFFFFEE0]  }
.LBB2_6:
0x79: {  	p0 =	sne.s32 s16, $0x1F00;
	v11 =	vld [tilespmem:s17+$0x1AB80];
	_ =	sdelay $0x4  }
0x7a: {  	v10 =	vadd.f32 v11, v10;
	_ =	sdelay $0x1  }
0x7b: {  	v11 =	vmul.f32 $2.000000030e-01, v10;
	_ =	sdelay $0x1  }
0x7c: {  	v10 =	vmax.f32 v10, v11  }
0x7d: {  	v10 =	vsub.f32 v10, v9;
	_ =	sdelay $0x1  }
0x7e: {  	v10 =	vmul.f32 $1.442695020e+00, v10;
	_ =	sdelay $0x1  }
0x7f: {  	(erf) = vpow2.f32 v10;
	_ =	sdelay $0x3  }
0x80: {  	v14 =	vld [tilespmem:s4+$0xFFFFFF60]  }
0x81: {  	v15 =	vld [tilespmem:s4+$0xFFFFFF40]  }
0x82: {  	v11 =	vld [tilespmem:s4+$0xFFFFFF20]  }
0x83: {  	v10 =	vld [tilespmem:s4+$0xFFFFFF00]  }
0x84: {  	v12 =	vld [tilespmem:s4+$0xFFFFFEF0]  }
0x85: {  	v13 =	vld [tilespmem:s4+$0xFFFFFF10];
	v16 =	vpop (erf)  }
0x86: {  	v16 =	vnsel vm0, $0x0, v16;
	v17 =	vld [tilespmem:s4+$0xFFFFFF30]  }
0x87: {  	[tilespmem:s4+$0xFFFFFEE0] =	vst v16;
	v18 =	vld [tilespmem:s4+$0xFFFFFF70];
	v19 =	vperm.xlane v16, v1;
	v20 =	vperm.xlane v16, v2  }
0x88: {  	v22 =	vperm.xlane v16, v3;
	v23 =	vperm.xlane v16, v4;
	v21 =	vld [tilespmem:s17+$0x1AB90]  }
0x89: {  	v12 =	vmul.f32 v12, v19;
	v10 =	vmul.f32 v10, v20;
	v19 =	vld [tilespmem:s4+$0xFFFFFF50]  }
0x8a: {  	v11 =	vmul.f32 v11, v23;
	v13 =	vmul.f32 v13, v22  }
0x8b: {  	v20 =	vperm.xlane v16, v5;
	v22 =	vperm.xlane v16, v6  }
0x8c: {  	v24 =	vperm.xlane v16, v8;
	v23 =	vperm.xlane v16, v7  }
0x8d: {  	v17 =	vmul.f32 v17, v20;
	v16 =	vmul.f32 v15, v22;
	v18 =	vadd.f32 v21, v18  }
0x8e: {  	v14 =	vmul.f32 v14, v24;
	v15 =	vmul.f32 v19, v23  }
0x8f: {  	v19 =	vmul.f32 $2.000000030e-01, v18;
	_ =	sdelay $0x1  }
0x90: {  	v18 =	vmax.f32 v18, v19  }
0x91: {  	v18 =	vsub.f32 v18, v9;
	_ =	sdelay $0x1  }
0x92: {  	v18 =	vmul.f32 $1.442695020e+00, v18;
	_ =	sdelay $0x1  }
0x93: {  	(erf) = vpow2.f32 v18;
	_ =	sdelay $0x3  }
0x94: {  	v18 =	vld [tilespmem:s4+$0xFFFFFFF0]  }
0x95: {  	v19 =	vld [tilespmem:s4+$0xFFFFFFD0]  }
0x96: {  	v20 =	vld [tilespmem:s4+$0xFFFFFFB0]  }
0x97: {  	v21 =	vld [tilespmem:s4+$0xFFFFFF90]  }
0x98: {  	v22 =	vld [tilespmem:s4+$0xFFFFFF80]  }
0x99: {  	v23 =	vld [tilespmem:s4+$0xFFFFFFA0];
	v24 =	vpop (erf)  }
0x9a: {  	v24 =	vnsel vm0, $0x0, v24;
	v25 =	vld [tilespmem:s4+$0xFFFFFFC0]  }
0x9b: {  	[tilespmem:s4+$0xFFFFFF70] =	vst v24;
	v26 =	vld [tilespmem:s4+$0x0];
	v27 =	vperm.xlane v24, v1;
	v28 =	vperm.xlane v24, v2  }
0x9c: {  	v30 =	vperm.xlane v24, v3;
	v31 =	vperm.xlane v24, v4;
	v29 =	vld [tilespmem:s17+$0x1ABA0]  }
0x9d: {  	v22 =	vmul.f32 v22, v27;
	v21 =	vmul.f32 v21, v28;
	v27 =	vld [tilespmem:s4+$0xFFFFFFE0]  }
0x9e: {  	v20 =	vmul.f32 v20, v31;
	v23 =	vmul.f32 v23, v30  }
0x9f: {  	v28 =	vperm.xlane v24, v5;
	v30 =	vperm.xlane v24, v6  }
0xa0: {  	v31 =	vperm.xlane v24, v7;
	v24 =	vperm.xlane v24, v8  }
0xa1: {  	v25 =	vmul.f32 v25, v28;
	v19 =	vmul.f32 v19, v30;
	v26 =	vadd.f32 v29, v26  }
0xa2: {  	v18 =	vmul.f32 v18, v24;
	v27 =	vmul.f32 v27, v31  }
0xa3: {  	v24 =	vmul.f32 $2.000000030e-01, v26;
	_ =	sdelay $0x1  }
0xa4: {  	v24 =	vmax.f32 v26, v24  }
0xa5: {  	v24 =	vsub.f32 v24, v9;
	_ =	sdelay $0x1  }
0xa6: {  	v24 =	vmul.f32 $1.442695020e+00, v24;
	_ =	sdelay $0x1  }
0xa7: {  	(erf) = vpow2.f32 v24;
	_ =	sdelay $0x3  }
0xa8: {  	v24 =	vld [tilespmem:s4+$0x80]  }
0xa9: {  	v26 =	vld [tilespmem:s4+$0x60]  }
0xaa: {  	v28 =	vld [tilespmem:s4+$0x40]  }
0xab: {  	v29 =	vld [tilespmem:s4+$0x20]  }
0xac: {  	v30 =	vld [tilespmem:s4+$0x10]  }
0xad: {  	v31 =	vld [tilespmem:s4+$0x30];
	v32 =	vpop (erf)  }
0xae: {  	v32 =	vnsel vm0, $0x0, v32;
	v33 =	vld [tilespmem:s4+$0x50]  }
0xaf: {  	[tilespmem:s4+$0x0] =	vst v32;
	v34 =	vld [tilespmem:s4+$0x90];
	v35 =	vperm.xlane v32, v1;
	v36 =	vperm.xlane v32, v2  }
0xb0: {  	v38 =	vperm.xlane v32, v4;
	v37 =	vld [tilespmem:s17+$0x1ABB0];
	[tilespmem:s4+$0xFFFFFF80] =	vst v22;
	v22 =	vperm.xlane v32, v3  }
0xb1: {  	[tilespmem:s4+$0xFFFFFF90] =	vst v21;
	v21 =	vmul.f32 v30, v35;
	v29 =	vmul.f32 v29, v36;
	v30 =	vld [tilespmem:s4+$0x70]  }
0xb2: {  	[tilespmem:s4+$0xFFFFFFA0] =	vst v23;
	v22 =	vmul.f32 v31, v22;
	v23 =	vmul.f32 v28, v38  }
0xb3: {  	v28 =	vperm.xlane v32, v6;
	[tilespmem:s4+$0xFFFFFFB0] =	vst v20;
	v20 =	vperm.xlane v32, v5  }
0xb4: {  	v31 =	vperm.xlane v32, v8;
	[tilespmem:s4+$0xFFFFFFC0] =	vst v25;
	v25 =	vperm.xlane v32, v7  }
0xb5: {  	v32 =	vadd.f32 v37, v34;
	[tilespmem:s4+$0xFFFFFFD0] =	vst v19;
	v19 =	vmul.f32 v33, v20;
	v20 =	vmul.f32 v26, v28  }
0xb6: {  	v24 =	vmul.f32 v24, v31;
	[tilespmem:s4+$0xFFFFFFE0] =	vst v27;
	v25 =	vmul.f32 v30, v25  }
0xb7: {  	v26 =	vmul.f32 $2.000000030e-01, v32;
	[tilespmem:s4+$0xFFFFFFF0] =	vst v18  }
0xb8: {  	[tilespmem:s4+$0x10] =	vst v21  }
0xb9: {  	v18 =	vmax.f32 v32, v26;
	[tilespmem:s4+$0x20] =	vst v29  }
0xba: {  	v18 =	vsub.f32 v18, v9;
	[tilespmem:s4+$0x30] =	vst v22  }
0xbb: {  	[tilespmem:s4+$0x40] =	vst v23  }
0xbc: {  	v18 =	vmul.f32 $1.442695020e+00, v18;
	[tilespmem:s4+$0x50] =	vst v19  }
0xbd: {  	[tilespmem:s4+$0x60] =	vst v20  }
0xbe: {  	[tilespmem:s4+$0x70] =	vst v25;
	(erf) = vpow2.f32 v18  }
0xbf: {  	[tilespmem:s4+$0x80] =	vst v24  }
0xc0: {  	[tilespmem:s4+$0xFFFFFEF0] =	vst v12  }
0xc1: {  	[tilespmem:s4+$0xFFFFFF00] =	vst v10  }
0xc2: {  	[tilespmem:s4+$0xFFFFFF10] =	vst v13  }
0xc3: {  	[tilespmem:s4+$0xFFFFFF20] =	vst v11  }
0xc4: {  	[tilespmem:s4+$0xFFFFFF30] =	vst v17;
	v10 =	vld [tilespmem:s4+$0xD0]  }
0xc5: {  	[tilespmem:s4+$0xFFFFFF40] =	vst v16;
	v11 =	vld [tilespmem:s4+$0xB0]  }
0xc6: {  	[tilespmem:s4+$0xFFFFFF50] =	vst v15;
	v12 =	vld [tilespmem:s4+$0xA0]  }
0xc7: {  	[tilespmem:s4+$0xFFFFFF60] =	vst v14;
	v13 =	vld [tilespmem:s4+$0xC0];
	v14 =	vpop (erf)  }
0xc8: {  	v14 =	vnsel vm0, $0x0, v14;
	v15 =	vld [tilespmem:s4+$0x110]  }
0xc9: {  	[tilespmem:s4+$0x90] =	vst v14;
	v16 =	vperm.xlane v14, v1;
	v17 =	vperm.xlane v14, v2;
	v18 =	vld [tilespmem:s4+$0xF0]  }
0xca: {  	v19 =	vperm.xlane v14, v3;
	v20 =	vperm.xlane v14, v4;
	v21 =	vld [tilespmem:s4+$0xE0]  }
0xcb: {  	v12 =	vmul.f32 v12, v16;
	v11 =	vmul.f32 v11, v17;
	v16 =	vld [tilespmem:s4+$0x100]  }
0xcc: {  	v10 =	vmul.f32 v10, v20;
	v13 =	vmul.f32 v13, v19  }
0xcd: {  	v17 =	vperm.xlane v14, v6;
	[tilespmem:s4+$0xA0] =	vst v12;
	v12 =	vperm.xlane v14, v5  }
0xce: {  	[tilespmem:s4+$0xB0] =	vst v11;
	v11 =	vperm.xlane v14, v7;
	v14 =	vperm.xlane v14, v8  }
0xcf: {  	[tilespmem:s4+$0xC0] =	vst v13;
	v12 =	vmul.f32 v21, v12;
	v13 =	vmul.f32 v18, v17  }
.Ltmp6:
0xd0: {  	[tilespmem:s4+$0xD0] =	vst v10;
	v10 =	vmul.f32 v16, v11;
	v11 =	vmul.f32 v15, v14;
	(pc) =	sbr.rel @p0 .LBB2_6-.Ltmp6, $4  }
0xd1: {  	[tilespmem:s4+$0xE0] =	vst v12  }
0xd2: {  	[tilespmem:s4+$0xF0] =	vst v13  }
0xd3: {  	s4 =	sadd.s32 $0x240, s4;
	[tilespmem:s9+$0x100] =	vst v10  }
0xd4: {  	s17 =	sshra.s32 s16, $0x2;
	s16 =	sadd.s32 $0x100, s16;
	v10 =	vld [tilespmem:s4+$0xFFFFFEE0];
	[tilespmem:s9+$0x110] =	vst v11;
	s9 =	smov.u32 s4  }
0xd5: {  	v11 =	vld [tilespmem:s17+$0x1AB80];
	_ =	sdelay $0x4  }
0xd6: {  	v10 =	vadd.f32 v11, v10;
	_ =	sdelay $0x1  }
0xd7: {  	v11 =	vmul.f32 $2.000000030e-01, v10;
	_ =	sdelay $0x1  }
0xd8: {  	v10 =	vmax.f32 v10, v11  }
0xd9: {  	v10 =	vsub.f32 v10, v9;
	_ =	sdelay $0x1  }
0xda: {  	v10 =	vmul.f32 $1.442695020e+00, v10;
	_ =	sdelay $0x1  }
0xdb: {  	(erf) = vpow2.f32 v10;
	_ =	sdelay $0x8  }
0xdc: {  	v12 =	vpop (erf)  }
0xdd: {  	v12 =	vnsel vm0, $0x0, v12  }
0xde: {  	v14 =	vld [tilespmem:s4+$0xFFFFFF70];
	[tilespmem:s4+$0xFFFFFEE0] =	vst v12  }
0xdf: {  	v15 =	vld [tilespmem:s17+$0x1AB90];
	_ =	sdelay $0x4  }
0xe0: {  	v14 =	vadd.f32 v15, v14;
	_ =	sdelay $0x1  }
0xe1: {  	v15 =	vmul.f32 $2.000000030e-01, v14;
	_ =	sdelay $0x1  }
0xe2: {  	v14 =	vmax.f32 v14, v15  }
0xe3: {  	v14 =	vsub.f32 v14, v9;
	_ =	sdelay $0x1  }
0xe4: {  	v14 =	vmul.f32 $1.442695020e+00, v14;
	_ =	sdelay $0x1  }
0xe5: {  	(erf) = vpow2.f32 v14;
	_ =	sdelay $0x8  }
0xe6: {  	v19 =	vpop (erf)  }
0xe7: {  	v19 =	vnsel vm0, $0x0, v19  }
0xe8: {  	v21 =	vld [tilespmem:s4+$0x0];
	[tilespmem:s4+$0xFFFFFF70] =	vst v19  }
0xe9: {  	v22 =	vld [tilespmem:s17+$0x1ABA0];
	_ =	sdelay $0x4  }
0xea: {  	v21 =	vadd.f32 v22, v21;
	_ =	sdelay $0x1  }
0xeb: {  	v22 =	vmul.f32 $2.000000030e-01, v21;
	_ =	sdelay $0x1  }
0xec: {  	v21 =	vmax.f32 v21, v22  }
0xed: {  	v21 =	vsub.f32 v21, v9;
	_ =	sdelay $0x1  }
0xee: {  	v21 =	vmul.f32 $1.442695020e+00, v21;
	_ =	sdelay $0x1  }
0xef: {  	(erf) = vpow2.f32 v21;
	_ =	sdelay $0x5  }
0xf0: {  	v17 =	vld [tilespmem:s4+$0xFFFFFF90]  }
0xf1: {  	v18 =	vld [tilespmem:s4+$0xFFFFFF80]  }
0xf2: {  	v20 =	vld [tilespmem:s4+$0xFFFFFFA0]  }
0xf3: {  	v49 =	vld [tilespmem:s4+$0xFFFFFFD0];
	v28 =	vpop (erf)  }
0xf4: {  	v23 =	vld [tilespmem:s4+$0xFFFFFFB0];
	v28 =	vnsel vm0, $0x0, v28  }
0xf5: {  	v31 =	vld [tilespmem:s4+$0x90];
	v43 =	vperm.xlane v12, v1;
	v45 =	vperm.xlane v12, v2;
	[tilespmem:s4+$0x0] =	vst v28  }
0xf6: {  	v46 =	vperm.xlane v12, v3;
	v30 =	vperm.xlane v19, v1;
	v34 =	vld [tilespmem:s17+$0x1ABB0]  }
0xf7: {  	v24 =	vld [tilespmem:s4+$0xFFFFFFC0];
	v47 =	vperm.xlane v12, v4;
	v32 =	vperm.xlane v19, v2  }
0xf8: {  	v25 =	vld [tilespmem:s4+$0xFFFFFFE0];
	v33 =	vperm.xlane v19, v3;
	v18 =	vmul.f32 v18, v30  }
0xf9: {  	v11 =	vld [tilespmem:s4+$0xFFFFFEF0];
	v35 =	vperm.xlane v19, v4;
	v17 =	vmul.f32 v17, v32  }
0xfa: {  	v10 =	vld [tilespmem:s4+$0xFFFFFF00];
	v50 =	vperm.xlane v19, v5;
	v20 =	vmul.f32 v20, v33;
	[tilespmem:s4+$0xFFFFFF80] =	vst v18  }
0xfb: {  	v13 =	vld [tilespmem:s4+$0xFFFFFF10];
	v51 =	vperm.xlane v19, v6;
	v23 =	vmul.f32 v23, v35;
	[tilespmem:s4+$0xFFFFFF90] =	vst v17;
	v55 =	vadd.f32 v34, v31  }
0xfc: {  	v15 =	vld [tilespmem:s4+$0xFFFFFF40];
	v52 =	vperm.xlane v19, v7;
	v54 =	vmul.f32 v24, v50;
	[tilespmem:s4+$0xFFFFFFA0] =	vst v20  }
0xfd: {  	v22 =	vmul.f32 v49, v51;
	[tilespmem:s4+$0xFFFFFFB0] =	vst v23;
	v58 =	vmul.f32 $2.000000030e-01, v55  }
0xfe: {  	v48 =	vld [tilespmem:s4+$0xFFFFFFF0];
	v11 =	vmul.f32 v11, v43;
	v56 =	vmul.f32 v25, v52;
	[tilespmem:s4+$0xFFFFFFC0] =	vst v54  }
0xff: {  	v42 =	vld [tilespmem:s4+$0xFFFFFF20];
	v10 =	vmul.f32 v10, v45;
	v49 =	vperm.xlane v12, v6;
	[tilespmem:s4+$0xFFFFFFD0] =	vst v22;
	v17 =	vmax.f32 v55, v58  }
0x100: {  	v27 =	vld [tilespmem:s4+$0x10];
	v13 =	vmul.f32 v13, v46;
	v53 =	vperm.xlane v19, v8;
	[tilespmem:s4+$0xFFFFFFE0] =	vst v56;
	v17 =	vsub.f32 v17, v9  }
0x101: {  	v29 =	vld [tilespmem:s4+$0x30];
	v15 =	vmul.f32 v15, v49;
	v59 =	vperm.xlane v28, v1;
	[tilespmem:s4+$0xFFFFFEF0] =	vst v11  }
0x102: {  	v57 =	vld [tilespmem:s4+$0x40];
	v62 =	vperm.xlane v28, v3;
	[tilespmem:s4+$0xFFFFFF00] =	vst v10;
	v17 =	vmul.f32 $1.442695020e+00, v17  }
0x103: {  	v61 =	vld [tilespmem:s4+$0x50];
	v63 =	vperm.xlane v28, v4;
	v18 =	vmul.f32 v48, v53;
	[tilespmem:s4+$0xFFFFFF10] =	vst v13  }
0x104: {  	v33 =	vld [tilespmem:s4+$0x60];
	v11 =	vmul.f32 v42, v47;
	[tilespmem:s4+$0xFFFFFF40] =	vst v15;
	(erf) = vpow2.f32 v17  }
0x105: {  	v35 =	vld [tilespmem:s4+$0x70];
	v38 =	vperm.xlane v28, v5;
	v21 =	vmul.f32 v27, v59;
	[tilespmem:s4+$0xFFFFFFF0] =	vst v18  }
0x106: {  	v16 =	vld [tilespmem:s4+$0xFFFFFF50];
	v39 =	vperm.xlane v28, v6;
	v36 =	vmul.f32 v29, v62;
	[tilespmem:s4+$0xFFFFFF20] =	vst v11  }
0x107: {  	v14 =	vld [tilespmem:s4+$0xFFFFFF60];
	v40 =	vperm.xlane v28, v7;
	v25 =	vmul.f32 v57, v63;
	[tilespmem:s4+$0x10] =	vst v21  }
0x108: {  	v37 =	vld [tilespmem:s4+$0x80];
	v48 =	vperm.xlane v12, v5;
	v19 =	vmul.f32 v61, v38;
	[tilespmem:s4+$0x30] =	vst v36  }
0x109: {  	v26 =	vld [tilespmem:s4+$0x20];
	v10 =	vperm.xlane v12, v7;
	v20 =	vmul.f32 v33, v39;
	[tilespmem:s4+$0x40] =	vst v25  }
0x10a: {  	v44 =	vld [tilespmem:s4+$0xFFFFFF30];
	v12 =	vperm.xlane v12, v8;
	v23 =	vmul.f32 v35, v40;
	[tilespmem:s4+$0x50] =	vst v19  }
0x10b: {  	v41 =	vperm.xlane v28, v8;
	v10 =	vmul.f32 v16, v10;
	[tilespmem:s4+$0x60] =	vst v20  }
0x10c: {  	v50 =	vld [tilespmem:s4+$0xA0];
	v60 =	vperm.xlane v28, v2;
	v12 =	vmul.f32 v14, v12;
	[tilespmem:s4+$0x70] =	vst v23  }
0x10d: {  	v11 =	vld [tilespmem:s4+$0xB0];
	[tilespmem:s4+$0xFFFFFF50] =	vst v10;
	v17 =	vmul.f32 v37, v41;
	v51 =	vpop (erf)  }
0x10e: {  	v52 =	vld [tilespmem:s4+$0xC0];
	[tilespmem:s4+$0xFFFFFF60] =	vst v12;
	v34 =	vmul.f32 v26, v60;
	v53 =	vnsel vm0, $0x0, v51  }
0x10f: {  	v54 =	vld [tilespmem:s4+$0xD0];
	[tilespmem:s4+$0x80] =	vst v17;
	v17 =	vmul.f32 v44, v48;
	v55 =	vperm.xlane v53, v1  }
0x110: {  	v57 =	vld [tilespmem:s4+$0xF0];
	[tilespmem:s4+$0x20] =	vst v34;
	v10 =	vperm.xlane v53, v2  }
0x111: {  	v56 =	vld [tilespmem:s4+$0xE0];
	[tilespmem:s4+$0xFFFFFF30] =	vst v17;
	v58 =	vperm.xlane v53, v3;
	v13 =	vmul.f32 v50, v55  }
0x112: {  	[tilespmem:s4+$0x90] =	vst v53;
	v59 =	vperm.xlane v53, v4;
	v10 =	vmul.f32 v11, v10;
	v11 =	vld [tilespmem:s4+$0x100]  }
0x113: {  	v60 =	vld [tilespmem:s4+$0x110];
	v62 =	vperm.xlane v53, v6;
	v16 =	vmul.f32 v52, v58;
	[tilespmem:s4+$0xA0] =	vst v13  }
0x114: {  	v61 =	vperm.xlane v53, v5;
	v14 =	vmul.f32 v54, v59;
	[tilespmem:s4+$0xB0] =	vst v10  }
0x115: {  	v12 =	vmul.f32 v57, v62;
	v10 =	vperm.xlane v53, v7;
	[tilespmem:s4+$0xC0] =	vst v16  }
0x116: {  	v63 =	vperm.xlane v53, v8;
	v13 =	vmul.f32 v56, v61;
	[tilespmem:s4+$0xD0] =	vst v14  }
0x117: {  	[tilespmem:s4+$0xF0] =	vst v12;
	v10 =	vmul.f32 v11, v10  }
0x118: {  	[tilespmem:s4+$0xE0] =	vst v13;
	v11 =	vmul.f32 v60, v63  }
0x119: {  	[tilespmem:s9+$0x100] =	vst v10  }
.Ltmp7:
0x11a: {  	[tilespmem:s9+$0x110] =	vst v11;
	(pc) =	sbr.rel .LBB2_8-.Ltmp7, $4  }
0x11b: {  	[spmem:s1] =	stream.indirect.scatter.add.f32 [tilespmem:s22], [sflag:$0x3], $0x90, s28, s29, $0xb8;
	[tilespmem:$0x1B490] =	vst v63  }
0x11c: {  	_ =	swait.ge [sflag:s23], $0x4800  }
0x11d: {  	[sflag:s23] =	ssyncset.done $0x0  }
0x11e: {  	[sflag:s23] =	ssyncadd.s32 $0xFFFFB800  }
.LBB2_10:
0x11f: {  	_ =	sfence.sel $0x180000  }
0x120: {  	[bflag:$0x0] =	sbarrier.arrive $0xFFFF  }
0x121: {  	_ =	strace $0x90000047  }
0x122: {  	s0 =	stileid.u32;
	[bflag:$0x2] =	sbarrier.arrive $0xFFFF  }
0x123: {  	p0 =	sne.s32 s0, $0x0;
	s0 =	rddreg [dreg:$0x2]  }
0x124: {  	s0 =	sadd.s32 @!p0 $0x100000, s0  }
0x125: {  	[sflag:s0] =	ssyncadd.tile.s32 @!p0 $0x1;
	_ =	shalt  }
.Lfunc_end2:
_tile_overlayer_lowered:
.L_overlay_start_2:
0x126: {  	(tag) =	ssettag $0x2  }
0x127: {  	s0 =	rddreg [dreg:$0x0];
	s2 =	stileid.u32  }
0x128: {  	s1 =	rddreg [dreg:$0x1];
	p0 =	sne.s32 s2, $0x0  }
0x129: {  	s3 =	rddreg [dreg:$0x2];
	[bflag:$0x3] =	sbarrier.arrive $0xFFFF;
	s2 =	simm.s32 @!p0 $0x1C03  }
0x12a: {  	[timem:s3], [sflag:s2] =	dma.local @!p0 [hbm:s0], s1  }
0x12b: {  	s0 =	simm.s32 @!p0 $0x3  }
0x12c: {  	_ =	swait.ge @!p0 [sflag:s0], s1  }
0x12d: {  	s1 =	ssub.s32 @!p0 $0x0, s1;
	[sflag:s0] =	ssyncset.done @!p0 $0x0  }
0x12e: {  	[sflag:s0] =	ssyncadd.s32 @!p0 s1  }
0x12f: {  	[bflag:$0x3] =	sbarrier.arrive $0xFFFF  }
0x130: {  	_ =	shalt  }

</sc_bundles>
